<compile_context>
chip_gen: v7x
topology: tpu7x:2x2x1
jax: 0.10.2.dev20260603
libtpu: 0.0.44.dev20260713+nightly
codegen_flags: <defaults>
</compile_context>

<pallas_src>
import jax
import jax.numpy as jnp
from jax import lax
from jax.experimental import pallas as pl
from jax.experimental.pallas import tpu as pltpu
from jax.experimental.pallas import tpu_sc as plsc

_BATCH = 16384
_NW = 32
_CHUNK = _BATCH // _NW
_GSZ = 128
_NG = _CHUNK // _GSZ
_GROUPROWS = _GSZ // 16
_CSTRIDE = 125000


def _rsqrt(x):
    i = plsc.bitcast(x, jnp.int32)
    i = jnp.int32(0x5F3759DF) - lax.shift_right_logical(i, 1)
    y = plsc.bitcast(i, jnp.float32)
    for _ in range(3):
        y = y * (jnp.float32(1.5) - jnp.float32(0.5) * x * y * y)
    return y


def _sc_pose_kernel(idx_hbm, s6_hbm, s2_hbm, r9_hbm, t_hbm, *scratch):
    idx_v = scratch[0]
    jrow_refs = scratch[1:9]
    rows_refs = scratch[9:17]
    r9_v, t2_v, sem = scratch[17], scratch[18], scratch[19]

    wid = lax.axis_index("s") * 2 + lax.axis_index("c")
    base = wid * _CHUNK

    for j in range(_NG):
        pltpu.sync_copy(idx_hbm.at[wid * _NG + j], idx_v)

        def build(g, carry):
            iv = idx_v[pl.ds(g * 16, 16)]
            t = lax.shift_right_logical(iv, 3)
            for c in range(8):
                col_in_table = c if c < 6 else c - 6
                jrow_refs[c][pl.ds(g * 16, 16)] = t + col_in_table * _CSTRIDE
            return carry

        lax.fori_loop(0, _GROUPROWS, build, 0)

        copies = []
        for c in range(6):
            copies.append(pltpu.make_async_copy(
                s6_hbm.at[jrow_refs[c]], rows_refs[c], sem))
        for c in range(2):
            copies.append(pltpu.make_async_copy(
                s2_hbm.at[jrow_refs[6 + c]], rows_refs[6 + c], sem))
        for cp in copies:
            cp.start()
        for cp in copies:
            cp.wait()

        def compute(g, carry):
            s = g * 16
            row = lax.iota(jnp.int32, 16) + s
            iv = idx_v[pl.ds(s, 16)]
            off = jnp.bitwise_and(iv, 7)

            def col(c):
                return plsc.load_gather(rows_refs[c], [row, off])

            a1, a2, a3 = col(0), col(1), col(2)
            b1, b2, b3 = col(3), col(4), col(5)

            r1 = _rsqrt(a1 * a1 + a2 * a2 + a3 * a3)
            e11, e12, e13 = a1 * r1, a2 * r1, a3 * r1
            d = e11 * b1 + e12 * b2 + e13 * b3
            u1, u2, u3 = b1 - d * e11, b2 - d * e12, b3 - d * e13
            r2 = _rsqrt(u1 * u1 + u2 * u2 + u3 * u3)
            e21, e22, e23 = u1 * r2, u2 * r2, u3 * r2
            e31 = e12 * e23 - e13 * e22
            e32 = e13 * e21 - e11 * e23
            e33 = e11 * e22 - e12 * e21

            vals = (e11, e12, e13, e21, e22, e23, e31, e32, e33)
            for c, v in enumerate(vals):
                plsc.store_scatter(
                    r9_v, [row, jnp.full((16,), c, jnp.int32)], v)
            for c in range(2):
                tv = col(6 + c)
                plsc.store_scatter(
                    t2_v, [row, jnp.full((16,), c, jnp.int32)], tv)
            return carry

        lax.fori_loop(0, _GROUPROWS, compute, 0)

        pltpu.sync_copy(r9_v, r9_hbm.at[pl.ds(base + j * _GSZ, _GSZ)])
        pltpu.sync_copy(t2_v, t_hbm.at[pl.ds(base + j * _GSZ, _GSZ)])


@jax.jit
def _pose_lookup(tilt_index, table_s2s2, table_trans):
    idx2d = tilt_index.reshape(_NW * _NG, _GSZ)
    s6 = table_s2s2.T.reshape(6 * _CSTRIDE, 8)
    s2 = table_trans.T.reshape(2 * _CSTRIDE, 8)
    mesh = plsc.VectorSubcoreMesh(core_axis_name="c", subcore_axis_name="s")
    r9, t = pl.kernel(
        _sc_pose_kernel,
        mesh=mesh,
        out_type=[
            jax.ShapeDtypeStruct((_BATCH, 9), jnp.float32),
            jax.ShapeDtypeStruct((_BATCH, 2), jnp.float32),
        ],
        scratch_types=(
            [pltpu.VMEM((_GSZ,), jnp.int32)]
            + [pltpu.VMEM((_GSZ,), jnp.int32) for _ in range(8)]
            + [pltpu.VMEM((_GSZ, 8), jnp.float32) for _ in range(8)]
            + [pltpu.VMEM((_GSZ, 9), jnp.float32),
               pltpu.VMEM((_GSZ, 2), jnp.float32),
               pltpu.SemaphoreType.DMA]
        ),
        compiler_params=pltpu.CompilerParams(
            needs_layout_passes=False, use_tc_tiling_on_sc=False),
    )(idx2d, s6, s2)
    return r9, t


def kernel(tilt_index, y, table_s2s2, table_trans):
    r9, t = _pose_lookup(tilt_index, table_s2s2, table_trans)
    R = r9.reshape(_BATCH, 3, 3)
    return (R, t)

# --- scband reference (transcript-rebuilt; emitter-appended) ---
"""Pipeline reference for scband-pose-table-29257317220853 (READ-ONLY COPY).

The authoritative reference and input builder live on the scoring server;
editing this copy changes nothing except your own understanding.
"""

import jax, jax.numpy as jnp
import numpy as np


def s2s2_to_rotmat(v):
    # Gram-Schmidt orthonormalization of two 3-vectors (6D rotation rep)
    v1 = v[..., 0:3]
    v2 = v[..., 3:6]
    e1 = v1 / jnp.linalg.norm(v1, axis=-1, keepdims=True)
    u2 = v2 - jnp.sum(e1 * v2, axis=-1, keepdims=True) * e1
    e2 = u2 / jnp.linalg.norm(u2, axis=-1, keepdims=True)
    e3 = jnp.cross(e1, e2)
    return jnp.stack([e1, e2, e3], axis=-2)


def setup_inputs(seed: int = 0):
    key = jax.random.key(seed)
    k1, k2, k3, k4 = jax.random.split(key, 4)
    n_imgs = 1000000
    batch = 16384
    res = 128
    tilt_index = jax.random.randint(k1, (batch,), 0, n_imgs, dtype=jnp.int64 if jax.config.jax_enable_x64 else jnp.int32).astype(jnp.int32)
    y = jax.random.normal(k2, (batch, res, res), dtype=jnp.float32)
    # learned pose table params (per-image SO(3) in s2s2 rep + 2D translation)
    base = jnp.tile(jnp.array([1.0, 0.0, 0.0, 0.0, 1.0, 0.0], dtype=jnp.float32), (n_imgs, 1))
    table_s2s2 = base + 0.01 * jax.random.normal(k3, (n_imgs, 6), dtype=jnp.float32)
    table_trans = 0.01 * jax.random.normal(k4, (n_imgs, 2), dtype=jnp.float32)
    return {"tilt_index": tilt_index, "y": y, "table_s2s2": table_s2s2, "table_trans": table_trans}


def reference(tilt_index, y, table_s2s2, table_trans):
    # no_trans=False, use_gt_trans=False branch
    rots_s2s2 = jnp.take(table_s2s2, tilt_index, axis=0)
    R = s2s2_to_rotmat(rots_s2s2)
    t = jnp.take(table_trans, tilt_index, axis=0)
    if y.ndim == 4:
        R = R.reshape(*y.shape[:-2], 3, 3)
        t = t.reshape(*y.shape[:-2], 2)
    return (R, t)

if __name__ == "__main__":
    import jax
    _d = setup_inputs()
    print(jax.jit(kernel)(*tuple(_d.values())))

</pallas_src>

<mosaic_0001>
#map = affine_map<(d0, d1) -> (0, 0)>
module attributes {stable_mosaic.version = 14 : i64} {
  func.func @_sc_pose_kernel(%arg0: i32, %arg1: i32, %arg2: memref<128x128xi32, #tpu.memory_space<hbm>>, %arg3: memref<750000x8xf32, #tpu.memory_space<hbm>>, %arg4: memref<250000x8xf32, #tpu.memory_space<hbm>>, %arg5: memref<16384x9xf32, #tpu.memory_space<hbm>>, %arg6: memref<16384x2xf32, #tpu.memory_space<hbm>>, %arg7: memref<128xi32, #tpu.memory_space<vmem>>, %arg8: memref<128xi32, #tpu.memory_space<vmem>>, %arg9: memref<128xi32, #tpu.memory_space<vmem>>, %arg10: memref<128xi32, #tpu.memory_space<vmem>>, %arg11: memref<128xi32, #tpu.memory_space<vmem>>, %arg12: memref<128xi32, #tpu.memory_space<vmem>>, %arg13: memref<128xi32, #tpu.memory_space<vmem>>, %arg14: memref<128xi32, #tpu.memory_space<vmem>>, %arg15: memref<128xi32, #tpu.memory_space<vmem>>, %arg16: memref<128x8xf32, #tpu.memory_space<vmem>>, %arg17: memref<128x8xf32, #tpu.memory_space<vmem>>, %arg18: memref<128x8xf32, #tpu.memory_space<vmem>>, %arg19: memref<128x8xf32, #tpu.memory_space<vmem>>, %arg20: memref<128x8xf32, #tpu.memory_space<vmem>>, %arg21: memref<128x8xf32, #tpu.memory_space<vmem>>, %arg22: memref<128x8xf32, #tpu.memory_space<vmem>>, %arg23: memref<128x8xf32, #tpu.memory_space<vmem>>, %arg24: memref<128x9xf32, #tpu.memory_space<vmem>>, %arg25: memref<128x2xf32, #tpu.memory_space<vmem>>, %arg26: memref<!tpu.dma_semaphore, #tpu.memory_space<semaphore_mem>>) attributes {dimension_semantics = [#tpu.dimension_semantics<core_parallel>, #tpu.dimension_semantics<subcore_parallel>], iteration_bounds = array<i64: 2, 16>, scalar_prefetch = 0 : i64, scratch_operands = 20 : i64, tpu.core_type = #tpu.core_type<sc_vector_subcore>, window_params = [{transform_indices = #map}, {transform_indices = #map}, {transform_indices = #map}, {transform_indices = #map}, {transform_indices = #map}]} {
    %mul3A = arith.constant 2 : i32
    %mul3A_0 = arith.muli %arg1, %mul3A : i32
    %add3A = arith.addi %mul3A_0, %arg0 : i32
    %mul3A_1 = arith.constant 512 : i32
    %mul3A_2 = arith.muli %add3A, %mul3A_1 : i32
    %mul3A_3 = arith.constant 4 : i32
    %mul3A_4 = arith.muli %add3A, %mul3A_3 : i32
    %add3A_5 = arith.constant 0 : i32
    %add3A_6 = arith.addi %mul3A_4, %add3A_5 : i32
    "tpu.region"() ({
      %run_scoped3A = tpu.sem_alloc : memref<!tpu.dma_semaphore, #tpu.memory_space<semaphore_mem>>
      %dma_start3A_272 = arith.constant 0 : i32
      %dma_start3A_273 = tpu.memref_slice %arg2[%add3A_6, %dma_start3A_272] : memref<128x128xi32, #tpu.memory_space<hbm>> -> memref<1x128xi32, #tpu.memory_space<hbm>>
      %dma_start3A_274 = tpu.memref_squeeze %dma_start3A_273 : memref<1x128xi32, #tpu.memory_space<hbm>> -> memref<128xi32, #tpu.memory_space<hbm>>
      %dma_start3A_275 = arith.constant 0 : i32
      %dma_start3A_276 = tpu.memref_slice %arg2[%add3A_6, %dma_start3A_275] : memref<128x128xi32, #tpu.memory_space<hbm>> -> memref<1x128xi32, #tpu.memory_space<hbm>>
      %dma_start3A_277 = tpu.memref_squeeze %dma_start3A_276 : memref<1x128xi32, #tpu.memory_space<hbm>> -> memref<128xi32, #tpu.memory_space<hbm>>
      tpu.enqueue_dma source(%dma_start3A_277 : memref<128xi32, #tpu.memory_space<hbm>>) target(%arg7 : memref<128xi32, #tpu.memory_space<vmem>>) target_semaphore(%run_scoped3A : memref<!tpu.dma_semaphore, #tpu.memory_space<semaphore_mem>>)
      %dma_wait3A_278 = arith.constant 0 : i32
      %dma_wait3A_279 = tpu.memref_slice %arg2[%add3A_6, %dma_wait3A_278] : memref<128x128xi32, #tpu.memory_space<hbm>> -> memref<1x128xi32, #tpu.memory_space<hbm>>
      %dma_wait3A_280 = tpu.memref_squeeze %dma_wait3A_279 : memref<1x128xi32, #tpu.memory_space<hbm>> -> memref<128xi32, #tpu.memory_space<hbm>>
      %dma_wait3A_281 = arith.constant 0 : i32
      %dma_wait3A_282 = tpu.memref_slice %arg2[%add3A_6, %dma_wait3A_281] : memref<128x128xi32, #tpu.memory_space<hbm>> -> memref<1x128xi32, #tpu.memory_space<hbm>>
      %dma_wait3A_283 = tpu.memref_squeeze %dma_wait3A_282 : memref<1x128xi32, #tpu.memory_space<hbm>> -> memref<128xi32, #tpu.memory_space<hbm>>
      tpu.wait_dma2 semaphore(%run_scoped3A : memref<!tpu.dma_semaphore, #tpu.memory_space<semaphore_mem>>) src(%dma_wait3A_283 : memref<128xi32, #tpu.memory_space<hbm>>) dst(%arg7 : memref<128xi32, #tpu.memory_space<vmem>>)
      tpu.yield
    }) : () -> ()
    %scan3A = arith.constant 0 : i32
    %scan3A_7 = arith.constant 0 : i32
    %scan3A_8 = arith.constant 8 : i32
    %scan3A_9 = arith.addi %scan3A_7, %scan3A_8 : i32
    %scan3A_10 = arith.constant 1 : i32
    scf.for %scan3A_272 = %scan3A_7 to %scan3A_9 step %scan3A_10  : i32 {
      %mul3A_273 = arith.constant 16 : i32
      %mul3A_274 = arith.muli %scan3A_272, %mul3A_273 : i32
      %get3A = arith.index_cast %mul3A_274 : i32 to index
      %get3A_275 = tpu.vector_load %arg7[%get3A] {strides = array<i32>} : memref<128xi32, #tpu.memory_space<vmem>>, vector<16xi32>,
      %shift_right_logical3A = arith.constant 3 : i32
      %shift_right_logical3A_276 = vector.broadcast %shift_right_logical3A : i32 to vector<16xi32>
      %shift_right_logical3A_277 = arith.shrui %get3A_275, %shift_right_logical3A_276 : vector<16xi32>
      %add3A_278 = arith.constant 0 : i32
      %add3A_279 = vector.broadcast %add3A_278 : i32 to vector<16xi32>
      %add3A_280 = arith.addi %shift_right_logical3A_277, %add3A_279 : vector<16xi32>
      %mul3A_281 = arith.constant 16 : i32
      %mul3A_282 = arith.muli %scan3A_272, %mul3A_281 : i32
      %swap3A = arith.index_cast %mul3A_282 : i32 to index
      %swap3A_283 = tpu.vector_load %arg8[%swap3A] {strides = array<i32>} : memref<128xi32, #tpu.memory_space<vmem>>, vector<16xi32>,
      tpu.vector_store %arg8[%swap3A], %add3A_280 {strides = array<i32>} : memref<128xi32, #tpu.memory_space<vmem>>, vector<16xi32>,
      %add3A_284 = arith.constant 125000 : i32
      %add3A_285 = vector.broadcast %add3A_284 : i32 to vector<16xi32>
      %add3A_286 = arith.addi %shift_right_logical3A_277, %add3A_285 : vector<16xi32>
      %mul3A_287 = arith.constant 16 : i32
      %mul3A_288 = arith.muli %scan3A_272, %mul3A_287 : i32
      %swap3A_289 = arith.index_cast %mul3A_288 : i32 to index
      %swap3A_290 = tpu.vector_load %arg9[%swap3A_289] {strides = array<i32>} : memref<128xi32, #tpu.memory_space<vmem>>, vector<16xi32>,
      tpu.vector_store %arg9[%swap3A_289], %add3A_286 {strides = array<i32>} : memref<128xi32, #tpu.memory_space<vmem>>, vector<16xi32>,
      %add3A_291 = arith.constant 250000 : i32
      %add3A_292 = vector.broadcast %add3A_291 : i32 to vector<16xi32>
      %add3A_293 = arith.addi %shift_right_logical3A_277, %add3A_292 : vector<16xi32>
      %mul3A_294 = arith.constant 16 : i32
      %mul3A_295 = arith.muli %scan3A_272, %mul3A_294 : i32
      %swap3A_296 = arith.index_cast %mul3A_295 : i32 to index
      %swap3A_297 = tpu.vector_load %arg10[%swap3A_296] {strides = array<i32>} : memref<128xi32, #tpu.memory_space<vmem>>, vector<16xi32>,
      tpu.vector_store %arg10[%swap3A_296], %add3A_293 {strides = array<i32>} : memref<128xi32, #tpu.memory_space<vmem>>, vector<16xi32>,
      %add3A_298 = arith.constant 375000 : i32
      %add3A_299 = vector.broadcast %add3A_298 : i32 to vector<16xi32>
      %add3A_300 = arith.addi %shift_right_logical3A_277, %add3A_299 : vector<16xi32>
      %mul3A_301 = arith.constant 16 : i32
      %mul3A_302 = arith.muli %scan3A_272, %mul3A_301 : i32
      %swap3A_303 = arith.index_cast %mul3A_302 : i32 to index
      %swap3A_304 = tpu.vector_load %arg11[%swap3A_303] {strides = array<i32>} : memref<128xi32, #tpu.memory_space<vmem>>, vector<16xi32>,
      tpu.vector_store %arg11[%swap3A_303], %add3A_300 {strides = array<i32>} : memref<128xi32, #tpu.memory_space<vmem>>, vector<16xi32>,
      %add3A_305 = arith.constant 500000 : i32
      %add3A_306 = vector.broadcast %add3A_305 : i32 to vector<16xi32>
      %add3A_307 = arith.addi %shift_right_logical3A_277, %add3A_306 : vector<16xi32>
      %mul3A_308 = arith.constant 16 : i32
      %mul3A_309 = arith.muli %scan3A_272, %mul3A_308 : i32
      %swap3A_310 = arith.index_cast %mul3A_309 : i32 to index
      %swap3A_311 = tpu.vector_load %arg12[%swap3A_310] {strides = array<i32>} : memref<128xi32, #tpu.memory_space<vmem>>, vector<16xi32>,
      tpu.vector_store %arg12[%swap3A_310], %add3A_307 {strides = array<i32>} : memref<128xi32, #tpu.memory_space<vmem>>, vector<16xi32>,
      %add3A_312 = arith.constant 625000 : i32
      %add3A_313 = vector.broadcast %add3A_312 : i32 to vector<16xi32>
      %add3A_314 = arith.addi %shift_right_logical3A_277, %add3A_313 : vector<16xi32>
      %mul3A_315 = arith.constant 16 : i32
      %mul3A_316 = arith.muli %scan3A_272, %mul3A_315 : i32
      %swap3A_317 = arith.index_cast %mul3A_316 : i32 to index
      %swap3A_318 = tpu.vector_load %arg13[%swap3A_317] {strides = array<i32>} : memref<128xi32, #tpu.memory_space<vmem>>, vector<16xi32>,
      tpu.vector_store %arg13[%swap3A_317], %add3A_314 {strides = array<i32>} : memref<128xi32, #tpu.memory_space<vmem>>, vector<16xi32>,
      %add3A_319 = arith.constant 0 : i32
      %add3A_320 = vector.broadcast %add3A_319 : i32 to vector<16xi32>
      %add3A_321 = arith.addi %shift_right_logical3A_277, %add3A_320 : vector<16xi32>
      %mul3A_322 = arith.constant 16 : i32
      %mul3A_323 = arith.muli %scan3A_272, %mul3A_322 : i32
      %swap3A_324 = arith.index_cast %mul3A_323 : i32 to index
      %swap3A_325 = tpu.vector_load %arg14[%swap3A_324] {strides = array<i32>} : memref<128xi32, #tpu.memory_space<vmem>>, vector<16xi32>,
      tpu.vector_store %arg14[%swap3A_324], %add3A_321 {strides = array<i32>} : memref<128xi32, #tpu.memory_space<vmem>>, vector<16xi32>,
      %add3A_326 = arith.constant 125000 : i32
      %add3A_327 = vector.broadcast %add3A_326 : i32 to vector<16xi32>
      %add3A_328 = arith.addi %shift_right_logical3A_277, %add3A_327 : vector<16xi32>
      %mul3A_329 = arith.constant 16 : i32
      %mul3A_330 = arith.muli %scan3A_272, %mul3A_329 : i32
      %swap3A_331 = arith.index_cast %mul3A_330 : i32 to index
      %swap3A_332 = tpu.vector_load %arg15[%swap3A_331] {strides = array<i32>} : memref<128xi32, #tpu.memory_space<vmem>>, vector<16xi32>,
      tpu.vector_store %arg15[%swap3A_331], %add3A_328 {strides = array<i32>} : memref<128xi32, #tpu.memory_space<vmem>>, vector<16xi32>,
    }
    %scan3A_11 = arith.constant 8 : i32
    %dma_start3A = arith.constant 0 : i32
    %dma_start3A_12 = arith.constant 0 : i32
    %dma_start3A_13 = tpu.memref_slice %arg3[%dma_start3A, %dma_start3A_12] : memref<750000x8xf32, #tpu.memory_space<hbm>> -> memref<750000x8xf32, #tpu.memory_space<hbm>>
    tpu.enqueue_indirect_dma source(%dma_start3A_13 : memref<750000x8xf32, #tpu.memory_space<hbm>>) target(%arg16 : memref<128x8xf32, #tpu.memory_space<vmem>>) offsets(%arg8 : memref<128xi32, #tpu.memory_space<vmem>>) semaphore(%arg26 : memref<!tpu.dma_semaphore, #tpu.memory_space<semaphore_mem>>)
    %dma_start3A_14 = arith.constant 0 : i32
    %dma_start3A_15 = arith.constant 0 : i32
    %dma_start3A_16 = tpu.memref_slice %arg3[%dma_start3A_14, %dma_start3A_15] : memref<750000x8xf32, #tpu.memory_space<hbm>> -> memref<750000x8xf32, #tpu.memory_space<hbm>>
    tpu.enqueue_indirect_dma source(%dma_start3A_16 : memref<750000x8xf32, #tpu.memory_space<hbm>>) target(%arg17 : memref<128x8xf32, #tpu.memory_space<vmem>>) offsets(%arg9 : memref<128xi32, #tpu.memory_space<vmem>>) semaphore(%arg26 : memref<!tpu.dma_semaphore, #tpu.memory_space<semaphore_mem>>)
    %dma_start3A_17 = arith.constant 0 : i32
    %dma_start3A_18 = arith.constant 0 : i32
    %dma_start3A_19 = tpu.memref_slice %arg3[%dma_start3A_17, %dma_start3A_18] : memref<750000x8xf32, #tpu.memory_space<hbm>> -> memref<750000x8xf32, #tpu.memory_space<hbm>>
    tpu.enqueue_indirect_dma source(%dma_start3A_19 : memref<750000x8xf32, #tpu.memory_space<hbm>>) target(%arg18 : memref<128x8xf32, #tpu.memory_space<vmem>>) offsets(%arg10 : memref<128xi32, #tpu.memory_space<vmem>>) semaphore(%arg26 : memref<!tpu.dma_semaphore, #tpu.memory_space<semaphore_mem>>)
    %dma_start3A_20 = arith.constant 0 : i32
    %dma_start3A_21 = arith.constant 0 : i32
    %dma_start3A_22 = tpu.memref_slice %arg3[%dma_start3A_20, %dma_start3A_21] : memref<750000x8xf32, #tpu.memory_space<hbm>> -> memref<750000x8xf32, #tpu.memory_space<hbm>>
    tpu.enqueue_indirect_dma source(%dma_start3A_22 : memref<750000x8xf32, #tpu.memory_space<hbm>>) target(%arg19 : memref<128x8xf32, #tpu.memory_space<vmem>>) offsets(%arg11 : memref<128xi32, #tpu.memory_space<vmem>>) semaphore(%arg26 : memref<!tpu.dma_semaphore, #tpu.memory_space<semaphore_mem>>)
    %dma_start3A_23 = arith.constant 0 : i32
    %dma_start3A_24 = arith.constant 0 : i32
    %dma_start3A_25 = tpu.memref_slice %arg3[%dma_start3A_23, %dma_start3A_24] : memref<750000x8xf32, #tpu.memory_space<hbm>> -> memref<750000x8xf32, #tpu.memory_space<hbm>>
    tpu.enqueue_indirect_dma source(%dma_start3A_25 : memref<750000x8xf32, #tpu.memory_space<hbm>>) target(%arg20 : memref<128x8xf32, #tpu.memory_space<vmem>>) offsets(%arg12 : memref<128xi32, #tpu.memory_space<vmem>>) semaphore(%arg26 : memref<!tpu.dma_semaphore, #tpu.memory_space<semaphore_mem>>)
    %dma_start3A_26 = arith.constant 0 : i32
    %dma_start3A_27 = arith.constant 0 : i32
    %dma_start3A_28 = tpu.memref_slice %arg3[%dma_start3A_26, %dma_start3A_27] : memref<750000x8xf32, #tpu.memory_space<hbm>> -> memref<750000x8xf32, #tpu.memory_space<hbm>>
    tpu.enqueue_indirect_dma source(%dma_start3A_28 : memref<750000x8xf32, #tpu.memory_space<hbm>>) target(%arg21 : memref<128x8xf32, #tpu.memory_space<vmem>>) offsets(%arg13 : memref<128xi32, #tpu.memory_space<vmem>>) semaphore(%arg26 : memref<!tpu.dma_semaphore, #tpu.memory_space<semaphore_mem>>)
    %dma_start3A_29 = arith.constant 0 : i32
    %dma_start3A_30 = arith.constant 0 : i32
    %dma_start3A_31 = tpu.memref_slice %arg4[%dma_start3A_29, %dma_start3A_30] : memref<250000x8xf32, #tpu.memory_space<hbm>> -> memref<250000x8xf32, #tpu.memory_space<hbm>>
    tpu.enqueue_indirect_dma source(%dma_start3A_31 : memref<250000x8xf32, #tpu.memory_space<hbm>>) target(%arg22 : memref<128x8xf32, #tpu.memory_space<vmem>>) offsets(%arg14 : memref<128xi32, #tpu.memory_space<vmem>>) semaphore(%arg26 : memref<!tpu.dma_semaphore, #tpu.memory_space<semaphore_mem>>)
    %dma_start3A_32 = arith.constant 0 : i32
    %dma_start3A_33 = arith.constant 0 : i32
    %dma_start3A_34 = tpu.memref_slice %arg4[%dma_start3A_32, %dma_start3A_33] : memref<250000x8xf32, #tpu.memory_space<hbm>> -> memref<250000x8xf32, #tpu.memory_space<hbm>>
    tpu.enqueue_indirect_dma source(%dma_start3A_34 : memref<250000x8xf32, #tpu.memory_space<hbm>>) target(%arg23 : memref<128x8xf32, #tpu.memory_space<vmem>>) offsets(%arg15 : memref<128xi32, #tpu.memory_space<vmem>>) semaphore(%arg26 : memref<!tpu.dma_semaphore, #tpu.memory_space<semaphore_mem>>)
    %dma_wait3A = arith.constant 0 : i32
    %dma_wait3A_35 = arith.constant 0 : i32
    %dma_wait3A_36 = tpu.memref_slice %arg3[%dma_wait3A, %dma_wait3A_35] : memref<750000x8xf32, #tpu.memory_space<hbm>> -> memref<750000x8xf32, #tpu.memory_space<hbm>>
    tpu.wait_indirect_dma semaphore(%arg26 : memref<!tpu.dma_semaphore, #tpu.memory_space<semaphore_mem>>) src(%dma_wait3A_36 : memref<750000x8xf32, #tpu.memory_space<hbm>>) dst(%arg16 : memref<128x8xf32, #tpu.memory_space<vmem>>)
    %dma_wait3A_37 = arith.constant 0 : i32
    %dma_wait3A_38 = arith.constant 0 : i32
    %dma_wait3A_39 = tpu.memref_slice %arg3[%dma_wait3A_37, %dma_wait3A_38] : memref<750000x8xf32, #tpu.memory_space<hbm>> -> memref<750000x8xf32, #tpu.memory_space<hbm>>
    tpu.wait_indirect_dma semaphore(%arg26 : memref<!tpu.dma_semaphore, #tpu.memory_space<semaphore_mem>>) src(%dma_wait3A_39 : memref<750000x8xf32, #tpu.memory_space<hbm>>) dst(%arg17 : memref<128x8xf32, #tpu.memory_space<vmem>>)
    %dma_wait3A_40 = arith.constant 0 : i32
    %dma_wait3A_41 = arith.constant 0 : i32
    %dma_wait3A_42 = tpu.memref_slice %arg3[%dma_wait3A_40, %dma_wait3A_41] : memref<750000x8xf32, #tpu.memory_space<hbm>> -> memref<750000x8xf32, #tpu.memory_space<hbm>>
    tpu.wait_indirect_dma semaphore(%arg26 : memref<!tpu.dma_semaphore, #tpu.memory_space<semaphore_mem>>) src(%dma_wait3A_42 : memref<750000x8xf32, #tpu.memory_space<hbm>>) dst(%arg18 : memref<128x8xf32, #tpu.memory_space<vmem>>)
    %dma_wait3A_43 = arith.constant 0 : i32
    %dma_wait3A_44 = arith.constant 0 : i32
    %dma_wait3A_45 = tpu.memref_slice %arg3[%dma_wait3A_43, %dma_wait3A_44] : memref<750000x8xf32, #tpu.memory_space<hbm>> -> memref<750000x8xf32, #tpu.memory_space<hbm>>
    tpu.wait_indirect_dma semaphore(%arg26 : memref<!tpu.dma_semaphore, #tpu.memory_space<semaphore_mem>>) src(%dma_wait3A_45 : memref<750000x8xf32, #tpu.memory_space<hbm>>) dst(%arg19 : memref<128x8xf32, #tpu.memory_space<vmem>>)
    %dma_wait3A_46 = arith.constant 0 : i32
    %dma_wait3A_47 = arith.constant 0 : i32
    %dma_wait3A_48 = tpu.memref_slice %arg3[%dma_wait3A_46, %dma_wait3A_47] : memref<750000x8xf32, #tpu.memory_space<hbm>> -> memref<750000x8xf32, #tpu.memory_space<hbm>>
    tpu.wait_indirect_dma semaphore(%arg26 : memref<!tpu.dma_semaphore, #tpu.memory_space<semaphore_mem>>) src(%dma_wait3A_48 : memref<750000x8xf32, #tpu.memory_space<hbm>>) dst(%arg20 : memref<128x8xf32, #tpu.memory_space<vmem>>)
    %dma_wait3A_49 = arith.constant 0 : i32
    %dma_wait3A_50 = arith.constant 0 : i32
    %dma_wait3A_51 = tpu.memref_slice %arg3[%dma_wait3A_49, %dma_wait3A_50] : memref<750000x8xf32, #tpu.memory_space<hbm>> -> memref<750000x8xf32, #tpu.memory_space<hbm>>
    tpu.wait_indirect_dma semaphore(%arg26 : memref<!tpu.dma_semaphore, #tpu.memory_space<semaphore_mem>>) src(%dma_wait3A_51 : memref<750000x8xf32, #tpu.memory_space<hbm>>) dst(%arg21 : memref<128x8xf32, #tpu.memory_space<vmem>>)
    %dma_wait3A_52 = arith.constant 0 : i32
    %dma_wait3A_53 = arith.constant 0 : i32
    %dma_wait3A_54 = tpu.memref_slice %arg4[%dma_wait3A_52, %dma_wait3A_53] : memref<250000x8xf32, #tpu.memory_space<hbm>> -> memref<250000x8xf32, #tpu.memory_space<hbm>>
    tpu.wait_indirect_dma semaphore(%arg26 : memref<!tpu.dma_semaphore, #tpu.memory_space<semaphore_mem>>) src(%dma_wait3A_54 : memref<250000x8xf32, #tpu.memory_space<hbm>>) dst(%arg22 : memref<128x8xf32, #tpu.memory_space<vmem>>)
    %dma_wait3A_55 = arith.constant 0 : i32
    %dma_wait3A_56 = arith.constant 0 : i32
    %dma_wait3A_57 = tpu.memref_slice %arg4[%dma_wait3A_55, %dma_wait3A_56] : memref<250000x8xf32, #tpu.memory_space<hbm>> -> memref<250000x8xf32, #tpu.memory_space<hbm>>
    tpu.wait_indirect_dma semaphore(%arg26 : memref<!tpu.dma_semaphore, #tpu.memory_space<semaphore_mem>>) src(%dma_wait3A_57 : memref<250000x8xf32, #tpu.memory_space<hbm>>) dst(%arg23 : memref<128x8xf32, #tpu.memory_space<vmem>>)
    %scan3A_58 = arith.constant 0 : i32
    %scan3A_59 = arith.constant 0 : i32
    %scan3A_60 = arith.constant 8 : i32
    %scan3A_61 = arith.addi %scan3A_59, %scan3A_60 : i32
    %scan3A_62 = arith.constant 1 : i32
    scf.for %scan3A_272 = %scan3A_59 to %scan3A_61 step %scan3A_62  : i32 {
      %mul3A_273 = arith.constant 16 : i32
      %mul3A_274 = arith.muli %scan3A_272, %mul3A_273 : i32
      %iota3A = tpu.iota {dimensions = array<i32: 0>} : vector<16xi32>
      %add3A_275 = vector.broadcast %mul3A_274 : i32 to vector<16xi32>
      %add3A_276 = arith.addi %iota3A, %add3A_275 : vector<16xi32>
      %get3A = arith.index_cast %mul3A_274 : i32 to index
      %get3A_277 = tpu.vector_load %arg7[%get3A] {strides = array<i32>} : memref<128xi32, #tpu.memory_space<vmem>>, vector<16xi32>,
      %and3A = arith.constant 7 : i32
      %and3A_278 = vector.broadcast %and3A : i32 to vector<16xi32>
      %and3A_279 = arith.andi %get3A_277, %and3A_278 : vector<16xi32>
      %gather3A = tpu.vector_load_idx %arg16[%add3A_276, %and3A_279] : memref<128x8xf32, #tpu.memory_space<vmem>>[vector<16xi32>, vector<16xi32>], vector<16xf32>,
      %gather3A_280 = tpu.vector_load_idx %arg17[%add3A_276, %and3A_279] : memref<128x8xf32, #tpu.memory_space<vmem>>[vector<16xi32>, vector<16xi32>], vector<16xf32>,
      %gather3A_281 = tpu.vector_load_idx %arg18[%add3A_276, %and3A_279] : memref<128x8xf32, #tpu.memory_space<vmem>>[vector<16xi32>, vector<16xi32>], vector<16xf32>,
      %gather3A_282 = tpu.vector_load_idx %arg19[%add3A_276, %and3A_279] : memref<128x8xf32, #tpu.memory_space<vmem>>[vector<16xi32>, vector<16xi32>], vector<16xf32>,
      %gather3A_283 = tpu.vector_load_idx %arg20[%add3A_276, %and3A_279] : memref<128x8xf32, #tpu.memory_space<vmem>>[vector<16xi32>, vector<16xi32>], vector<16xf32>,
      %gather3A_284 = tpu.vector_load_idx %arg21[%add3A_276, %and3A_279] : memref<128x8xf32, #tpu.memory_space<vmem>>[vector<16xi32>, vector<16xi32>], vector<16xf32>,
      %mul3A_285 = arith.mulf %gather3A, %gather3A : vector<16xf32>
      %mul3A_286 = arith.mulf %gather3A_280, %gather3A_280 : vector<16xf32>
      %add3A_287 = arith.addf %mul3A_285, %mul3A_286 : vector<16xf32>
      %mul3A_288 = arith.mulf %gather3A_281, %gather3A_281 : vector<16xf32>
      %add3A_289 = arith.addf %add3A_287, %mul3A_288 : vector<16xf32>
      %bitcast3A = vector.bitcast %add3A_289 : vector<16xf32> to vector<16xi32>
      %shift_right_logical3A = arith.constant 1 : i32
      %shift_right_logical3A_290 = vector.broadcast %shift_right_logical3A : i32 to vector<16xi32>
      %shift_right_logical3A_291 = arith.shrui %bitcast3A, %shift_right_logical3A_290 : vector<16xi32>
      %sub3A = arith.constant 1597463007 : i32
      %sub3A_292 = vector.broadcast %sub3A : i32 to vector<16xi32>
      %sub3A_293 = arith.subi %sub3A_292, %shift_right_logical3A_291 : vector<16xi32>
      %bitcast3A_294 = vector.bitcast %sub3A_293 : vector<16xi32> to vector<16xf32>
      %mul3A_295 = arith.constant 5.000000e-01 : f32
      %mul3A_296 = vector.broadcast %mul3A_295 : f32 to vector<16xf32>
      %mul3A_297 = arith.mulf %mul3A_296, %add3A_289 : vector<16xf32>
      %mul3A_298 = arith.mulf %mul3A_297, %bitcast3A_294 : vector<16xf32>
      %mul3A_299 = arith.mulf %mul3A_298, %bitcast3A_294 : vector<16xf32>
      %sub3A_300 = arith.constant 1.500000e+00 : f32
      %sub3A_301 = vector.broadcast %sub3A_300 : f32 to vector<16xf32>
      %sub3A_302 = arith.subf %sub3A_301, %mul3A_299 : vector<16xf32>
      %mul3A_303 = arith.mulf %bitcast3A_294, %sub3A_302 : vector<16xf32>
      %mul3A_304 = arith.constant 5.000000e-01 : f32
      %mul3A_305 = vector.broadcast %mul3A_304 : f32 to vector<16xf32>
      %mul3A_306 = arith.mulf %mul3A_305, %add3A_289 : vector<16xf32>
      %mul3A_307 = arith.mulf %mul3A_306, %mul3A_303 : vector<16xf32>
      %mul3A_308 = arith.mulf %mul3A_307, %mul3A_303 : vector<16xf32>
      %sub3A_309 = arith.constant 1.500000e+00 : f32
      %sub3A_310 = vector.broadcast %sub3A_309 : f32 to vector<16xf32>
      %sub3A_311 = arith.subf %sub3A_310, %mul3A_308 : vector<16xf32>
      %mul3A_312 = arith.mulf %mul3A_303, %sub3A_311 : vector<16xf32>
      %mul3A_313 = arith.constant 5.000000e-01 : f32
      %mul3A_314 = vector.broadcast %mul3A_313 : f32 to vector<16xf32>
      %mul3A_315 = arith.mulf %mul3A_314, %add3A_289 : vector<16xf32>
      %mul3A_316 = arith.mulf %mul3A_315, %mul3A_312 : vector<16xf32>
      %mul3A_317 = arith.mulf %mul3A_316, %mul3A_312 : vector<16xf32>
      %sub3A_318 = arith.constant 1.500000e+00 : f32
      %sub3A_319 = vector.broadcast %sub3A_318 : f32 to vector<16xf32>
      %sub3A_320 = arith.subf %sub3A_319, %mul3A_317 : vector<16xf32>
      %mul3A_321 = arith.mulf %mul3A_312, %sub3A_320 : vector<16xf32>
      %mul3A_322 = arith.mulf %gather3A, %mul3A_321 : vector<16xf32>
      %mul3A_323 = arith.mulf %gather3A_280, %mul3A_321 : vector<16xf32>
      %mul3A_324 = arith.mulf %gather3A_281, %mul3A_321 : vector<16xf32>
      %mul3A_325 = arith.mulf %mul3A_322, %gather3A_282 : vector<16xf32>
      %mul3A_326 = arith.mulf %mul3A_323, %gather3A_283 : vector<16xf32>
      %add3A_327 = arith.addf %mul3A_325, %mul3A_326 : vector<16xf32>
      %mul3A_328 = arith.mulf %mul3A_324, %gather3A_284 : vector<16xf32>
      %add3A_329 = arith.addf %add3A_327, %mul3A_328 : vector<16xf32>
      %mul3A_330 = arith.mulf %add3A_329, %mul3A_322 : vector<16xf32>
      %sub3A_331 = arith.subf %gather3A_282, %mul3A_330 : vector<16xf32>
      %mul3A_332 = arith.mulf %add3A_329, %mul3A_323 : vector<16xf32>
      %sub3A_333 = arith.subf %gather3A_283, %mul3A_332 : vector<16xf32>
      %mul3A_334 = arith.mulf %add3A_329, %mul3A_324 : vector<16xf32>
      %sub3A_335 = arith.subf %gather3A_284, %mul3A_334 : vector<16xf32>
      %mul3A_336 = arith.mulf %sub3A_331, %sub3A_331 : vector<16xf32>
      %mul3A_337 = arith.mulf %sub3A_333, %sub3A_333 : vector<16xf32>
      %add3A_338 = arith.addf %mul3A_336, %mul3A_337 : vector<16xf32>
      %mul3A_339 = arith.mulf %sub3A_335, %sub3A_335 : vector<16xf32>
      %add3A_340 = arith.addf %add3A_338, %mul3A_339 : vector<16xf32>
      %bitcast3A_341 = vector.bitcast %add3A_340 : vector<16xf32> to vector<16xi32>
      %shift_right_logical3A_342 = arith.constant 1 : i32
      %shift_right_logical3A_343 = vector.broadcast %shift_right_logical3A_342 : i32 to vector<16xi32>
      %shift_right_logical3A_344 = arith.shrui %bitcast3A_341, %shift_right_logical3A_343 : vector<16xi32>
      %sub3A_345 = arith.constant 1597463007 : i32
      %sub3A_346 = vector.broadcast %sub3A_345 : i32 to vector<16xi32>
      %sub3A_347 = arith.subi %sub3A_346, %shift_right_logical3A_344 : vector<16xi32>
      %bitcast3A_348 = vector.bitcast %sub3A_347 : vector<16xi32> to vector<16xf32>
      %mul3A_349 = arith.constant 5.000000e-01 : f32
      %mul3A_350 = vector.broadcast %mul3A_349 : f32 to vector<16xf32>
      %mul3A_351 = arith.mulf %mul3A_350, %add3A_340 : vector<16xf32>
      %mul3A_352 = arith.mulf %mul3A_351, %bitcast3A_348 : vector<16xf32>
      %mul3A_353 = arith.mulf %mul3A_352, %bitcast3A_348 : vector<16xf32>
      %sub3A_354 = arith.constant 1.500000e+00 : f32
      %sub3A_355 = vector.broadcast %sub3A_354 : f32 to vector<16xf32>
      %sub3A_356 = arith.subf %sub3A_355, %mul3A_353 : vector<16xf32>
      %mul3A_357 = arith.mulf %bitcast3A_348, %sub3A_356 : vector<16xf32>
      %mul3A_358 = arith.constant 5.000000e-01 : f32
      %mul3A_359 = vector.broadcast %mul3A_358 : f32 to vector<16xf32>
      %mul3A_360 = arith.mulf %mul3A_359, %add3A_340 : vector<16xf32>
      %mul3A_361 = arith.mulf %mul3A_360, %mul3A_357 : vector<16xf32>
      %mul3A_362 = arith.mulf %mul3A_361, %mul3A_357 : vector<16xf32>
      %sub3A_363 = arith.constant 1.500000e+00 : f32
      %sub3A_364 = vector.broadcast %sub3A_363 : f32 to vector<16xf32>
      %sub3A_365 = arith.subf %sub3A_364, %mul3A_362 : vector<16xf32>
      %mul3A_366 = arith.mulf %mul3A_357, %sub3A_365 : vector<16xf32>
      %mul3A_367 = arith.constant 5.000000e-01 : f32
      %mul3A_368 = vector.broadcast %mul3A_367 : f32 to vector<16xf32>
      %mul3A_369 = arith.mulf %mul3A_368, %add3A_340 : vector<16xf32>
      %mul3A_370 = arith.mulf %mul3A_369, %mul3A_366 : vector<16xf32>
      %mul3A_371 = arith.mulf %mul3A_370, %mul3A_366 : vector<16xf32>
      %sub3A_372 = arith.constant 1.500000e+00 : f32
      %sub3A_373 = vector.broadcast %sub3A_372 : f32 to vector<16xf32>
      %sub3A_374 = arith.subf %sub3A_373, %mul3A_371 : vector<16xf32>
      %mul3A_375 = arith.mulf %mul3A_366, %sub3A_374 : vector<16xf32>
      %mul3A_376 = arith.mulf %sub3A_331, %mul3A_375 : vector<16xf32>
      %mul3A_377 = arith.mulf %sub3A_333, %mul3A_375 : vector<16xf32>
      %mul3A_378 = arith.mulf %sub3A_335, %mul3A_375 : vector<16xf32>
      %mul3A_379 = arith.mulf %mul3A_323, %mul3A_378 : vector<16xf32>
      %mul3A_380 = arith.mulf %mul3A_324, %mul3A_377 : vector<16xf32>
      %sub3A_381 = arith.subf %mul3A_379, %mul3A_380 : vector<16xf32>
      %mul3A_382 = arith.mulf %mul3A_324, %mul3A_376 : vector<16xf32>
      %mul3A_383 = arith.mulf %mul3A_322, %mul3A_378 : vector<16xf32>
      %sub3A_384 = arith.subf %mul3A_382, %mul3A_383 : vector<16xf32>
      %mul3A_385 = arith.mulf %mul3A_322, %mul3A_377 : vector<16xf32>
      %mul3A_386 = arith.mulf %mul3A_323, %mul3A_376 : vector<16xf32>
      %sub3A_387 = arith.subf %mul3A_385, %mul3A_386 : vector<16xf32>
      %broadcast_in_dim3A = arith.constant 0 : i32
      %broadcast_in_dim3A_388 = vector.broadcast %broadcast_in_dim3A : i32 to vector<16xi32>
      tpu.vector_store_idx %arg24[%add3A_276, %broadcast_in_dim3A_388], %mul3A_322 : memref<128x9xf32, #tpu.memory_space<vmem>>[vector<16xi32>, vector<16xi32>], vector<16xf32>,
      %broadcast_in_dim3A_389 = arith.constant 1 : i32
      %broadcast_in_dim3A_390 = vector.broadcast %broadcast_in_dim3A_389 : i32 to vector<16xi32>
      tpu.vector_store_idx %arg24[%add3A_276, %broadcast_in_dim3A_390], %mul3A_323 : memref<128x9xf32, #tpu.memory_space<vmem>>[vector<16xi32>, vector<16xi32>], vector<16xf32>,
      %broadcast_in_dim3A_391 = arith.constant 2 : i32
      %broadcast_in_dim3A_392 = vector.broadcast %broadcast_in_dim3A_391 : i32 to vector<16xi32>
      tpu.vector_store_idx %arg24[%add3A_276, %broadcast_in_dim3A_392], %mul3A_324 : memref<128x9xf32, #tpu.memory_space<vmem>>[vector<16xi32>, vector<16xi32>], vector<16xf32>,
      %broadcast_in_dim3A_393 = arith.constant 3 : i32
      %broadcast_in_dim3A_394 = vector.broadcast %broadcast_in_dim3A_393 : i32 to vector<16xi32>
      tpu.vector_store_idx %arg24[%add3A_276, %broadcast_in_dim3A_394], %mul3A_376 : memref<128x9xf32, #tpu.memory_space<vmem>>[vector<16xi32>, vector<16xi32>], vector<16xf32>,
      %broadcast_in_dim3A_395 = arith.constant 4 : i32
      %broadcast_in_dim3A_396 = vector.broadcast %broadcast_in_dim3A_395 : i32 to vector<16xi32>
      tpu.vector_store_idx %arg24[%add3A_276, %broadcast_in_dim3A_396], %mul3A_377 : memref<128x9xf32, #tpu.memory_space<vmem>>[vector<16xi32>, vector<16xi32>], vector<16xf32>,
      %broadcast_in_dim3A_397 = arith.constant 5 : i32
      %broadcast_in_dim3A_398 = vector.broadcast %broadcast_in_dim3A_397 : i32 to vector<16xi32>
      tpu.vector_store_idx %arg24[%add3A_276, %broadcast_in_dim3A_398], %mul3A_378 : memref<128x9xf32, #tpu.memory_space<vmem>>[vector<16xi32>, vector<16xi32>], vector<16xf32>,
      %broadcast_in_dim3A_399 = arith.constant 6 : i32
      %broadcast_in_dim3A_400 = vector.broadcast %broadcast_in_dim3A_399 : i32 to vector<16xi32>
      tpu.vector_store_idx %arg24[%add3A_276, %broadcast_in_dim3A_400], %sub3A_381 : memref<128x9xf32, #tpu.memory_space<vmem>>[vector<16xi32>, vector<16xi32>], vector<16xf32>,
      %broadcast_in_dim3A_401 = arith.constant 7 : i32
      %broadcast_in_dim3A_402 = vector.broadcast %broadcast_in_dim3A_401 : i32 to vector<16xi32>
      tpu.vector_store_idx %arg24[%add3A_276, %broadcast_in_dim3A_402], %sub3A_384 : memref<128x9xf32, #tpu.memory_space<vmem>>[vector<16xi32>, vector<16xi32>], vector<16xf32>,
      %broadcast_in_dim3A_403 = arith.constant 8 : i32
      %broadcast_in_dim3A_404 = vector.broadcast %broadcast_in_dim3A_403 : i32 to vector<16xi32>
      tpu.vector_store_idx %arg24[%add3A_276, %broadcast_in_dim3A_404], %sub3A_387 : memref<128x9xf32, #tpu.memory_space<vmem>>[vector<16xi32>, vector<16xi32>], vector<16xf32>,
      %gather3A_405 = tpu.vector_load_idx %arg22[%add3A_276, %and3A_279] : memref<128x8xf32, #tpu.memory_space<vmem>>[vector<16xi32>, vector<16xi32>], vector<16xf32>,
      %broadcast_in_dim3A_406 = arith.constant 0 : i32
      %broadcast_in_dim3A_407 = vector.broadcast %broadcast_in_dim3A_406 : i32 to vector<16xi32>
      tpu.vector_store_idx %arg25[%add3A_276, %broadcast_in_dim3A_407], %gather3A_405 : memref<128x2xf32, #tpu.memory_space<vmem>>[vector<16xi32>, vector<16xi32>], vector<16xf32>,
      %gather3A_408 = tpu.vector_load_idx %arg23[%add3A_276, %and3A_279] : memref<128x8xf32, #tpu.memory_space<vmem>>[vector<16xi32>, vector<16xi32>], vector<16xf32>,
      %broadcast_in_dim3A_409 = arith.constant 1 : i32
      %broadcast_in_dim3A_410 = vector.broadcast %broadcast_in_dim3A_409 : i32 to vector<16xi32>
      tpu.vector_store_idx %arg25[%add3A_276, %broadcast_in_dim3A_410], %gather3A_408 : memref<128x2xf32, #tpu.memory_space<vmem>>[vector<16xi32>, vector<16xi32>], vector<16xf32>,
    }
    %scan3A_63 = arith.constant 8 : i32
    %add3A_64 = arith.constant 0 : i32
    %add3A_65 = arith.addi %mul3A_2, %add3A_64 : i32
    "tpu.region"() ({
      %run_scoped3A = tpu.sem_alloc : memref<!tpu.dma_semaphore, #tpu.memory_space<semaphore_mem>>
      %dma_start3A_272 = arith.constant 0 : i32
      %dma_start3A_273 = tpu.memref_slice %arg5[%add3A_65, %dma_start3A_272] : memref<16384x9xf32, #tpu.memory_space<hbm>> -> memref<128x9xf32, #tpu.memory_space<hbm>>
      %dma_start3A_274 = arith.constant 0 : i32
      %dma_start3A_275 = tpu.memref_slice %arg5[%add3A_65, %dma_start3A_274] : memref<16384x9xf32, #tpu.memory_space<hbm>> -> memref<128x9xf32, #tpu.memory_space<hbm>>
      tpu.enqueue_dma source(%arg24 : memref<128x9xf32, #tpu.memory_space<vmem>>) target(%dma_start3A_275 : memref<128x9xf32, #tpu.memory_space<hbm>>) target_semaphore(%run_scoped3A : memref<!tpu.dma_semaphore, #tpu.memory_space<semaphore_mem>>)
      %dma_wait3A_276 = arith.constant 0 : i32
      %dma_wait3A_277 = tpu.memref_slice %arg5[%add3A_65, %dma_wait3A_276] : memref<16384x9xf32, #tpu.memory_space<hbm>> -> memref<128x9xf32, #tpu.memory_space<hbm>>
      %dma_wait3A_278 = arith.constant 0 : i32
      %dma_wait3A_279 = tpu.memref_slice %arg5[%add3A_65, %dma_wait3A_278] : memref<16384x9xf32, #tpu.memory_space<hbm>> -> memref<128x9xf32, #tpu.memory_space<hbm>>
      tpu.wait_dma2 semaphore(%run_scoped3A : memref<!tpu.dma_semaphore, #tpu.memory_space<semaphore_mem>>) src(%arg24 : memref<128x9xf32, #tpu.memory_space<vmem>>) dst(%dma_wait3A_279 : memref<128x9xf32, #tpu.memory_space<hbm>>)
      tpu.yield
    }) : () -> ()
    %add3A_66 = arith.constant 0 : i32
    %add3A_67 = arith.addi %mul3A_2, %add3A_66 : i32
    "tpu.region"() ({
      %run_scoped3A = tpu.sem_alloc : memref<!tpu.dma_semaphore, #tpu.memory_space<semaphore_mem>>
      %dma_start3A_272 = arith.constant 0 : i32
      %dma_start3A_273 = tpu.memref_slice %arg6[%add3A_67, %dma_start3A_272] : memref<16384x2xf32, #tpu.memory_space<hbm>> -> memref<128x2xf32, #tpu.memory_space<hbm>>
      %dma_start3A_274 = arith.constant 0 : i32
      %dma_start3A_275 = tpu.memref_slice %arg6[%add3A_67, %dma_start3A_274] : memref<16384x2xf32, #tpu.memory_space<hbm>> -> memref<128x2xf32, #tpu.memory_space<hbm>>
      tpu.enqueue_dma source(%arg25 : memref<128x2xf32, #tpu.memory_space<vmem>>) target(%dma_start3A_275 : memref<128x2xf32, #tpu.memory_space<hbm>>) target_semaphore(%run_scoped3A : memref<!tpu.dma_semaphore, #tpu.memory_space<semaphore_mem>>)
      %dma_wait3A_276 = arith.constant 0 : i32
      %dma_wait3A_277 = tpu.memref_slice %arg6[%add3A_67, %dma_wait3A_276] : memref<16384x2xf32, #tpu.memory_space<hbm>> -> memref<128x2xf32, #tpu.memory_space<hbm>>
      %dma_wait3A_278 = arith.constant 0 : i32
      %dma_wait3A_279 = tpu.memref_slice %arg6[%add3A_67, %dma_wait3A_278] : memref<16384x2xf32, #tpu.memory_space<hbm>> -> memref<128x2xf32, #tpu.memory_space<hbm>>
      tpu.wait_dma2 semaphore(%run_scoped3A : memref<!tpu.dma_semaphore, #tpu.memory_space<semaphore_mem>>) src(%arg25 : memref<128x2xf32, #tpu.memory_space<vmem>>) dst(%dma_wait3A_279 : memref<128x2xf32, #tpu.memory_space<hbm>>)
      tpu.yield
    }) : () -> ()
    %mul3A_68 = arith.constant 4 : i32
    %mul3A_69 = arith.muli %add3A, %mul3A_68 : i32
    %add3A_70 = arith.constant 1 : i32
    %add3A_71 = arith.addi %mul3A_69, %add3A_70 : i32
    "tpu.region"() ({
      %run_scoped3A = tpu.sem_alloc : memref<!tpu.dma_semaphore, #tpu.memory_space<semaphore_mem>>
      %dma_start3A_272 = arith.constant 0 : i32
      %dma_start3A_273 = tpu.memref_slice %arg2[%add3A_71, %dma_start3A_272] : memref<128x128xi32, #tpu.memory_space<hbm>> -> memref<1x128xi32, #tpu.memory_space<hbm>>
      %dma_start3A_274 = tpu.memref_squeeze %dma_start3A_273 : memref<1x128xi32, #tpu.memory_space<hbm>> -> memref<128xi32, #tpu.memory_space<hbm>>
      %dma_start3A_275 = arith.constant 0 : i32
      %dma_start3A_276 = tpu.memref_slice %arg2[%add3A_71, %dma_start3A_275] : memref<128x128xi32, #tpu.memory_space<hbm>> -> memref<1x128xi32, #tpu.memory_space<hbm>>
      %dma_start3A_277 = tpu.memref_squeeze %dma_start3A_276 : memref<1x128xi32, #tpu.memory_space<hbm>> -> memref<128xi32, #tpu.memory_space<hbm>>
      tpu.enqueue_dma source(%dma_start3A_277 : memref<128xi32, #tpu.memory_space<hbm>>) target(%arg7 : memref<128xi32, #tpu.memory_space<vmem>>) target_semaphore(%run_scoped3A : memref<!tpu.dma_semaphore, #tpu.memory_space<semaphore_mem>>)
      %dma_wait3A_278 = arith.constant 0 : i32
      %dma_wait3A_279 = tpu.memref_slice %arg2[%add3A_71, %dma_wait3A_278] : memref<128x128xi32, #tpu.memory_space<hbm>> -> memref<1x128xi32, #tpu.memory_space<hbm>>
      %dma_wait3A_280 = tpu.memref_squeeze %dma_wait3A_279 : memref<1x128xi32, #tpu.memory_space<hbm>> -> memref<128xi32, #tpu.memory_space<hbm>>
      %dma_wait3A_281 = arith.constant 0 : i32
      %dma_wait3A_282 = tpu.memref_slice %arg2[%add3A_71, %dma_wait3A_281] : memref<128x128xi32, #tpu.memory_space<hbm>> -> memref<1x128xi32, #tpu.memory_space<hbm>>
      %dma_wait3A_283 = tpu.memref_squeeze %dma_wait3A_282 : memref<1x128xi32, #tpu.memory_space<hbm>> -> memref<128xi32, #tpu.memory_space<hbm>>
      tpu.wait_dma2 semaphore(%run_scoped3A : memref<!tpu.dma_semaphore, #tpu.memory_space<semaphore_mem>>) src(%dma_wait3A_283 : memref<128xi32, #tpu.memory_space<hbm>>) dst(%arg7 : memref<128xi32, #tpu.memory_space<vmem>>)
      tpu.yield
    }) : () -> ()
    %scan3A_72 = arith.constant 0 : i32
    %scan3A_73 = arith.constant 0 : i32
    %scan3A_74 = arith.constant 8 : i32
    %scan3A_75 = arith.addi %scan3A_73, %scan3A_74 : i32
    %scan3A_76 = arith.constant 1 : i32
    scf.for %scan3A_272 = %scan3A_73 to %scan3A_75 step %scan3A_76  : i32 {
      %mul3A_273 = arith.constant 16 : i32
      %mul3A_274 = arith.muli %scan3A_272, %mul3A_273 : i32
      %get3A = arith.index_cast %mul3A_274 : i32 to index
      %get3A_275 = tpu.vector_load %arg7[%get3A] {strides = array<i32>} : memref<128xi32, #tpu.memory_space<vmem>>, vector<16xi32>,
      %shift_right_logical3A = arith.constant 3 : i32
      %shift_right_logical3A_276 = vector.broadcast %shift_right_logical3A : i32 to vector<16xi32>
      %shift_right_logical3A_277 = arith.shrui %get3A_275, %shift_right_logical3A_276 : vector<16xi32>
      %add3A_278 = arith.constant 0 : i32
      %add3A_279 = vector.broadcast %add3A_278 : i32 to vector<16xi32>
      %add3A_280 = arith.addi %shift_right_logical3A_277, %add3A_279 : vector<16xi32>
      %mul3A_281 = arith.constant 16 : i32
      %mul3A_282 = arith.muli %scan3A_272, %mul3A_281 : i32
      %swap3A = arith.index_cast %mul3A_282 : i32 to index
      %swap3A_283 = tpu.vector_load %arg8[%swap3A] {strides = array<i32>} : memref<128xi32, #tpu.memory_space<vmem>>, vector<16xi32>,
      tpu.vector_store %arg8[%swap3A], %add3A_280 {strides = array<i32>} : memref<128xi32, #tpu.memory_space<vmem>>, vector<16xi32>,
      %add3A_284 = arith.constant 125000 : i32
      %add3A_285 = vector.broadcast %add3A_284 : i32 to vector<16xi32>
      %add3A_286 = arith.addi %shift_right_logical3A_277, %add3A_285 : vector<16xi32>
      %mul3A_287 = arith.constant 16 : i32
      %mul3A_288 = arith.muli %scan3A_272, %mul3A_287 : i32
      %swap3A_289 = arith.index_cast %mul3A_288 : i32 to index
      %swap3A_290 = tpu.vector_load %arg9[%swap3A_289] {strides = array<i32>} : memref<128xi32, #tpu.memory_space<vmem>>, vector<16xi32>,
      tpu.vector_store %arg9[%swap3A_289], %add3A_286 {strides = array<i32>} : memref<128xi32, #tpu.memory_space<vmem>>, vector<16xi32>,
      %add3A_291 = arith.constant 250000 : i32
      %add3A_292 = vector.broadcast %add3A_291 : i32 to vector<16xi32>
      %add3A_293 = arith.addi %shift_right_logical3A_277, %add3A_292 : vector<16xi32>
      %mul3A_294 = arith.constant 16 : i32
      %mul3A_295 = arith.muli %scan3A_272, %mul3A_294 : i32
      %swap3A_296 = arith.index_cast %mul3A_295 : i32 to index
      %swap3A_297 = tpu.vector_load %arg10[%swap3A_296] {strides = array<i32>} : memref<128xi32, #tpu.memory_space<vmem>>, vector<16xi32>,
      tpu.vector_store %arg10[%swap3A_296], %add3A_293 {strides = array<i32>} : memref<128xi32, #tpu.memory_space<vmem>>, vector<16xi32>,
      %add3A_298 = arith.constant 375000 : i32
      %add3A_299 = vector.broadcast %add3A_298 : i32 to vector<16xi32>
      %add3A_300 = arith.addi %shift_right_logical3A_277, %add3A_299 : vector<16xi32>
      %mul3A_301 = arith.constant 16 : i32
      %mul3A_302 = arith.muli %scan3A_272, %mul3A_301 : i32
      %swap3A_303 = arith.index_cast %mul3A_302 : i32 to index
      %swap3A_304 = tpu.vector_load %arg11[%swap3A_303] {strides = array<i32>} : memref<128xi32, #tpu.memory_space<vmem>>, vector<16xi32>,
      tpu.vector_store %arg11[%swap3A_303], %add3A_300 {strides = array<i32>} : memref<128xi32, #tpu.memory_space<vmem>>, vector<16xi32>,
      %add3A_305 = arith.constant 500000 : i32
      %add3A_306 = vector.broadcast %add3A_305 : i32 to vector<16xi32>
      %add3A_307 = arith.addi %shift_right_logical3A_277, %add3A_306 : vector<16xi32>
      %mul3A_308 = arith.constant 16 : i32
      %mul3A_309 = arith.muli %scan3A_272, %mul3A_308 : i32
      %swap3A_310 = arith.index_cast %mul3A_309 : i32 to index
      %swap3A_311 = tpu.vector_load %arg12[%swap3A_310] {strides = array<i32>} : memref<128xi32, #tpu.memory_space<vmem>>, vector<16xi32>,
      tpu.vector_store %arg12[%swap3A_310], %add3A_307 {strides = array<i32>} : memref<128xi32, #tpu.memory_space<vmem>>, vector<16xi32>,
      %add3A_312 = arith.constant 625000 : i32
      %add3A_313 = vector.broadcast %add3A_312 : i32 to vector<16xi32>
      %add3A_314 = arith.addi %shift_right_logical3A_277, %add3A_313 : vector<16xi32>
      %mul3A_315 = arith.constant 16 : i32
      %mul3A_316 = arith.muli %scan3A_272, %mul3A_315 : i32
      %swap3A_317 = arith.index_cast %mul3A_316 : i32 to index
      %swap3A_318 = tpu.vector_load %arg13[%swap3A_317] {strides = array<i32>} : memref<128xi32, #tpu.memory_space<vmem>>, vector<16xi32>,
      tpu.vector_store %arg13[%swap3A_317], %add3A_314 {strides = array<i32>} : memref<128xi32, #tpu.memory_space<vmem>>, vector<16xi32>,
      %add3A_319 = arith.constant 0 : i32
      %add3A_320 = vector.broadcast %add3A_319 : i32 to vector<16xi32>
      %add3A_321 = arith.addi %shift_right_logical3A_277, %add3A_320 : vector<16xi32>
      %mul3A_322 = arith.constant 16 : i32
      %mul3A_323 = arith.muli %scan3A_272, %mul3A_322 : i32
      %swap3A_324 = arith.index_cast %mul3A_323 : i32 to index
      %swap3A_325 = tpu.vector_load %arg14[%swap3A_324] {strides = array<i32>} : memref<128xi32, #tpu.memory_space<vmem>>, vector<16xi32>,
      tpu.vector_store %arg14[%swap3A_324], %add3A_321 {strides = array<i32>} : memref<128xi32, #tpu.memory_space<vmem>>, vector<16xi32>,
      %add3A_326 = arith.constant 125000 : i32
      %add3A_327 = vector.broadcast %add3A_326 : i32 to vector<16xi32>
      %add3A_328 = arith.addi %shift_right_logical3A_277, %add3A_327 : vector<16xi32>
      %mul3A_329 = arith.constant 16 : i32
      %mul3A_330 = arith.muli %scan3A_272, %mul3A_329 : i32
      %swap3A_331 = arith.index_cast %mul3A_330 : i32 to index
      %swap3A_332 = tpu.vector_load %arg15[%swap3A_331] {strides = array<i32>} : memref<128xi32, #tpu.memory_space<vmem>>, vector<16xi32>,
      tpu.vector_store %arg15[%swap3A_331], %add3A_328 {strides = array<i32>} : memref<128xi32, #tpu.memory_space<vmem>>, vector<16xi32>,
    }
    %scan3A_77 = arith.constant 8 : i32
    %dma_start3A_78 = arith.constant 0 : i32
    %dma_start3A_79 = arith.constant 0 : i32
    %dma_start3A_80 = tpu.memref_slice %arg3[%dma_start3A_78, %dma_start3A_79] : memref<750000x8xf32, #tpu.memory_space<hbm>> -> memref<750000x8xf32, #tpu.memory_space<hbm>>
    tpu.enqueue_indirect_dma source(%dma_start3A_80 : memref<750000x8xf32, #tpu.memory_space<hbm>>) target(%arg16 : memref<128x8xf32, #tpu.memory_space<vmem>>) offsets(%arg8 : memref<128xi32, #tpu.memory_space<vmem>>) semaphore(%arg26 : memref<!tpu.dma_semaphore, #tpu.memory_space<semaphore_mem>>)
    %dma_start3A_81 = arith.constant 0 : i32
    %dma_start3A_82 = arith.constant 0 : i32
    %dma_start3A_83 = tpu.memref_slice %arg3[%dma_start3A_81, %dma_start3A_82] : memref<750000x8xf32, #tpu.memory_space<hbm>> -> memref<750000x8xf32, #tpu.memory_space<hbm>>
    tpu.enqueue_indirect_dma source(%dma_start3A_83 : memref<750000x8xf32, #tpu.memory_space<hbm>>) target(%arg17 : memref<128x8xf32, #tpu.memory_space<vmem>>) offsets(%arg9 : memref<128xi32, #tpu.memory_space<vmem>>) semaphore(%arg26 : memref<!tpu.dma_semaphore, #tpu.memory_space<semaphore_mem>>)
    %dma_start3A_84 = arith.constant 0 : i32
    %dma_start3A_85 = arith.constant 0 : i32
    %dma_start3A_86 = tpu.memref_slice %arg3[%dma_start3A_84, %dma_start3A_85] : memref<750000x8xf32, #tpu.memory_space<hbm>> -> memref<750000x8xf32, #tpu.memory_space<hbm>>
    tpu.enqueue_indirect_dma source(%dma_start3A_86 : memref<750000x8xf32, #tpu.memory_space<hbm>>) target(%arg18 : memref<128x8xf32, #tpu.memory_space<vmem>>) offsets(%arg10 : memref<128xi32, #tpu.memory_space<vmem>>) semaphore(%arg26 : memref<!tpu.dma_semaphore, #tpu.memory_space<semaphore_mem>>)
    %dma_start3A_87 = arith.constant 0 : i32
    %dma_start3A_88 = arith.constant 0 : i32
    %dma_start3A_89 = tpu.memref_slice %arg3[%dma_start3A_87, %dma_start3A_88] : memref<750000x8xf32, #tpu.memory_space<hbm>> -> memref<750000x8xf32, #tpu.memory_space<hbm>>
    tpu.enqueue_indirect_dma source(%dma_start3A_89 : memref<750000x8xf32, #tpu.memory_space<hbm>>) target(%arg19 : memref<128x8xf32, #tpu.memory_space<vmem>>) offsets(%arg11 : memref<128xi32, #tpu.memory_space<vmem>>) semaphore(%arg26 : memref<!tpu.dma_semaphore, #tpu.memory_space<semaphore_mem>>)
    %dma_start3A_90 = arith.constant 0 : i32
    %dma_start3A_91 = arith.constant 0 : i32
    %dma_start3A_92 = tpu.memref_slice %arg3[%dma_start3A_90, %dma_start3A_91] : memref<750000x8xf32, #tpu.memory_space<hbm>> -> memref<750000x8xf32, #tpu.memory_space<hbm>>
    tpu.enqueue_indirect_dma source(%dma_start3A_92 : memref<750000x8xf32, #tpu.memory_space<hbm>>) target(%arg20 : memref<128x8xf32, #tpu.memory_space<vmem>>) offsets(%arg12 : memref<128xi32, #tpu.memory_space<vmem>>) semaphore(%arg26 : memref<!tpu.dma_semaphore, #tpu.memory_space<semaphore_mem>>)
    %dma_start3A_93 = arith.constant 0 : i32
    %dma_start3A_94 = arith.constant 0 : i32
    %dma_start3A_95 = tpu.memref_slice %arg3[%dma_start3A_93, %dma_start3A_94] : memref<750000x8xf32, #tpu.memory_space<hbm>> -> memref<750000x8xf32, #tpu.memory_space<hbm>>
    tpu.enqueue_indirect_dma source(%dma_start3A_95 : memref<750000x8xf32, #tpu.memory_space<hbm>>) target(%arg21 : memref<128x8xf32, #tpu.memory_space<vmem>>) offsets(%arg13 : memref<128xi32, #tpu.memory_space<vmem>>) semaphore(%arg26 : memref<!tpu.dma_semaphore, #tpu.memory_space<semaphore_mem>>)
    %dma_start3A_96 = arith.constant 0 : i32
    %dma_start3A_97 = arith.constant 0 : i32
    %dma_start3A_98 = tpu.memref_slice %arg4[%dma_start3A_96, %dma_start3A_97] : memref<250000x8xf32, #tpu.memory_space<hbm>> -> memref<250000x8xf32, #tpu.memory_space<hbm>>
    tpu.enqueue_indirect_dma source(%dma_start3A_98 : memref<250000x8xf32, #tpu.memory_space<hbm>>) target(%arg22 : memref<128x8xf32, #tpu.memory_space<vmem>>) offsets(%arg14 : memref<128xi32, #tpu.memory_space<vmem>>) semaphore(%arg26 : memref<!tpu.dma_semaphore, #tpu.memory_space<semaphore_mem>>)
    %dma_start3A_99 = arith.constant 0 : i32
    %dma_start3A_100 = arith.constant 0 : i32
    %dma_start3A_101 = tpu.memref_slice %arg4[%dma_start3A_99, %dma_start3A_100] : memref<250000x8xf32, #tpu.memory_space<hbm>> -> memref<250000x8xf32, #tpu.memory_space<hbm>>
    tpu.enqueue_indirect_dma source(%dma_start3A_101 : memref<250000x8xf32, #tpu.memory_space<hbm>>) target(%arg23 : memref<128x8xf32, #tpu.memory_space<vmem>>) offsets(%arg15 : memref<128xi32, #tpu.memory_space<vmem>>) semaphore(%arg26 : memref<!tpu.dma_semaphore, #tpu.memory_space<semaphore_mem>>)
    %dma_wait3A_102 = arith.constant 0 : i32
    %dma_wait3A_103 = arith.constant 0 : i32
    %dma_wait3A_104 = tpu.memref_slice %arg3[%dma_wait3A_102, %dma_wait3A_103] : memref<750000x8xf32, #tpu.memory_space<hbm>> -> memref<750000x8xf32, #tpu.memory_space<hbm>>
    tpu.wait_indirect_dma semaphore(%arg26 : memref<!tpu.dma_semaphore, #tpu.memory_space<semaphore_mem>>) src(%dma_wait3A_104 : memref<750000x8xf32, #tpu.memory_space<hbm>>) dst(%arg16 : memref<128x8xf32, #tpu.memory_space<vmem>>)
    %dma_wait3A_105 = arith.constant 0 : i32
    %dma_wait3A_106 = arith.constant 0 : i32
    %dma_wait3A_107 = tpu.memref_slice %arg3[%dma_wait3A_105, %dma_wait3A_106] : memref<750000x8xf32, #tpu.memory_space<hbm>> -> memref<750000x8xf32, #tpu.memory_space<hbm>>
    tpu.wait_indirect_dma semaphore(%arg26 : memref<!tpu.dma_semaphore, #tpu.memory_space<semaphore_mem>>) src(%dma_wait3A_107 : memref<750000x8xf32, #tpu.memory_space<hbm>>) dst(%arg17 : memref<128x8xf32, #tpu.memory_space<vmem>>)
    %dma_wait3A_108 = arith.constant 0 : i32
    %dma_wait3A_109 = arith.constant 0 : i32
    %dma_wait3A_110 = tpu.memref_slice %arg3[%dma_wait3A_108, %dma_wait3A_109] : memref<750000x8xf32, #tpu.memory_space<hbm>> -> memref<750000x8xf32, #tpu.memory_space<hbm>>
    tpu.wait_indirect_dma semaphore(%arg26 : memref<!tpu.dma_semaphore, #tpu.memory_space<semaphore_mem>>) src(%dma_wait3A_110 : memref<750000x8xf32, #tpu.memory_space<hbm>>) dst(%arg18 : memref<128x8xf32, #tpu.memory_space<vmem>>)
    %dma_wait3A_111 = arith.constant 0 : i32
    %dma_wait3A_112 = arith.constant 0 : i32
    %dma_wait3A_113 = tpu.memref_slice %arg3[%dma_wait3A_111, %dma_wait3A_112] : memref<750000x8xf32, #tpu.memory_space<hbm>> -> memref<750000x8xf32, #tpu.memory_space<hbm>>
    tpu.wait_indirect_dma semaphore(%arg26 : memref<!tpu.dma_semaphore, #tpu.memory_space<semaphore_mem>>) src(%dma_wait3A_113 : memref<750000x8xf32, #tpu.memory_space<hbm>>) dst(%arg19 : memref<128x8xf32, #tpu.memory_space<vmem>>)
    %dma_wait3A_114 = arith.constant 0 : i32
    %dma_wait3A_115 = arith.constant 0 : i32
    %dma_wait3A_116 = tpu.memref_slice %arg3[%dma_wait3A_114, %dma_wait3A_115] : memref<750000x8xf32, #tpu.memory_space<hbm>> -> memref<750000x8xf32, #tpu.memory_space<hbm>>
    tpu.wait_indirect_dma semaphore(%arg26 : memref<!tpu.dma_semaphore, #tpu.memory_space<semaphore_mem>>) src(%dma_wait3A_116 : memref<750000x8xf32, #tpu.memory_space<hbm>>) dst(%arg20 : memref<128x8xf32, #tpu.memory_space<vmem>>)
    %dma_wait3A_117 = arith.constant 0 : i32
    %dma_wait3A_118 = arith.constant 0 : i32
    %dma_wait3A_119 = tpu.memref_slice %arg3[%dma_wait3A_117, %dma_wait3A_118] : memref<750000x8xf32, #tpu.memory_space<hbm>> -> memref<750000x8xf32, #tpu.memory_space<hbm>>
    tpu.wait_indirect_dma semaphore(%arg26 : memref<!tpu.dma_semaphore, #tpu.memory_space<semaphore_mem>>) src(%dma_wait3A_119 : memref<750000x8xf32, #tpu.memory_space<hbm>>) dst(%arg21 : memref<128x8xf32, #tpu.memory_space<vmem>>)
    %dma_wait3A_120 = arith.constant 0 : i32
    %dma_wait3A_121 = arith.constant 0 : i32
    %dma_wait3A_122 = tpu.memref_slice %arg4[%dma_wait3A_120, %dma_wait3A_121] : memref<250000x8xf32, #tpu.memory_space<hbm>> -> memref<250000x8xf32, #tpu.memory_space<hbm>>
    tpu.wait_indirect_dma semaphore(%arg26 : memref<!tpu.dma_semaphore, #tpu.memory_space<semaphore_mem>>) src(%dma_wait3A_122 : memref<250000x8xf32, #tpu.memory_space<hbm>>) dst(%arg22 : memref<128x8xf32, #tpu.memory_space<vmem>>)
    %dma_wait3A_123 = arith.constant 0 : i32
    %dma_wait3A_124 = arith.constant 0 : i32
    %dma_wait3A_125 = tpu.memref_slice %arg4[%dma_wait3A_123, %dma_wait3A_124] : memref<250000x8xf32, #tpu.memory_space<hbm>> -> memref<250000x8xf32, #tpu.memory_space<hbm>>
    tpu.wait_indirect_dma semaphore(%arg26 : memref<!tpu.dma_semaphore, #tpu.memory_space<semaphore_mem>>) src(%dma_wait3A_125 : memref<250000x8xf32, #tpu.memory_space<hbm>>) dst(%arg23 : memref<128x8xf32, #tpu.memory_space<vmem>>)
    %scan3A_126 = arith.constant 0 : i32
    %scan3A_127 = arith.constant 0 : i32
    %scan3A_128 = arith.constant 8 : i32
    %scan3A_129 = arith.addi %scan3A_127, %scan3A_128 : i32
    %scan3A_130 = arith.constant 1 : i32
    scf.for %scan3A_272 = %scan3A_127 to %scan3A_129 step %scan3A_130  : i32 {
      %mul3A_273 = arith.constant 16 : i32
      %mul3A_274 = arith.muli %scan3A_272, %mul3A_273 : i32
      %iota3A = tpu.iota {dimensions = array<i32: 0>} : vector<16xi32>
      %add3A_275 = vector.broadcast %mul3A_274 : i32 to vector<16xi32>
      %add3A_276 = arith.addi %iota3A, %add3A_275 : vector<16xi32>
      %get3A = arith.index_cast %mul3A_274 : i32 to index
      %get3A_277 = tpu.vector_load %arg7[%get3A] {strides = array<i32>} : memref<128xi32, #tpu.memory_space<vmem>>, vector<16xi32>,
      %and3A = arith.constant 7 : i32
      %and3A_278 = vector.broadcast %and3A : i32 to vector<16xi32>
      %and3A_279 = arith.andi %get3A_277, %and3A_278 : vector<16xi32>
      %gather3A = tpu.vector_load_idx %arg16[%add3A_276, %and3A_279] : memref<128x8xf32, #tpu.memory_space<vmem>>[vector<16xi32>, vector<16xi32>], vector<16xf32>,
      %gather3A_280 = tpu.vector_load_idx %arg17[%add3A_276, %and3A_279] : memref<128x8xf32, #tpu.memory_space<vmem>>[vector<16xi32>, vector<16xi32>], vector<16xf32>,
      %gather3A_281 = tpu.vector_load_idx %arg18[%add3A_276, %and3A_279] : memref<128x8xf32, #tpu.memory_space<vmem>>[vector<16xi32>, vector<16xi32>], vector<16xf32>,
      %gather3A_282 = tpu.vector_load_idx %arg19[%add3A_276, %and3A_279] : memref<128x8xf32, #tpu.memory_space<vmem>>[vector<16xi32>, vector<16xi32>], vector<16xf32>,
      %gather3A_283 = tpu.vector_load_idx %arg20[%add3A_276, %and3A_279] : memref<128x8xf32, #tpu.memory_space<vmem>>[vector<16xi32>, vector<16xi32>], vector<16xf32>,
      %gather3A_284 = tpu.vector_load_idx %arg21[%add3A_276, %and3A_279] : memref<128x8xf32, #tpu.memory_space<vmem>>[vector<16xi32>, vector<16xi32>], vector<16xf32>,
      %mul3A_285 = arith.mulf %gather3A, %gather3A : vector<16xf32>
      %mul3A_286 = arith.mulf %gather3A_280, %gather3A_280 : vector<16xf32>
      %add3A_287 = arith.addf %mul3A_285, %mul3A_286 : vector<16xf32>
      %mul3A_288 = arith.mulf %gather3A_281, %gather3A_281 : vector<16xf32>
      %add3A_289 = arith.addf %add3A_287, %mul3A_288 : vector<16xf32>
      %bitcast3A = vector.bitcast %add3A_289 : vector<16xf32> to vector<16xi32>
      %shift_right_logical3A = arith.constant 1 : i32
      %shift_right_logical3A_290 = vector.broadcast %shift_right_logical3A : i32 to vector<16xi32>
      %shift_right_logical3A_291 = arith.shrui %bitcast3A, %shift_right_logical3A_290 : vector<16xi32>
      %sub3A = arith.constant 1597463007 : i32
      %sub3A_292 = vector.broadcast %sub3A : i32 to vector<16xi32>
      %sub3A_293 = arith.subi %sub3A_292, %shift_right_logical3A_291 : vector<16xi32>
      %bitcast3A_294 = vector.bitcast %sub3A_293 : vector<16xi32> to vector<16xf32>
      %mul3A_295 = arith.constant 5.000000e-01 : f32
      %mul3A_296 = vector.broadcast %mul3A_295 : f32 to vector<16xf32>
      %mul3A_297 = arith.mulf %mul3A_296, %add3A_289 : vector<16xf32>
      %mul3A_298 = arith.mulf %mul3A_297, %bitcast3A_294 : vector<16xf32>
      %mul3A_299 = arith.mulf %mul3A_298, %bitcast3A_294 : vector<16xf32>
      %sub3A_300 = arith.constant 1.500000e+00 : f32
      %sub3A_301 = vector.broadcast %sub3A_300 : f32 to vector<16xf32>
      %sub3A_302 = arith.subf %sub3A_301, %mul3A_299 : vector<16xf32>
      %mul3A_303 = arith.mulf %bitcast3A_294, %sub3A_302 : vector<16xf32>
      %mul3A_304 = arith.constant 5.000000e-01 : f32
      %mul3A_305 = vector.broadcast %mul3A_304 : f32 to vector<16xf32>
      %mul3A_306 = arith.mulf %mul3A_305, %add3A_289 : vector<16xf32>
      %mul3A_307 = arith.mulf %mul3A_306, %mul3A_303 : vector<16xf32>
      %mul3A_308 = arith.mulf %mul3A_307, %mul3A_303 : vector<16xf32>
      %sub3A_309 = arith.constant 1.500000e+00 : f32
      %sub3A_310 = vector.broadcast %sub3A_309 : f32 to vector<16xf32>
      %sub3A_311 = arith.subf %sub3A_310, %mul3A_308 : vector<16xf32>
      %mul3A_312 = arith.mulf %mul3A_303, %sub3A_311 : vector<16xf32>
      %mul3A_313 = arith.constant 5.000000e-01 : f32
      %mul3A_314 = vector.broadcast %mul3A_313 : f32 to vector<16xf32>
      %mul3A_315 = arith.mulf %mul3A_314, %add3A_289 : vector<16xf32>
      %mul3A_316 = arith.mulf %mul3A_315, %mul3A_312 : vector<16xf32>
      %mul3A_317 = arith.mulf %mul3A_316, %mul3A_312 : vector<16xf32>
      %sub3A_318 = arith.constant 1.500000e+00 : f32
      %sub3A_319 = vector.broadcast %sub3A_318 : f32 to vector<16xf32>
      %sub3A_320 = arith.subf %sub3A_319, %mul3A_317 : vector<16xf32>
      %mul3A_321 = arith.mulf %mul3A_312, %sub3A_320 : vector<16xf32>
      %mul3A_322 = arith.mulf %gather3A, %mul3A_321 : vector<16xf32>
      %mul3A_323 = arith.mulf %gather3A_280, %mul3A_321 : vector<16xf32>
      %mul3A_324 = arith.mulf %gather3A_281, %mul3A_321 : vector<16xf32>
      %mul3A_325 = arith.mulf %mul3A_322, %gather3A_282 : vector<16xf32>
      %mul3A_326 = arith.mulf %mul3A_323, %gather3A_283 : vector<16xf32>
      %add3A_327 = arith.addf %mul3A_325, %mul3A_326 : vector<16xf32>
      %mul3A_328 = arith.mulf %mul3A_324, %gather3A_284 : vector<16xf32>
      %add3A_329 = arith.addf %add3A_327, %mul3A_328 : vector<16xf32>
      %mul3A_330 = arith.mulf %add3A_329, %mul3A_322 : vector<16xf32>
      %sub3A_331 = arith.subf %gather3A_282, %mul3A_330 : vector<16xf32>
      %mul3A_332 = arith.mulf %add3A_329, %mul3A_323 : vector<16xf32>
      %sub3A_333 = arith.subf %gather3A_283, %mul3A_332 : vector<16xf32>
      %mul3A_334 = arith.mulf %add3A_329, %mul3A_324 : vector<16xf32>
      %sub3A_335 = arith.subf %gather3A_284, %mul3A_334 : vector<16xf32>
      %mul3A_336 = arith.mulf %sub3A_331, %sub3A_331 : vector<16xf32>
      %mul3A_337 = arith.mulf %sub3A_333, %sub3A_333 : vector<16xf32>
      %add3A_338 = arith.addf %mul3A_336, %mul3A_337 : vector<16xf32>
      %mul3A_339 = arith.mulf %sub3A_335, %sub3A_335 : vector<16xf32>
      %add3A_340 = arith.addf %add3A_338, %mul3A_339 : vector<16xf32>
      %bitcast3A_341 = vector.bitcast %add3A_340 : vector<16xf32> to vector<16xi32>
      %shift_right_logical3A_342 = arith.constant 1 : i32
      %shift_right_logical3A_343 = vector.broadcast %shift_right_logical3A_342 : i32 to vector<16xi32>
      %shift_right_logical3A_344 = arith.shrui %bitcast3A_341, %shift_right_logical3A_343 : vector<16xi32>
      %sub3A_345 = arith.constant 1597463007 : i32
      %sub3A_346 = vector.broadcast %sub3A_345 : i32 to vector<16xi32>
      %sub3A_347 = arith.subi %sub3A_346, %shift_right_logical3A_344 : vector<16xi32>
      %bitcast3A_348 = vector.bitcast %sub3A_347 : vector<16xi32> to vector<16xf32>
      %mul3A_349 = arith.constant 5.000000e-01 : f32
      %mul3A_350 = vector.broadcast %mul3A_349 : f32 to vector<16xf32>
      %mul3A_351 = arith.mulf %mul3A_350, %add3A_340 : vector<16xf32>
      %mul3A_352 = arith.mulf %mul3A_351, %bitcast3A_348 : vector<16xf32>
      %mul3A_353 = arith.mulf %mul3A_352, %bitcast3A_348 : vector<16xf32>
      %sub3A_354 = arith.constant 1.500000e+00 : f32
      %sub3A_355 = vector.broadcast %sub3A_354 : f32 to vector<16xf32>
      %sub3A_356 = arith.subf %sub3A_355, %mul3A_353 : vector<16xf32>
      %mul3A_357 = arith.mulf %bitcast3A_348, %sub3A_356 : vector<16xf32>
      %mul3A_358 = arith.constant 5.000000e-01 : f32
      %mul3A_359 = vector.broadcast %mul3A_358 : f32 to vector<16xf32>
      %mul3A_360 = arith.mulf %mul3A_359, %add3A_340 : vector<16xf32>
      %mul3A_361 = arith.mulf %mul3A_360, %mul3A_357 : vector<16xf32>
      %mul3A_362 = arith.mulf %mul3A_361, %mul3A_357 : vector<16xf32>
      %sub3A_363 = arith.constant 1.500000e+00 : f32
      %sub3A_364 = vector.broadcast %sub3A_363 : f32 to vector<16xf32>
      %sub3A_365 = arith.subf %sub3A_364, %mul3A_362 : vector<16xf32>
      %mul3A_366 = arith.mulf %mul3A_357, %sub3A_365 : vector<16xf32>
      %mul3A_367 = arith.constant 5.000000e-01 : f32
      %mul3A_368 = vector.broadcast %mul3A_367 : f32 to vector<16xf32>
      %mul3A_369 = arith.mulf %mul3A_368, %add3A_340 : vector<16xf32>
      %mul3A_370 = arith.mulf %mul3A_369, %mul3A_366 : vector<16xf32>
      %mul3A_371 = arith.mulf %mul3A_370, %mul3A_366 : vector<16xf32>
      %sub3A_372 = arith.constant 1.500000e+00 : f32
      %sub3A_373 = vector.broadcast %sub3A_372 : f32 to vector<16xf32>
      %sub3A_374 = arith.subf %sub3A_373, %mul3A_371 : vector<16xf32>
      %mul3A_375 = arith.mulf %mul3A_366, %sub3A_374 : vector<16xf32>
      %mul3A_376 = arith.mulf %sub3A_331, %mul3A_375 : vector<16xf32>
      %mul3A_377 = arith.mulf %sub3A_333, %mul3A_375 : vector<16xf32>
      %mul3A_378 = arith.mulf %sub3A_335, %mul3A_375 : vector<16xf32>
      %mul3A_379 = arith.mulf %mul3A_323, %mul3A_378 : vector<16xf32>
      %mul3A_380 = arith.mulf %mul3A_324, %mul3A_377 : vector<16xf32>
      %sub3A_381 = arith.subf %mul3A_379, %mul3A_380 : vector<16xf32>
      %mul3A_382 = arith.mulf %mul3A_324, %mul3A_376 : vector<16xf32>
      %mul3A_383 = arith.mulf %mul3A_322, %mul3A_378 : vector<16xf32>
      %sub3A_384 = arith.subf %mul3A_382, %mul3A_383 : vector<16xf32>
      %mul3A_385 = arith.mulf %mul3A_322, %mul3A_377 : vector<16xf32>
      %mul3A_386 = arith.mulf %mul3A_323, %mul3A_376 : vector<16xf32>
      %sub3A_387 = arith.subf %mul3A_385, %mul3A_386 : vector<16xf32>
      %broadcast_in_dim3A = arith.constant 0 : i32
      %broadcast_in_dim3A_388 = vector.broadcast %broadcast_in_dim3A : i32 to vector<16xi32>
      tpu.vector_store_idx %arg24[%add3A_276, %broadcast_in_dim3A_388], %mul3A_322 : memref<128x9xf32, #tpu.memory_space<vmem>>[vector<16xi32>, vector<16xi32>], vector<16xf32>,
      %broadcast_in_dim3A_389 = arith.constant 1 : i32
      %broadcast_in_dim3A_390 = vector.broadcast %broadcast_in_dim3A_389 : i32 to vector<16xi32>
      tpu.vector_store_idx %arg24[%add3A_276, %broadcast_in_dim3A_390], %mul3A_323 : memref<128x9xf32, #tpu.memory_space<vmem>>[vector<16xi32>, vector<16xi32>], vector<16xf32>,
      %broadcast_in_dim3A_391 = arith.constant 2 : i32
      %broadcast_in_dim3A_392 = vector.broadcast %broadcast_in_dim3A_391 : i32 to vector<16xi32>
      tpu.vector_store_idx %arg24[%add3A_276, %broadcast_in_dim3A_392], %mul3A_324 : memref<128x9xf32, #tpu.memory_space<vmem>>[vector<16xi32>, vector<16xi32>], vector<16xf32>,
      %broadcast_in_dim3A_393 = arith.constant 3 : i32
      %broadcast_in_dim3A_394 = vector.broadcast %broadcast_in_dim3A_393 : i32 to vector<16xi32>
      tpu.vector_store_idx %arg24[%add3A_276, %broadcast_in_dim3A_394], %mul3A_376 : memref<128x9xf32, #tpu.memory_space<vmem>>[vector<16xi32>, vector<16xi32>], vector<16xf32>,
      %broadcast_in_dim3A_395 = arith.constant 4 : i32
      %broadcast_in_dim3A_396 = vector.broadcast %broadcast_in_dim3A_395 : i32 to vector<16xi32>
      tpu.vector_store_idx %arg24[%add3A_276, %broadcast_in_dim3A_396], %mul3A_377 : memref<128x9xf32, #tpu.memory_space<vmem>>[vector<16xi32>, vector<16xi32>], vector<16xf32>,
      %broadcast_in_dim3A_397 = arith.constant 5 : i32
      %broadcast_in_dim3A_398 = vector.broadcast %broadcast_in_dim3A_397 : i32 to vector<16xi32>
      tpu.vector_store_idx %arg24[%add3A_276, %broadcast_in_dim3A_398], %mul3A_378 : memref<128x9xf32, #tpu.memory_space<vmem>>[vector<16xi32>, vector<16xi32>], vector<16xf32>,
      %broadcast_in_dim3A_399 = arith.constant 6 : i32
      %broadcast_in_dim3A_400 = vector.broadcast %broadcast_in_dim3A_399 : i32 to vector<16xi32>
      tpu.vector_store_idx %arg24[%add3A_276, %broadcast_in_dim3A_400], %sub3A_381 : memref<128x9xf32, #tpu.memory_space<vmem>>[vector<16xi32>, vector<16xi32>], vector<16xf32>,
      %broadcast_in_dim3A_401 = arith.constant 7 : i32
      %broadcast_in_dim3A_402 = vector.broadcast %broadcast_in_dim3A_401 : i32 to vector<16xi32>
      tpu.vector_store_idx %arg24[%add3A_276, %broadcast_in_dim3A_402], %sub3A_384 : memref<128x9xf32, #tpu.memory_space<vmem>>[vector<16xi32>, vector<16xi32>], vector<16xf32>,
      %broadcast_in_dim3A_403 = arith.constant 8 : i32
      %broadcast_in_dim3A_404 = vector.broadcast %broadcast_in_dim3A_403 : i32 to vector<16xi32>
      tpu.vector_store_idx %arg24[%add3A_276, %broadcast_in_dim3A_404], %sub3A_387 : memref<128x9xf32, #tpu.memory_space<vmem>>[vector<16xi32>, vector<16xi32>], vector<16xf32>,
      %gather3A_405 = tpu.vector_load_idx %arg22[%add3A_276, %and3A_279] : memref<128x8xf32, #tpu.memory_space<vmem>>[vector<16xi32>, vector<16xi32>], vector<16xf32>,
      %broadcast_in_dim3A_406 = arith.constant 0 : i32
      %broadcast_in_dim3A_407 = vector.broadcast %broadcast_in_dim3A_406 : i32 to vector<16xi32>
      tpu.vector_store_idx %arg25[%add3A_276, %broadcast_in_dim3A_407], %gather3A_405 : memref<128x2xf32, #tpu.memory_space<vmem>>[vector<16xi32>, vector<16xi32>], vector<16xf32>,
      %gather3A_408 = tpu.vector_load_idx %arg23[%add3A_276, %and3A_279] : memref<128x8xf32, #tpu.memory_space<vmem>>[vector<16xi32>, vector<16xi32>], vector<16xf32>,
      %broadcast_in_dim3A_409 = arith.constant 1 : i32
      %broadcast_in_dim3A_410 = vector.broadcast %broadcast_in_dim3A_409 : i32 to vector<16xi32>
      tpu.vector_store_idx %arg25[%add3A_276, %broadcast_in_dim3A_410], %gather3A_408 : memref<128x2xf32, #tpu.memory_space<vmem>>[vector<16xi32>, vector<16xi32>], vector<16xf32>,
    }
    %scan3A_131 = arith.constant 8 : i32
    %add3A_132 = arith.constant 128 : i32
    %add3A_133 = arith.addi %mul3A_2, %add3A_132 : i32
    "tpu.region"() ({
      %run_scoped3A = tpu.sem_alloc : memref<!tpu.dma_semaphore, #tpu.memory_space<semaphore_mem>>
      %dma_start3A_272 = arith.constant 0 : i32
      %dma_start3A_273 = tpu.memref_slice %arg5[%add3A_133, %dma_start3A_272] : memref<16384x9xf32, #tpu.memory_space<hbm>> -> memref<128x9xf32, #tpu.memory_space<hbm>>
      %dma_start3A_274 = arith.constant 0 : i32
      %dma_start3A_275 = tpu.memref_slice %arg5[%add3A_133, %dma_start3A_274] : memref<16384x9xf32, #tpu.memory_space<hbm>> -> memref<128x9xf32, #tpu.memory_space<hbm>>
      tpu.enqueue_dma source(%arg24 : memref<128x9xf32, #tpu.memory_space<vmem>>) target(%dma_start3A_275 : memref<128x9xf32, #tpu.memory_space<hbm>>) target_semaphore(%run_scoped3A : memref<!tpu.dma_semaphore, #tpu.memory_space<semaphore_mem>>)
      %dma_wait3A_276 = arith.constant 0 : i32
      %dma_wait3A_277 = tpu.memref_slice %arg5[%add3A_133, %dma_wait3A_276] : memref<16384x9xf32, #tpu.memory_space<hbm>> -> memref<128x9xf32, #tpu.memory_space<hbm>>
      %dma_wait3A_278 = arith.constant 0 : i32
      %dma_wait3A_279 = tpu.memref_slice %arg5[%add3A_133, %dma_wait3A_278] : memref<16384x9xf32, #tpu.memory_space<hbm>> -> memref<128x9xf32, #tpu.memory_space<hbm>>
      tpu.wait_dma2 semaphore(%run_scoped3A : memref<!tpu.dma_semaphore, #tpu.memory_space<semaphore_mem>>) src(%arg24 : memref<128x9xf32, #tpu.memory_space<vmem>>) dst(%dma_wait3A_279 : memref<128x9xf32, #tpu.memory_space<hbm>>)
      tpu.yield
    }) : () -> ()
    %add3A_134 = arith.constant 128 : i32
    %add3A_135 = arith.addi %mul3A_2, %add3A_134 : i32
    "tpu.region"() ({
      %run_scoped3A = tpu.sem_alloc : memref<!tpu.dma_semaphore, #tpu.memory_space<semaphore_mem>>
      %dma_start3A_272 = arith.constant 0 : i32
      %dma_start3A_273 = tpu.memref_slice %arg6[%add3A_135, %dma_start3A_272] : memref<16384x2xf32, #tpu.memory_space<hbm>> -> memref<128x2xf32, #tpu.memory_space<hbm>>
      %dma_start3A_274 = arith.constant 0 : i32
      %dma_start3A_275 = tpu.memref_slice %arg6[%add3A_135, %dma_start3A_274] : memref<16384x2xf32, #tpu.memory_space<hbm>> -> memref<128x2xf32, #tpu.memory_space<hbm>>
      tpu.enqueue_dma source(%arg25 : memref<128x2xf32, #tpu.memory_space<vmem>>) target(%dma_start3A_275 : memref<128x2xf32, #tpu.memory_space<hbm>>) target_semaphore(%run_scoped3A : memref<!tpu.dma_semaphore, #tpu.memory_space<semaphore_mem>>)
      %dma_wait3A_276 = arith.constant 0 : i32
      %dma_wait3A_277 = tpu.memref_slice %arg6[%add3A_135, %dma_wait3A_276] : memref<16384x2xf32, #tpu.memory_space<hbm>> -> memref<128x2xf32, #tpu.memory_space<hbm>>
      %dma_wait3A_278 = arith.constant 0 : i32
      %dma_wait3A_279 = tpu.memref_slice %arg6[%add3A_135, %dma_wait3A_278] : memref<16384x2xf32, #tpu.memory_space<hbm>> -> memref<128x2xf32, #tpu.memory_space<hbm>>
      tpu.wait_dma2 semaphore(%run_scoped3A : memref<!tpu.dma_semaphore, #tpu.memory_space<semaphore_mem>>) src(%arg25 : memref<128x2xf32, #tpu.memory_space<vmem>>) dst(%dma_wait3A_279 : memref<128x2xf32, #tpu.memory_space<hbm>>)
      tpu.yield
    }) : () -> ()
    %mul3A_136 = arith.constant 4 : i32
    %mul3A_137 = arith.muli %add3A, %mul3A_136 : i32
    %add3A_138 = arith.constant 2 : i32
    %add3A_139 = arith.addi %mul3A_137, %add3A_138 : i32
    "tpu.region"() ({
      %run_scoped3A = tpu.sem_alloc : memref<!tpu.dma_semaphore, #tpu.memory_space<semaphore_mem>>
      %dma_start3A_272 = arith.constant 0 : i32
      %dma_start3A_273 = tpu.memref_slice %arg2[%add3A_139, %dma_start3A_272] : memref<128x128xi32, #tpu.memory_space<hbm>> -> memref<1x128xi32, #tpu.memory_space<hbm>>
      %dma_start3A_274 = tpu.memref_squeeze %dma_start3A_273 : memref<1x128xi32, #tpu.memory_space<hbm>> -> memref<128xi32, #tpu.memory_space<hbm>>
      %dma_start3A_275 = arith.constant 0 : i32
      %dma_start3A_276 = tpu.memref_slice %arg2[%add3A_139, %dma_start3A_275] : memref<128x128xi32, #tpu.memory_space<hbm>> -> memref<1x128xi32, #tpu.memory_space<hbm>>
      %dma_start3A_277 = tpu.memref_squeeze %dma_start3A_276 : memref<1x128xi32, #tpu.memory_space<hbm>> -> memref<128xi32, #tpu.memory_space<hbm>>
      tpu.enqueue_dma source(%dma_start3A_277 : memref<128xi32, #tpu.memory_space<hbm>>) target(%arg7 : memref<128xi32, #tpu.memory_space<vmem>>) target_semaphore(%run_scoped3A : memref<!tpu.dma_semaphore, #tpu.memory_space<semaphore_mem>>)
      %dma_wait3A_278 = arith.constant 0 : i32
      %dma_wait3A_279 = tpu.memref_slice %arg2[%add3A_139, %dma_wait3A_278] : memref<128x128xi32, #tpu.memory_space<hbm>> -> memref<1x128xi32, #tpu.memory_space<hbm>>
      %dma_wait3A_280 = tpu.memref_squeeze %dma_wait3A_279 : memref<1x128xi32, #tpu.memory_space<hbm>> -> memref<128xi32, #tpu.memory_space<hbm>>
      %dma_wait3A_281 = arith.constant 0 : i32
      %dma_wait3A_282 = tpu.memref_slice %arg2[%add3A_139, %dma_wait3A_281] : memref<128x128xi32, #tpu.memory_space<hbm>> -> memref<1x128xi32, #tpu.memory_space<hbm>>
      %dma_wait3A_283 = tpu.memref_squeeze %dma_wait3A_282 : memref<1x128xi32, #tpu.memory_space<hbm>> -> memref<128xi32, #tpu.memory_space<hbm>>
      tpu.wait_dma2 semaphore(%run_scoped3A : memref<!tpu.dma_semaphore, #tpu.memory_space<semaphore_mem>>) src(%dma_wait3A_283 : memref<128xi32, #tpu.memory_space<hbm>>) dst(%arg7 : memref<128xi32, #tpu.memory_space<vmem>>)
      tpu.yield
    }) : () -> ()
    %scan3A_140 = arith.constant 0 : i32
    %scan3A_141 = arith.constant 0 : i32
    %scan3A_142 = arith.constant 8 : i32
    %scan3A_143 = arith.addi %scan3A_141, %scan3A_142 : i32
    %scan3A_144 = arith.constant 1 : i32
    scf.for %scan3A_272 = %scan3A_141 to %scan3A_143 step %scan3A_144  : i32 {
      %mul3A_273 = arith.constant 16 : i32
      %mul3A_274 = arith.muli %scan3A_272, %mul3A_273 : i32
      %get3A = arith.index_cast %mul3A_274 : i32 to index
      %get3A_275 = tpu.vector_load %arg7[%get3A] {strides = array<i32>} : memref<128xi32, #tpu.memory_space<vmem>>, vector<16xi32>,
      %shift_right_logical3A = arith.constant 3 : i32
      %shift_right_logical3A_276 = vector.broadcast %shift_right_logical3A : i32 to vector<16xi32>
      %shift_right_logical3A_277 = arith.shrui %get3A_275, %shift_right_logical3A_276 : vector<16xi32>
      %add3A_278 = arith.constant 0 : i32
      %add3A_279 = vector.broadcast %add3A_278 : i32 to vector<16xi32>
      %add3A_280 = arith.addi %shift_right_logical3A_277, %add3A_279 : vector<16xi32>
      %mul3A_281 = arith.constant 16 : i32
      %mul3A_282 = arith.muli %scan3A_272, %mul3A_281 : i32
      %swap3A = arith.index_cast %mul3A_282 : i32 to index
      %swap3A_283 = tpu.vector_load %arg8[%swap3A] {strides = array<i32>} : memref<128xi32, #tpu.memory_space<vmem>>, vector<16xi32>,
      tpu.vector_store %arg8[%swap3A], %add3A_280 {strides = array<i32>} : memref<128xi32, #tpu.memory_space<vmem>>, vector<16xi32>,
      %add3A_284 = arith.constant 125000 : i32
      %add3A_285 = vector.broadcast %add3A_284 : i32 to vector<16xi32>
      %add3A_286 = arith.addi %shift_right_logical3A_277, %add3A_285 : vector<16xi32>
      %mul3A_287 = arith.constant 16 : i32
      %mul3A_288 = arith.muli %scan3A_272, %mul3A_287 : i32
      %swap3A_289 = arith.index_cast %mul3A_288 : i32 to index
      %swap3A_290 = tpu.vector_load %arg9[%swap3A_289] {strides = array<i32>} : memref<128xi32, #tpu.memory_space<vmem>>, vector<16xi32>,
      tpu.vector_store %arg9[%swap3A_289], %add3A_286 {strides = array<i32>} : memref<128xi32, #tpu.memory_space<vmem>>, vector<16xi32>,
      %add3A_291 = arith.constant 250000 : i32
      %add3A_292 = vector.broadcast %add3A_291 : i32 to vector<16xi32>
      %add3A_293 = arith.addi %shift_right_logical3A_277, %add3A_292 : vector<16xi32>
      %mul3A_294 = arith.constant 16 : i32
      %mul3A_295 = arith.muli %scan3A_272, %mul3A_294 : i32
      %swap3A_296 = arith.index_cast %mul3A_295 : i32 to index
      %swap3A_297 = tpu.vector_load %arg10[%swap3A_296] {strides = array<i32>} : memref<128xi32, #tpu.memory_space<vmem>>, vector<16xi32>,
      tpu.vector_store %arg10[%swap3A_296], %add3A_293 {strides = array<i32>} : memref<128xi32, #tpu.memory_space<vmem>>, vector<16xi32>,
      %add3A_298 = arith.constant 375000 : i32
      %add3A_299 = vector.broadcast %add3A_298 : i32 to vector<16xi32>
      %add3A_300 = arith.addi %shift_right_logical3A_277, %add3A_299 : vector<16xi32>
      %mul3A_301 = arith.constant 16 : i32
      %mul3A_302 = arith.muli %scan3A_272, %mul3A_301 : i32
      %swap3A_303 = arith.index_cast %mul3A_302 : i32 to index
      %swap3A_304 = tpu.vector_load %arg11[%swap3A_303] {strides = array<i32>} : memref<128xi32, #tpu.memory_space<vmem>>, vector<16xi32>,
      tpu.vector_store %arg11[%swap3A_303], %add3A_300 {strides = array<i32>} : memref<128xi32, #tpu.memory_space<vmem>>, vector<16xi32>,
      %add3A_305 = arith.constant 500000 : i32
      %add3A_306 = vector.broadcast %add3A_305 : i32 to vector<16xi32>
      %add3A_307 = arith.addi %shift_right_logical3A_277, %add3A_306 : vector<16xi32>
      %mul3A_308 = arith.constant 16 : i32
      %mul3A_309 = arith.muli %scan3A_272, %mul3A_308 : i32
      %swap3A_310 = arith.index_cast %mul3A_309 : i32 to index
      %swap3A_311 = tpu.vector_load %arg12[%swap3A_310] {strides = array<i32>} : memref<128xi32, #tpu.memory_space<vmem>>, vector<16xi32>,
      tpu.vector_store %arg12[%swap3A_310], %add3A_307 {strides = array<i32>} : memref<128xi32, #tpu.memory_space<vmem>>, vector<16xi32>,
      %add3A_312 = arith.constant 625000 : i32
      %add3A_313 = vector.broadcast %add3A_312 : i32 to vector<16xi32>
      %add3A_314 = arith.addi %shift_right_logical3A_277, %add3A_313 : vector<16xi32>
      %mul3A_315 = arith.constant 16 : i32
      %mul3A_316 = arith.muli %scan3A_272, %mul3A_315 : i32
      %swap3A_317 = arith.index_cast %mul3A_316 : i32 to index
      %swap3A_318 = tpu.vector_load %arg13[%swap3A_317] {strides = array<i32>} : memref<128xi32, #tpu.memory_space<vmem>>, vector<16xi32>,
      tpu.vector_store %arg13[%swap3A_317], %add3A_314 {strides = array<i32>} : memref<128xi32, #tpu.memory_space<vmem>>, vector<16xi32>,
      %add3A_319 = arith.constant 0 : i32
      %add3A_320 = vector.broadcast %add3A_319 : i32 to vector<16xi32>
      %add3A_321 = arith.addi %shift_right_logical3A_277, %add3A_320 : vector<16xi32>
      %mul3A_322 = arith.constant 16 : i32
      %mul3A_323 = arith.muli %scan3A_272, %mul3A_322 : i32
      %swap3A_324 = arith.index_cast %mul3A_323 : i32 to index
      %swap3A_325 = tpu.vector_load %arg14[%swap3A_324] {strides = array<i32>} : memref<128xi32, #tpu.memory_space<vmem>>, vector<16xi32>,
      tpu.vector_store %arg14[%swap3A_324], %add3A_321 {strides = array<i32>} : memref<128xi32, #tpu.memory_space<vmem>>, vector<16xi32>,
      %add3A_326 = arith.constant 125000 : i32
      %add3A_327 = vector.broadcast %add3A_326 : i32 to vector<16xi32>
      %add3A_328 = arith.addi %shift_right_logical3A_277, %add3A_327 : vector<16xi32>
      %mul3A_329 = arith.constant 16 : i32
      %mul3A_330 = arith.muli %scan3A_272, %mul3A_329 : i32
      %swap3A_331 = arith.index_cast %mul3A_330 : i32 to index
      %swap3A_332 = tpu.vector_load %arg15[%swap3A_331] {strides = array<i32>} : memref<128xi32, #tpu.memory_space<vmem>>, vector<16xi32>,
      tpu.vector_store %arg15[%swap3A_331], %add3A_328 {strides = array<i32>} : memref<128xi32, #tpu.memory_space<vmem>>, vector<16xi32>,
    }
    %scan3A_145 = arith.constant 8 : i32
    %dma_start3A_146 = arith.constant 0 : i32
    %dma_start3A_147 = arith.constant 0 : i32
    %dma_start3A_148 = tpu.memref_slice %arg3[%dma_start3A_146, %dma_start3A_147] : memref<750000x8xf32, #tpu.memory_space<hbm>> -> memref<750000x8xf32, #tpu.memory_space<hbm>>
    tpu.enqueue_indirect_dma source(%dma_start3A_148 : memref<750000x8xf32, #tpu.memory_space<hbm>>) target(%arg16 : memref<128x8xf32, #tpu.memory_space<vmem>>) offsets(%arg8 : memref<128xi32, #tpu.memory_space<vmem>>) semaphore(%arg26 : memref<!tpu.dma_semaphore, #tpu.memory_space<semaphore_mem>>)
    %dma_start3A_149 = arith.constant 0 : i32
    %dma_start3A_150 = arith.constant 0 : i32
    %dma_start3A_151 = tpu.memref_slice %arg3[%dma_start3A_149, %dma_start3A_150] : memref<750000x8xf32, #tpu.memory_space<hbm>> -> memref<750000x8xf32, #tpu.memory_space<hbm>>
    tpu.enqueue_indirect_dma source(%dma_start3A_151 : memref<750000x8xf32, #tpu.memory_space<hbm>>) target(%arg17 : memref<128x8xf32, #tpu.memory_space<vmem>>) offsets(%arg9 : memref<128xi32, #tpu.memory_space<vmem>>) semaphore(%arg26 : memref<!tpu.dma_semaphore, #tpu.memory_space<semaphore_mem>>)
    %dma_start3A_152 = arith.constant 0 : i32
    %dma_start3A_153 = arith.constant 0 : i32
    %dma_start3A_154 = tpu.memref_slice %arg3[%dma_start3A_152, %dma_start3A_153] : memref<750000x8xf32, #tpu.memory_space<hbm>> -> memref<750000x8xf32, #tpu.memory_space<hbm>>
    tpu.enqueue_indirect_dma source(%dma_start3A_154 : memref<750000x8xf32, #tpu.memory_space<hbm>>) target(%arg18 : memref<128x8xf32, #tpu.memory_space<vmem>>) offsets(%arg10 : memref<128xi32, #tpu.memory_space<vmem>>) semaphore(%arg26 : memref<!tpu.dma_semaphore, #tpu.memory_space<semaphore_mem>>)
    %dma_start3A_155 = arith.constant 0 : i32
    %dma_start3A_156 = arith.constant 0 : i32
    %dma_start3A_157 = tpu.memref_slice %arg3[%dma_start3A_155, %dma_start3A_156] : memref<750000x8xf32, #tpu.memory_space<hbm>> -> memref<750000x8xf32, #tpu.memory_space<hbm>>
    tpu.enqueue_indirect_dma source(%dma_start3A_157 : memref<750000x8xf32, #tpu.memory_space<hbm>>) target(%arg19 : memref<128x8xf32, #tpu.memory_space<vmem>>) offsets(%arg11 : memref<128xi32, #tpu.memory_space<vmem>>) semaphore(%arg26 : memref<!tpu.dma_semaphore, #tpu.memory_space<semaphore_mem>>)
    %dma_start3A_158 = arith.constant 0 : i32
    %dma_start3A_159 = arith.constant 0 : i32
    %dma_start3A_160 = tpu.memref_slice %arg3[%dma_start3A_158, %dma_start3A_159] : memref<750000x8xf32, #tpu.memory_space<hbm>> -> memref<750000x8xf32, #tpu.memory_space<hbm>>
    tpu.enqueue_indirect_dma source(%dma_start3A_160 : memref<750000x8xf32, #tpu.memory_space<hbm>>) target(%arg20 : memref<128x8xf32, #tpu.memory_space<vmem>>) offsets(%arg12 : memref<128xi32, #tpu.memory_space<vmem>>) semaphore(%arg26 : memref<!tpu.dma_semaphore, #tpu.memory_space<semaphore_mem>>)
    %dma_start3A_161 = arith.constant 0 : i32
    %dma_start3A_162 = arith.constant 0 : i32
    %dma_start3A_163 = tpu.memref_slice %arg3[%dma_start3A_161, %dma_start3A_162] : memref<750000x8xf32, #tpu.memory_space<hbm>> -> memref<750000x8xf32, #tpu.memory_space<hbm>>
    tpu.enqueue_indirect_dma source(%dma_start3A_163 : memref<750000x8xf32, #tpu.memory_space<hbm>>) target(%arg21 : memref<128x8xf32, #tpu.memory_space<vmem>>) offsets(%arg13 : memref<128xi32, #tpu.memory_space<vmem>>) semaphore(%arg26 : memref<!tpu.dma_semaphore, #tpu.memory_space<semaphore_mem>>)
    %dma_start3A_164 = arith.constant 0 : i32
    %dma_start3A_165 = arith.constant 0 : i32
    %dma_start3A_166 = tpu.memref_slice %arg4[%dma_start3A_164, %dma_start3A_165] : memref<250000x8xf32, #tpu.memory_space<hbm>> -> memref<250000x8xf32, #tpu.memory_space<hbm>>
    tpu.enqueue_indirect_dma source(%dma_start3A_166 : memref<250000x8xf32, #tpu.memory_space<hbm>>) target(%arg22 : memref<128x8xf32, #tpu.memory_space<vmem>>) offsets(%arg14 : memref<128xi32, #tpu.memory_space<vmem>>) semaphore(%arg26 : memref<!tpu.dma_semaphore, #tpu.memory_space<semaphore_mem>>)
    %dma_start3A_167 = arith.constant 0 : i32
    %dma_start3A_168 = arith.constant 0 : i32
    %dma_start3A_169 = tpu.memref_slice %arg4[%dma_start3A_167, %dma_start3A_168] : memref<250000x8xf32, #tpu.memory_space<hbm>> -> memref<250000x8xf32, #tpu.memory_space<hbm>>
    tpu.enqueue_indirect_dma source(%dma_start3A_169 : memref<250000x8xf32, #tpu.memory_space<hbm>>) target(%arg23 : memref<128x8xf32, #tpu.memory_space<vmem>>) offsets(%arg15 : memref<128xi32, #tpu.memory_space<vmem>>) semaphore(%arg26 : memref<!tpu.dma_semaphore, #tpu.memory_space<semaphore_mem>>)
    %dma_wait3A_170 = arith.constant 0 : i32
    %dma_wait3A_171 = arith.constant 0 : i32
    %dma_wait3A_172 = tpu.memref_slice %arg3[%dma_wait3A_170, %dma_wait3A_171] : memref<750000x8xf32, #tpu.memory_space<hbm>> -> memref<750000x8xf32, #tpu.memory_space<hbm>>
    tpu.wait_indirect_dma semaphore(%arg26 : memref<!tpu.dma_semaphore, #tpu.memory_space<semaphore_mem>>) src(%dma_wait3A_172 : memref<750000x8xf32, #tpu.memory_space<hbm>>) dst(%arg16 : memref<128x8xf32, #tpu.memory_space<vmem>>)
    %dma_wait3A_173 = arith.constant 0 : i32
    %dma_wait3A_174 = arith.constant 0 : i32
    %dma_wait3A_175 = tpu.memref_slice %arg3[%dma_wait3A_173, %dma_wait3A_174] : memref<750000x8xf32, #tpu.memory_space<hbm>> -> memref<750000x8xf32, #tpu.memory_space<hbm>>
    tpu.wait_indirect_dma semaphore(%arg26 : memref<!tpu.dma_semaphore, #tpu.memory_space<semaphore_mem>>) src(%dma_wait3A_175 : memref<750000x8xf32, #tpu.memory_space<hbm>>) dst(%arg17 : memref<128x8xf32, #tpu.memory_space<vmem>>)
    %dma_wait3A_176 = arith.constant 0 : i32
    %dma_wait3A_177 = arith.constant 0 : i32
    %dma_wait3A_178 = tpu.memref_slice %arg3[%dma_wait3A_176, %dma_wait3A_177] : memref<750000x8xf32, #tpu.memory_space<hbm>> -> memref<750000x8xf32, #tpu.memory_space<hbm>>
    tpu.wait_indirect_dma semaphore(%arg26 : memref<!tpu.dma_semaphore, #tpu.memory_space<semaphore_mem>>) src(%dma_wait3A_178 : memref<750000x8xf32, #tpu.memory_space<hbm>>) dst(%arg18 : memref<128x8xf32, #tpu.memory_space<vmem>>)
    %dma_wait3A_179 = arith.constant 0 : i32
    %dma_wait3A_180 = arith.constant 0 : i32
    %dma_wait3A_181 = tpu.memref_slice %arg3[%dma_wait3A_179, %dma_wait3A_180] : memref<750000x8xf32, #tpu.memory_space<hbm>> -> memref<750000x8xf32, #tpu.memory_space<hbm>>
    tpu.wait_indirect_dma semaphore(%arg26 : memref<!tpu.dma_semaphore, #tpu.memory_space<semaphore_mem>>) src(%dma_wait3A_181 : memref<750000x8xf32, #tpu.memory_space<hbm>>) dst(%arg19 : memref<128x8xf32, #tpu.memory_space<vmem>>)
    %dma_wait3A_182 = arith.constant 0 : i32
    %dma_wait3A_183 = arith.constant 0 : i32
    %dma_wait3A_184 = tpu.memref_slice %arg3[%dma_wait3A_182, %dma_wait3A_183] : memref<750000x8xf32, #tpu.memory_space<hbm>> -> memref<750000x8xf32, #tpu.memory_space<hbm>>
    tpu.wait_indirect_dma semaphore(%arg26 : memref<!tpu.dma_semaphore, #tpu.memory_space<semaphore_mem>>) src(%dma_wait3A_184 : memref<750000x8xf32, #tpu.memory_space<hbm>>) dst(%arg20 : memref<128x8xf32, #tpu.memory_space<vmem>>)
    %dma_wait3A_185 = arith.constant 0 : i32
    %dma_wait3A_186 = arith.constant 0 : i32
    %dma_wait3A_187 = tpu.memref_slice %arg3[%dma_wait3A_185, %dma_wait3A_186] : memref<750000x8xf32, #tpu.memory_space<hbm>> -> memref<750000x8xf32, #tpu.memory_space<hbm>>
    tpu.wait_indirect_dma semaphore(%arg26 : memref<!tpu.dma_semaphore, #tpu.memory_space<semaphore_mem>>) src(%dma_wait3A_187 : memref<750000x8xf32, #tpu.memory_space<hbm>>) dst(%arg21 : memref<128x8xf32, #tpu.memory_space<vmem>>)
    %dma_wait3A_188 = arith.constant 0 : i32
    %dma_wait3A_189 = arith.constant 0 : i32
    %dma_wait3A_190 = tpu.memref_slice %arg4[%dma_wait3A_188, %dma_wait3A_189] : memref<250000x8xf32, #tpu.memory_space<hbm>> -> memref<250000x8xf32, #tpu.memory_space<hbm>>
    tpu.wait_indirect_dma semaphore(%arg26 : memref<!tpu.dma_semaphore, #tpu.memory_space<semaphore_mem>>) src(%dma_wait3A_190 : memref<250000x8xf32, #tpu.memory_space<hbm>>) dst(%arg22 : memref<128x8xf32, #tpu.memory_space<vmem>>)
    %dma_wait3A_191 = arith.constant 0 : i32
    %dma_wait3A_192 = arith.constant 0 : i32
    %dma_wait3A_193 = tpu.memref_slice %arg4[%dma_wait3A_191, %dma_wait3A_192] : memref<250000x8xf32, #tpu.memory_space<hbm>> -> memref<250000x8xf32, #tpu.memory_space<hbm>>
    tpu.wait_indirect_dma semaphore(%arg26 : memref<!tpu.dma_semaphore, #tpu.memory_space<semaphore_mem>>) src(%dma_wait3A_193 : memref<250000x8xf32, #tpu.memory_space<hbm>>) dst(%arg23 : memref<128x8xf32, #tpu.memory_space<vmem>>)
    %scan3A_194 = arith.constant 0 : i32
    %scan3A_195 = arith.constant 0 : i32
    %scan3A_196 = arith.constant 8 : i32
    %scan3A_197 = arith.addi %scan3A_195, %scan3A_196 : i32
    %scan3A_198 = arith.constant 1 : i32
    scf.for %scan3A_272 = %scan3A_195 to %scan3A_197 step %scan3A_198  : i32 {
      %mul3A_273 = arith.constant 16 : i32
      %mul3A_274 = arith.muli %scan3A_272, %mul3A_273 : i32
      %iota3A = tpu.iota {dimensions = array<i32: 0>} : vector<16xi32>
      %add3A_275 = vector.broadcast %mul3A_274 : i32 to vector<16xi32>
      %add3A_276 = arith.addi %iota3A, %add3A_275 : vector<16xi32>
      %get3A = arith.index_cast %mul3A_274 : i32 to index
      %get3A_277 = tpu.vector_load %arg7[%get3A] {strides = array<i32>} : memref<128xi32, #tpu.memory_space<vmem>>, vector<16xi32>,
      %and3A = arith.constant 7 : i32
      %and3A_278 = vector.broadcast %and3A : i32 to vector<16xi32>
      %and3A_279 = arith.andi %get3A_277, %and3A_278 : vector<16xi32>
      %gather3A = tpu.vector_load_idx %arg16[%add3A_276, %and3A_279] : memref<128x8xf32, #tpu.memory_space<vmem>>[vector<16xi32>, vector<16xi32>], vector<16xf32>,
      %gather3A_280 = tpu.vector_load_idx %arg17[%add3A_276, %and3A_279] : memref<128x8xf32, #tpu.memory_space<vmem>>[vector<16xi32>, vector<16xi32>], vector<16xf32>,
      %gather3A_281 = tpu.vector_load_idx %arg18[%add3A_276, %and3A_279] : memref<128x8xf32, #tpu.memory_space<vmem>>[vector<16xi32>, vector<16xi32>], vector<16xf32>,
      %gather3A_282 = tpu.vector_load_idx %arg19[%add3A_276, %and3A_279] : memref<128x8xf32, #tpu.memory_space<vmem>>[vector<16xi32>, vector<16xi32>], vector<16xf32>,
      %gather3A_283 = tpu.vector_load_idx %arg20[%add3A_276, %and3A_279] : memref<128x8xf32, #tpu.memory_space<vmem>>[vector<16xi32>, vector<16xi32>], vector<16xf32>,
      %gather3A_284 = tpu.vector_load_idx %arg21[%add3A_276, %and3A_279] : memref<128x8xf32, #tpu.memory_space<vmem>>[vector<16xi32>, vector<16xi32>], vector<16xf32>,
      %mul3A_285 = arith.mulf %gather3A, %gather3A : vector<16xf32>
      %mul3A_286 = arith.mulf %gather3A_280, %gather3A_280 : vector<16xf32>
      %add3A_287 = arith.addf %mul3A_285, %mul3A_286 : vector<16xf32>
      %mul3A_288 = arith.mulf %gather3A_281, %gather3A_281 : vector<16xf32>
      %add3A_289 = arith.addf %add3A_287, %mul3A_288 : vector<16xf32>
      %bitcast3A = vector.bitcast %add3A_289 : vector<16xf32> to vector<16xi32>
      %shift_right_logical3A = arith.constant 1 : i32
      %shift_right_logical3A_290 = vector.broadcast %shift_right_logical3A : i32 to vector<16xi32>
      %shift_right_logical3A_291 = arith.shrui %bitcast3A, %shift_right_logical3A_290 : vector<16xi32>
      %sub3A = arith.constant 1597463007 : i32
      %sub3A_292 = vector.broadcast %sub3A : i32 to vector<16xi32>
      %sub3A_293 = arith.subi %sub3A_292, %shift_right_logical3A_291 : vector<16xi32>
      %bitcast3A_294 = vector.bitcast %sub3A_293 : vector<16xi32> to vector<16xf32>
      %mul3A_295 = arith.constant 5.000000e-01 : f32
      %mul3A_296 = vector.broadcast %mul3A_295 : f32 to vector<16xf32>
      %mul3A_297 = arith.mulf %mul3A_296, %add3A_289 : vector<16xf32>
      %mul3A_298 = arith.mulf %mul3A_297, %bitcast3A_294 : vector<16xf32>
      %mul3A_299 = arith.mulf %mul3A_298, %bitcast3A_294 : vector<16xf32>
      %sub3A_300 = arith.constant 1.500000e+00 : f32
      %sub3A_301 = vector.broadcast %sub3A_300 : f32 to vector<16xf32>
      %sub3A_302 = arith.subf %sub3A_301, %mul3A_299 : vector<16xf32>
      %mul3A_303 = arith.mulf %bitcast3A_294, %sub3A_302 : vector<16xf32>
      %mul3A_304 = arith.constant 5.000000e-01 : f32
      %mul3A_305 = vector.broadcast %mul3A_304 : f32 to vector<16xf32>
      %mul3A_306 = arith.mulf %mul3A_305, %add3A_289 : vector<16xf32>
      %mul3A_307 = arith.mulf %mul3A_306, %mul3A_303 : vector<16xf32>
      %mul3A_308 = arith.mulf %mul3A_307, %mul3A_303 : vector<16xf32>
      %sub3A_309 = arith.constant 1.500000e+00 : f32
      %sub3A_310 = vector.broadcast %sub3A_309 : f32 to vector<16xf32>
      %sub3A_311 = arith.subf %sub3A_310, %mul3A_308 : vector<16xf32>
      %mul3A_312 = arith.mulf %mul3A_303, %sub3A_311 : vector<16xf32>
      %mul3A_313 = arith.constant 5.000000e-01 : f32
      %mul3A_314 = vector.broadcast %mul3A_313 : f32 to vector<16xf32>
      %mul3A_315 = arith.mulf %mul3A_314, %add3A_289 : vector<16xf32>
      %mul3A_316 = arith.mulf %mul3A_315, %mul3A_312 : vector<16xf32>
      %mul3A_317 = arith.mulf %mul3A_316, %mul3A_312 : vector<16xf32>
      %sub3A_318 = arith.constant 1.500000e+00 : f32
      %sub3A_319 = vector.broadcast %sub3A_318 : f32 to vector<16xf32>
      %sub3A_320 = arith.subf %sub3A_319, %mul3A_317 : vector<16xf32>
      %mul3A_321 = arith.mulf %mul3A_312, %sub3A_320 : vector<16xf32>
      %mul3A_322 = arith.mulf %gather3A, %mul3A_321 : vector<16xf32>
      %mul3A_323 = arith.mulf %gather3A_280, %mul3A_321 : vector<16xf32>
      %mul3A_324 = arith.mulf %gather3A_281, %mul3A_321 : vector<16xf32>
      %mul3A_325 = arith.mulf %mul3A_322, %gather3A_282 : vector<16xf32>
      %mul3A_326 = arith.mulf %mul3A_323, %gather3A_283 : vector<16xf32>
      %add3A_327 = arith.addf %mul3A_325, %mul3A_326 : vector<16xf32>
      %mul3A_328 = arith.mulf %mul3A_324, %gather3A_284 : vector<16xf32>
      %add3A_329 = arith.addf %add3A_327, %mul3A_328 : vector<16xf32>
      %mul3A_330 = arith.mulf %add3A_329, %mul3A_322 : vector<16xf32>
      %sub3A_331 = arith.subf %gather3A_282, %mul3A_330 : vector<16xf32>
      %mul3A_332 = arith.mulf %add3A_329, %mul3A_323 : vector<16xf32>
      %sub3A_333 = arith.subf %gather3A_283, %mul3A_332 : vector<16xf32>
      %mul3A_334 = arith.mulf %add3A_329, %mul3A_324 : vector<16xf32>
      %sub3A_335 = arith.subf %gather3A_284, %mul3A_334 : vector<16xf32>
      %mul3A_336 = arith.mulf %sub3A_331, %sub3A_331 : vector<16xf32>
      %mul3A_337 = arith.mulf %sub3A_333, %sub3A_333 : vector<16xf32>
      %add3A_338 = arith.addf %mul3A_336, %mul3A_337 : vector<16xf32>
      %mul3A_339 = arith.mulf %sub3A_335, %sub3A_335 : vector<16xf32>
      %add3A_340 = arith.addf %add3A_338, %mul3A_339 : vector<16xf32>
      %bitcast3A_341 = vector.bitcast %add3A_340 : vector<16xf32> to vector<16xi32>
      %shift_right_logical3A_342 = arith.constant 1 : i32
      %shift_right_logical3A_343 = vector.broadcast %shift_right_logical3A_342 : i32 to vector<16xi32>
      %shift_right_logical3A_344 = arith.shrui %bitcast3A_341, %shift_right_logical3A_343 : vector<16xi32>
      %sub3A_345 = arith.constant 1597463007 : i32
      %sub3A_346 = vector.broadcast %sub3A_345 : i32 to vector<16xi32>
      %sub3A_347 = arith.subi %sub3A_346, %shift_right_logical3A_344 : vector<16xi32>
      %bitcast3A_348 = vector.bitcast %sub3A_347 : vector<16xi32> to vector<16xf32>
      %mul3A_349 = arith.constant 5.000000e-01 : f32
      %mul3A_350 = vector.broadcast %mul3A_349 : f32 to vector<16xf32>
      %mul3A_351 = arith.mulf %mul3A_350, %add3A_340 : vector<16xf32>
      %mul3A_352 = arith.mulf %mul3A_351, %bitcast3A_348 : vector<16xf32>
      %mul3A_353 = arith.mulf %mul3A_352, %bitcast3A_348 : vector<16xf32>
      %sub3A_354 = arith.constant 1.500000e+00 : f32
      %sub3A_355 = vector.broadcast %sub3A_354 : f32 to vector<16xf32>
      %sub3A_356 = arith.subf %sub3A_355, %mul3A_353 : vector<16xf32>
      %mul3A_357 = arith.mulf %bitcast3A_348, %sub3A_356 : vector<16xf32>
      %mul3A_358 = arith.constant 5.000000e-01 : f32
      %mul3A_359 = vector.broadcast %mul3A_358 : f32 to vector<16xf32>
      %mul3A_360 = arith.mulf %mul3A_359, %add3A_340 : vector<16xf32>
      %mul3A_361 = arith.mulf %mul3A_360, %mul3A_357 : vector<16xf32>
      %mul3A_362 = arith.mulf %mul3A_361, %mul3A_357 : vector<16xf32>
      %sub3A_363 = arith.constant 1.500000e+00 : f32
      %sub3A_364 = vector.broadcast %sub3A_363 : f32 to vector<16xf32>
      %sub3A_365 = arith.subf %sub3A_364, %mul3A_362 : vector<16xf32>
      %mul3A_366 = arith.mulf %mul3A_357, %sub3A_365 : vector<16xf32>
      %mul3A_367 = arith.constant 5.000000e-01 : f32
      %mul3A_368 = vector.broadcast %mul3A_367 : f32 to vector<16xf32>
      %mul3A_369 = arith.mulf %mul3A_368, %add3A_340 : vector<16xf32>
      %mul3A_370 = arith.mulf %mul3A_369, %mul3A_366 : vector<16xf32>
      %mul3A_371 = arith.mulf %mul3A_370, %mul3A_366 : vector<16xf32>
      %sub3A_372 = arith.constant 1.500000e+00 : f32
      %sub3A_373 = vector.broadcast %sub3A_372 : f32 to vector<16xf32>
      %sub3A_374 = arith.subf %sub3A_373, %mul3A_371 : vector<16xf32>
      %mul3A_375 = arith.mulf %mul3A_366, %sub3A_374 : vector<16xf32>
      %mul3A_376 = arith.mulf %sub3A_331, %mul3A_375 : vector<16xf32>
      %mul3A_377 = arith.mulf %sub3A_333, %mul3A_375 : vector<16xf32>
      %mul3A_378 = arith.mulf %sub3A_335, %mul3A_375 : vector<16xf32>
      %mul3A_379 = arith.mulf %mul3A_323, %mul3A_378 : vector<16xf32>
      %mul3A_380 = arith.mulf %mul3A_324, %mul3A_377 : vector<16xf32>
      %sub3A_381 = arith.subf %mul3A_379, %mul3A_380 : vector<16xf32>
      %mul3A_382 = arith.mulf %mul3A_324, %mul3A_376 : vector<16xf32>
      %mul3A_383 = arith.mulf %mul3A_322, %mul3A_378 : vector<16xf32>
      %sub3A_384 = arith.subf %mul3A_382, %mul3A_383 : vector<16xf32>
      %mul3A_385 = arith.mulf %mul3A_322, %mul3A_377 : vector<16xf32>
      %mul3A_386 = arith.mulf %mul3A_323, %mul3A_376 : vector<16xf32>
      %sub3A_387 = arith.subf %mul3A_385, %mul3A_386 : vector<16xf32>
      %broadcast_in_dim3A = arith.constant 0 : i32
      %broadcast_in_dim3A_388 = vector.broadcast %broadcast_in_dim3A : i32 to vector<16xi32>
      tpu.vector_store_idx %arg24[%add3A_276, %broadcast_in_dim3A_388], %mul3A_322 : memref<128x9xf32, #tpu.memory_space<vmem>>[vector<16xi32>, vector<16xi32>], vector<16xf32>,
      %broadcast_in_dim3A_389 = arith.constant 1 : i32
      %broadcast_in_dim3A_390 = vector.broadcast %broadcast_in_dim3A_389 : i32 to vector<16xi32>
      tpu.vector_store_idx %arg24[%add3A_276, %broadcast_in_dim3A_390], %mul3A_323 : memref<128x9xf32, #tpu.memory_space<vmem>>[vector<16xi32>, vector<16xi32>], vector<16xf32>,
      %broadcast_in_dim3A_391 = arith.constant 2 : i32
      %broadcast_in_dim3A_392 = vector.broadcast %broadcast_in_dim3A_391 : i32 to vector<16xi32>
      tpu.vector_store_idx %arg24[%add3A_276, %broadcast_in_dim3A_392], %mul3A_324 : memref<128x9xf32, #tpu.memory_space<vmem>>[vector<16xi32>, vector<16xi32>], vector<16xf32>,
      %broadcast_in_dim3A_393 = arith.constant 3 : i32
      %broadcast_in_dim3A_394 = vector.broadcast %broadcast_in_dim3A_393 : i32 to vector<16xi32>
      tpu.vector_store_idx %arg24[%add3A_276, %broadcast_in_dim3A_394], %mul3A_376 : memref<128x9xf32, #tpu.memory_space<vmem>>[vector<16xi32>, vector<16xi32>], vector<16xf32>,
      %broadcast_in_dim3A_395 = arith.constant 4 : i32
      %broadcast_in_dim3A_396 = vector.broadcast %broadcast_in_dim3A_395 : i32 to vector<16xi32>
      tpu.vector_store_idx %arg24[%add3A_276, %broadcast_in_dim3A_396], %mul3A_377 : memref<128x9xf32, #tpu.memory_space<vmem>>[vector<16xi32>, vector<16xi32>], vector<16xf32>,
      %broadcast_in_dim3A_397 = arith.constant 5 : i32
      %broadcast_in_dim3A_398 = vector.broadcast %broadcast_in_dim3A_397 : i32 to vector<16xi32>
      tpu.vector_store_idx %arg24[%add3A_276, %broadcast_in_dim3A_398], %mul3A_378 : memref<128x9xf32, #tpu.memory_space<vmem>>[vector<16xi32>, vector<16xi32>], vector<16xf32>,
      %broadcast_in_dim3A_399 = arith.constant 6 : i32
      %broadcast_in_dim3A_400 = vector.broadcast %broadcast_in_dim3A_399 : i32 to vector<16xi32>
      tpu.vector_store_idx %arg24[%add3A_276, %broadcast_in_dim3A_400], %sub3A_381 : memref<128x9xf32, #tpu.memory_space<vmem>>[vector<16xi32>, vector<16xi32>], vector<16xf32>,
      %broadcast_in_dim3A_401 = arith.constant 7 : i32
      %broadcast_in_dim3A_402 = vector.broadcast %broadcast_in_dim3A_401 : i32 to vector<16xi32>
      tpu.vector_store_idx %arg24[%add3A_276, %broadcast_in_dim3A_402], %sub3A_384 : memref<128x9xf32, #tpu.memory_space<vmem>>[vector<16xi32>, vector<16xi32>], vector<16xf32>,
      %broadcast_in_dim3A_403 = arith.constant 8 : i32
      %broadcast_in_dim3A_404 = vector.broadcast %broadcast_in_dim3A_403 : i32 to vector<16xi32>
      tpu.vector_store_idx %arg24[%add3A_276, %broadcast_in_dim3A_404], %sub3A_387 : memref<128x9xf32, #tpu.memory_space<vmem>>[vector<16xi32>, vector<16xi32>], vector<16xf32>,
      %gather3A_405 = tpu.vector_load_idx %arg22[%add3A_276, %and3A_279] : memref<128x8xf32, #tpu.memory_space<vmem>>[vector<16xi32>, vector<16xi32>], vector<16xf32>,
      %broadcast_in_dim3A_406 = arith.constant 0 : i32
      %broadcast_in_dim3A_407 = vector.broadcast %broadcast_in_dim3A_406 : i32 to vector<16xi32>
      tpu.vector_store_idx %arg25[%add3A_276, %broadcast_in_dim3A_407], %gather3A_405 : memref<128x2xf32, #tpu.memory_space<vmem>>[vector<16xi32>, vector<16xi32>], vector<16xf32>,
      %gather3A_408 = tpu.vector_load_idx %arg23[%add3A_276, %and3A_279] : memref<128x8xf32, #tpu.memory_space<vmem>>[vector<16xi32>, vector<16xi32>], vector<16xf32>,
      %broadcast_in_dim3A_409 = arith.constant 1 : i32
      %broadcast_in_dim3A_410 = vector.broadcast %broadcast_in_dim3A_409 : i32 to vector<16xi32>
      tpu.vector_store_idx %arg25[%add3A_276, %broadcast_in_dim3A_410], %gather3A_408 : memref<128x2xf32, #tpu.memory_space<vmem>>[vector<16xi32>, vector<16xi32>], vector<16xf32>,
    }
    %scan3A_199 = arith.constant 8 : i32
    %add3A_200 = arith.constant 256 : i32
    %add3A_201 = arith.addi %mul3A_2, %add3A_200 : i32
    "tpu.region"() ({
      %run_scoped3A = tpu.sem_alloc : memref<!tpu.dma_semaphore, #tpu.memory_space<semaphore_mem>>
      %dma_start3A_272 = arith.constant 0 : i32
      %dma_start3A_273 = tpu.memref_slice %arg5[%add3A_201, %dma_start3A_272] : memref<16384x9xf32, #tpu.memory_space<hbm>> -> memref<128x9xf32, #tpu.memory_space<hbm>>
      %dma_start3A_274 = arith.constant 0 : i32
      %dma_start3A_275 = tpu.memref_slice %arg5[%add3A_201, %dma_start3A_274] : memref<16384x9xf32, #tpu.memory_space<hbm>> -> memref<128x9xf32, #tpu.memory_space<hbm>>
      tpu.enqueue_dma source(%arg24 : memref<128x9xf32, #tpu.memory_space<vmem>>) target(%dma_start3A_275 : memref<128x9xf32, #tpu.memory_space<hbm>>) target_semaphore(%run_scoped3A : memref<!tpu.dma_semaphore, #tpu.memory_space<semaphore_mem>>)
      %dma_wait3A_276 = arith.constant 0 : i32
      %dma_wait3A_277 = tpu.memref_slice %arg5[%add3A_201, %dma_wait3A_276] : memref<16384x9xf32, #tpu.memory_space<hbm>> -> memref<128x9xf32, #tpu.memory_space<hbm>>
      %dma_wait3A_278 = arith.constant 0 : i32
      %dma_wait3A_279 = tpu.memref_slice %arg5[%add3A_201, %dma_wait3A_278] : memref<16384x9xf32, #tpu.memory_space<hbm>> -> memref<128x9xf32, #tpu.memory_space<hbm>>
      tpu.wait_dma2 semaphore(%run_scoped3A : memref<!tpu.dma_semaphore, #tpu.memory_space<semaphore_mem>>) src(%arg24 : memref<128x9xf32, #tpu.memory_space<vmem>>) dst(%dma_wait3A_279 : memref<128x9xf32, #tpu.memory_space<hbm>>)
      tpu.yield
    }) : () -> ()
    %add3A_202 = arith.constant 256 : i32
    %add3A_203 = arith.addi %mul3A_2, %add3A_202 : i32
    "tpu.region"() ({
      %run_scoped3A = tpu.sem_alloc : memref<!tpu.dma_semaphore, #tpu.memory_space<semaphore_mem>>
      %dma_start3A_272 = arith.constant 0 : i32
      %dma_start3A_273 = tpu.memref_slice %arg6[%add3A_203, %dma_start3A_272] : memref<16384x2xf32, #tpu.memory_space<hbm>> -> memref<128x2xf32, #tpu.memory_space<hbm>>
      %dma_start3A_274 = arith.constant 0 : i32
      %dma_start3A_275 = tpu.memref_slice %arg6[%add3A_203, %dma_start3A_274] : memref<16384x2xf32, #tpu.memory_space<hbm>> -> memref<128x2xf32, #tpu.memory_space<hbm>>
      tpu.enqueue_dma source(%arg25 : memref<128x2xf32, #tpu.memory_space<vmem>>) target(%dma_start3A_275 : memref<128x2xf32, #tpu.memory_space<hbm>>) target_semaphore(%run_scoped3A : memref<!tpu.dma_semaphore, #tpu.memory_space<semaphore_mem>>)
      %dma_wait3A_276 = arith.constant 0 : i32
      %dma_wait3A_277 = tpu.memref_slice %arg6[%add3A_203, %dma_wait3A_276] : memref<16384x2xf32, #tpu.memory_space<hbm>> -> memref<128x2xf32, #tpu.memory_space<hbm>>
      %dma_wait3A_278 = arith.constant 0 : i32
      %dma_wait3A_279 = tpu.memref_slice %arg6[%add3A_203, %dma_wait3A_278] : memref<16384x2xf32, #tpu.memory_space<hbm>> -> memref<128x2xf32, #tpu.memory_space<hbm>>
      tpu.wait_dma2 semaphore(%run_scoped3A : memref<!tpu.dma_semaphore, #tpu.memory_space<semaphore_mem>>) src(%arg25 : memref<128x2xf32, #tpu.memory_space<vmem>>) dst(%dma_wait3A_279 : memref<128x2xf32, #tpu.memory_space<hbm>>)
      tpu.yield
    }) : () -> ()
    %mul3A_204 = arith.constant 4 : i32
    %mul3A_205 = arith.muli %add3A, %mul3A_204 : i32
    %add3A_206 = arith.constant 3 : i32
    %add3A_207 = arith.addi %mul3A_205, %add3A_206 : i32
    "tpu.region"() ({
      %run_scoped3A = tpu.sem_alloc : memref<!tpu.dma_semaphore, #tpu.memory_space<semaphore_mem>>
      %dma_start3A_272 = arith.constant 0 : i32
      %dma_start3A_273 = tpu.memref_slice %arg2[%add3A_207, %dma_start3A_272] : memref<128x128xi32, #tpu.memory_space<hbm>> -> memref<1x128xi32, #tpu.memory_space<hbm>>
      %dma_start3A_274 = tpu.memref_squeeze %dma_start3A_273 : memref<1x128xi32, #tpu.memory_space<hbm>> -> memref<128xi32, #tpu.memory_space<hbm>>
      %dma_start3A_275 = arith.constant 0 : i32
      %dma_start3A_276 = tpu.memref_slice %arg2[%add3A_207, %dma_start3A_275] : memref<128x128xi32, #tpu.memory_space<hbm>> -> memref<1x128xi32, #tpu.memory_space<hbm>>
      %dma_start3A_277 = tpu.memref_squeeze %dma_start3A_276 : memref<1x128xi32, #tpu.memory_space<hbm>> -> memref<128xi32, #tpu.memory_space<hbm>>
      tpu.enqueue_dma source(%dma_start3A_277 : memref<128xi32, #tpu.memory_space<hbm>>) target(%arg7 : memref<128xi32, #tpu.memory_space<vmem>>) target_semaphore(%run_scoped3A : memref<!tpu.dma_semaphore, #tpu.memory_space<semaphore_mem>>)
      %dma_wait3A_278 = arith.constant 0 : i32
      %dma_wait3A_279 = tpu.memref_slice %arg2[%add3A_207, %dma_wait3A_278] : memref<128x128xi32, #tpu.memory_space<hbm>> -> memref<1x128xi32, #tpu.memory_space<hbm>>
      %dma_wait3A_280 = tpu.memref_squeeze %dma_wait3A_279 : memref<1x128xi32, #tpu.memory_space<hbm>> -> memref<128xi32, #tpu.memory_space<hbm>>
      %dma_wait3A_281 = arith.constant 0 : i32
      %dma_wait3A_282 = tpu.memref_slice %arg2[%add3A_207, %dma_wait3A_281] : memref<128x128xi32, #tpu.memory_space<hbm>> -> memref<1x128xi32, #tpu.memory_space<hbm>>
      %dma_wait3A_283 = tpu.memref_squeeze %dma_wait3A_282 : memref<1x128xi32, #tpu.memory_space<hbm>> -> memref<128xi32, #tpu.memory_space<hbm>>
      tpu.wait_dma2 semaphore(%run_scoped3A : memref<!tpu.dma_semaphore, #tpu.memory_space<semaphore_mem>>) src(%dma_wait3A_283 : memref<128xi32, #tpu.memory_space<hbm>>) dst(%arg7 : memref<128xi32, #tpu.memory_space<vmem>>)
      tpu.yield
    }) : () -> ()
    %scan3A_208 = arith.constant 0 : i32
    %scan3A_209 = arith.constant 0 : i32
    %scan3A_210 = arith.constant 8 : i32
    %scan3A_211 = arith.addi %scan3A_209, %scan3A_210 : i32
    %scan3A_212 = arith.constant 1 : i32
    scf.for %scan3A_272 = %scan3A_209 to %scan3A_211 step %scan3A_212  : i32 {
      %mul3A_273 = arith.constant 16 : i32
      %mul3A_274 = arith.muli %scan3A_272, %mul3A_273 : i32
      %get3A = arith.index_cast %mul3A_274 : i32 to index
      %get3A_275 = tpu.vector_load %arg7[%get3A] {strides = array<i32>} : memref<128xi32, #tpu.memory_space<vmem>>, vector<16xi32>,
      %shift_right_logical3A = arith.constant 3 : i32
      %shift_right_logical3A_276 = vector.broadcast %shift_right_logical3A : i32 to vector<16xi32>
      %shift_right_logical3A_277 = arith.shrui %get3A_275, %shift_right_logical3A_276 : vector<16xi32>
      %add3A_278 = arith.constant 0 : i32
      %add3A_279 = vector.broadcast %add3A_278 : i32 to vector<16xi32>
      %add3A_280 = arith.addi %shift_right_logical3A_277, %add3A_279 : vector<16xi32>
      %mul3A_281 = arith.constant 16 : i32
      %mul3A_282 = arith.muli %scan3A_272, %mul3A_281 : i32
      %swap3A = arith.index_cast %mul3A_282 : i32 to index
      %swap3A_283 = tpu.vector_load %arg8[%swap3A] {strides = array<i32>} : memref<128xi32, #tpu.memory_space<vmem>>, vector<16xi32>,
      tpu.vector_store %arg8[%swap3A], %add3A_280 {strides = array<i32>} : memref<128xi32, #tpu.memory_space<vmem>>, vector<16xi32>,
      %add3A_284 = arith.constant 125000 : i32
      %add3A_285 = vector.broadcast %add3A_284 : i32 to vector<16xi32>
      %add3A_286 = arith.addi %shift_right_logical3A_277, %add3A_285 : vector<16xi32>
      %mul3A_287 = arith.constant 16 : i32
      %mul3A_288 = arith.muli %scan3A_272, %mul3A_287 : i32
      %swap3A_289 = arith.index_cast %mul3A_288 : i32 to index
      %swap3A_290 = tpu.vector_load %arg9[%swap3A_289] {strides = array<i32>} : memref<128xi32, #tpu.memory_space<vmem>>, vector<16xi32>,
      tpu.vector_store %arg9[%swap3A_289], %add3A_286 {strides = array<i32>} : memref<128xi32, #tpu.memory_space<vmem>>, vector<16xi32>,
      %add3A_291 = arith.constant 250000 : i32
      %add3A_292 = vector.broadcast %add3A_291 : i32 to vector<16xi32>
      %add3A_293 = arith.addi %shift_right_logical3A_277, %add3A_292 : vector<16xi32>
      %mul3A_294 = arith.constant 16 : i32
      %mul3A_295 = arith.muli %scan3A_272, %mul3A_294 : i32
      %swap3A_296 = arith.index_cast %mul3A_295 : i32 to index
      %swap3A_297 = tpu.vector_load %arg10[%swap3A_296] {strides = array<i32>} : memref<128xi32, #tpu.memory_space<vmem>>, vector<16xi32>,
      tpu.vector_store %arg10[%swap3A_296], %add3A_293 {strides = array<i32>} : memref<128xi32, #tpu.memory_space<vmem>>, vector<16xi32>,
      %add3A_298 = arith.constant 375000 : i32
      %add3A_299 = vector.broadcast %add3A_298 : i32 to vector<16xi32>
      %add3A_300 = arith.addi %shift_right_logical3A_277, %add3A_299 : vector<16xi32>
      %mul3A_301 = arith.constant 16 : i32
      %mul3A_302 = arith.muli %scan3A_272, %mul3A_301 : i32
      %swap3A_303 = arith.index_cast %mul3A_302 : i32 to index
      %swap3A_304 = tpu.vector_load %arg11[%swap3A_303] {strides = array<i32>} : memref<128xi32, #tpu.memory_space<vmem>>, vector<16xi32>,
      tpu.vector_store %arg11[%swap3A_303], %add3A_300 {strides = array<i32>} : memref<128xi32, #tpu.memory_space<vmem>>, vector<16xi32>,
      %add3A_305 = arith.constant 500000 : i32
      %add3A_306 = vector.broadcast %add3A_305 : i32 to vector<16xi32>
      %add3A_307 = arith.addi %shift_right_logical3A_277, %add3A_306 : vector<16xi32>
      %mul3A_308 = arith.constant 16 : i32
      %mul3A_309 = arith.muli %scan3A_272, %mul3A_308 : i32
      %swap3A_310 = arith.index_cast %mul3A_309 : i32 to index
      %swap3A_311 = tpu.vector_load %arg12[%swap3A_310] {strides = array<i32>} : memref<128xi32, #tpu.memory_space<vmem>>, vector<16xi32>,
      tpu.vector_store %arg12[%swap3A_310], %add3A_307 {strides = array<i32>} : memref<128xi32, #tpu.memory_space<vmem>>, vector<16xi32>,
      %add3A_312 = arith.constant 625000 : i32
      %add3A_313 = vector.broadcast %add3A_312 : i32 to vector<16xi32>
      %add3A_314 = arith.addi %shift_right_logical3A_277, %add3A_313 : vector<16xi32>
      %mul3A_315 = arith.constant 16 : i32
      %mul3A_316 = arith.muli %scan3A_272, %mul3A_315 : i32
      %swap3A_317 = arith.index_cast %mul3A_316 : i32 to index
      %swap3A_318 = tpu.vector_load %arg13[%swap3A_317] {strides = array<i32>} : memref<128xi32, #tpu.memory_space<vmem>>, vector<16xi32>,
      tpu.vector_store %arg13[%swap3A_317], %add3A_314 {strides = array<i32>} : memref<128xi32, #tpu.memory_space<vmem>>, vector<16xi32>,
      %add3A_319 = arith.constant 0 : i32
      %add3A_320 = vector.broadcast %add3A_319 : i32 to vector<16xi32>
      %add3A_321 = arith.addi %shift_right_logical3A_277, %add3A_320 : vector<16xi32>
      %mul3A_322 = arith.constant 16 : i32
      %mul3A_323 = arith.muli %scan3A_272, %mul3A_322 : i32
      %swap3A_324 = arith.index_cast %mul3A_323 : i32 to index
      %swap3A_325 = tpu.vector_load %arg14[%swap3A_324] {strides = array<i32>} : memref<128xi32, #tpu.memory_space<vmem>>, vector<16xi32>,
      tpu.vector_store %arg14[%swap3A_324], %add3A_321 {strides = array<i32>} : memref<128xi32, #tpu.memory_space<vmem>>, vector<16xi32>,
      %add3A_326 = arith.constant 125000 : i32
      %add3A_327 = vector.broadcast %add3A_326 : i32 to vector<16xi32>
      %add3A_328 = arith.addi %shift_right_logical3A_277, %add3A_327 : vector<16xi32>
      %mul3A_329 = arith.constant 16 : i32
      %mul3A_330 = arith.muli %scan3A_272, %mul3A_329 : i32
      %swap3A_331 = arith.index_cast %mul3A_330 : i32 to index
      %swap3A_332 = tpu.vector_load %arg15[%swap3A_331] {strides = array<i32>} : memref<128xi32, #tpu.memory_space<vmem>>, vector<16xi32>,
      tpu.vector_store %arg15[%swap3A_331], %add3A_328 {strides = array<i32>} : memref<128xi32, #tpu.memory_space<vmem>>, vector<16xi32>,
    }
    %scan3A_213 = arith.constant 8 : i32
    %dma_start3A_214 = arith.constant 0 : i32
    %dma_start3A_215 = arith.constant 0 : i32
    %dma_start3A_216 = tpu.memref_slice %arg3[%dma_start3A_214, %dma_start3A_215] : memref<750000x8xf32, #tpu.memory_space<hbm>> -> memref<750000x8xf32, #tpu.memory_space<hbm>>
    tpu.enqueue_indirect_dma source(%dma_start3A_216 : memref<750000x8xf32, #tpu.memory_space<hbm>>) target(%arg16 : memref<128x8xf32, #tpu.memory_space<vmem>>) offsets(%arg8 : memref<128xi32, #tpu.memory_space<vmem>>) semaphore(%arg26 : memref<!tpu.dma_semaphore, #tpu.memory_space<semaphore_mem>>)
    %dma_start3A_217 = arith.constant 0 : i32
    %dma_start3A_218 = arith.constant 0 : i32
    %dma_start3A_219 = tpu.memref_slice %arg3[%dma_start3A_217, %dma_start3A_218] : memref<750000x8xf32, #tpu.memory_space<hbm>> -> memref<750000x8xf32, #tpu.memory_space<hbm>>
    tpu.enqueue_indirect_dma source(%dma_start3A_219 : memref<750000x8xf32, #tpu.memory_space<hbm>>) target(%arg17 : memref<128x8xf32, #tpu.memory_space<vmem>>) offsets(%arg9 : memref<128xi32, #tpu.memory_space<vmem>>) semaphore(%arg26 : memref<!tpu.dma_semaphore, #tpu.memory_space<semaphore_mem>>)
    %dma_start3A_220 = arith.constant 0 : i32
    %dma_start3A_221 = arith.constant 0 : i32
    %dma_start3A_222 = tpu.memref_slice %arg3[%dma_start3A_220, %dma_start3A_221] : memref<750000x8xf32, #tpu.memory_space<hbm>> -> memref<750000x8xf32, #tpu.memory_space<hbm>>
    tpu.enqueue_indirect_dma source(%dma_start3A_222 : memref<750000x8xf32, #tpu.memory_space<hbm>>) target(%arg18 : memref<128x8xf32, #tpu.memory_space<vmem>>) offsets(%arg10 : memref<128xi32, #tpu.memory_space<vmem>>) semaphore(%arg26 : memref<!tpu.dma_semaphore, #tpu.memory_space<semaphore_mem>>)
    %dma_start3A_223 = arith.constant 0 : i32
    %dma_start3A_224 = arith.constant 0 : i32
    %dma_start3A_225 = tpu.memref_slice %arg3[%dma_start3A_223, %dma_start3A_224] : memref<750000x8xf32, #tpu.memory_space<hbm>> -> memref<750000x8xf32, #tpu.memory_space<hbm>>
    tpu.enqueue_indirect_dma source(%dma_start3A_225 : memref<750000x8xf32, #tpu.memory_space<hbm>>) target(%arg19 : memref<128x8xf32, #tpu.memory_space<vmem>>) offsets(%arg11 : memref<128xi32, #tpu.memory_space<vmem>>) semaphore(%arg26 : memref<!tpu.dma_semaphore, #tpu.memory_space<semaphore_mem>>)
    %dma_start3A_226 = arith.constant 0 : i32
    %dma_start3A_227 = arith.constant 0 : i32
    %dma_start3A_228 = tpu.memref_slice %arg3[%dma_start3A_226, %dma_start3A_227] : memref<750000x8xf32, #tpu.memory_space<hbm>> -> memref<750000x8xf32, #tpu.memory_space<hbm>>
    tpu.enqueue_indirect_dma source(%dma_start3A_228 : memref<750000x8xf32, #tpu.memory_space<hbm>>) target(%arg20 : memref<128x8xf32, #tpu.memory_space<vmem>>) offsets(%arg12 : memref<128xi32, #tpu.memory_space<vmem>>) semaphore(%arg26 : memref<!tpu.dma_semaphore, #tpu.memory_space<semaphore_mem>>)
    %dma_start3A_229 = arith.constant 0 : i32
    %dma_start3A_230 = arith.constant 0 : i32
    %dma_start3A_231 = tpu.memref_slice %arg3[%dma_start3A_229, %dma_start3A_230] : memref<750000x8xf32, #tpu.memory_space<hbm>> -> memref<750000x8xf32, #tpu.memory_space<hbm>>
    tpu.enqueue_indirect_dma source(%dma_start3A_231 : memref<750000x8xf32, #tpu.memory_space<hbm>>) target(%arg21 : memref<128x8xf32, #tpu.memory_space<vmem>>) offsets(%arg13 : memref<128xi32, #tpu.memory_space<vmem>>) semaphore(%arg26 : memref<!tpu.dma_semaphore, #tpu.memory_space<semaphore_mem>>)
    %dma_start3A_232 = arith.constant 0 : i32
    %dma_start3A_233 = arith.constant 0 : i32
    %dma_start3A_234 = tpu.memref_slice %arg4[%dma_start3A_232, %dma_start3A_233] : memref<250000x8xf32, #tpu.memory_space<hbm>> -> memref<250000x8xf32, #tpu.memory_space<hbm>>
    tpu.enqueue_indirect_dma source(%dma_start3A_234 : memref<250000x8xf32, #tpu.memory_space<hbm>>) target(%arg22 : memref<128x8xf32, #tpu.memory_space<vmem>>) offsets(%arg14 : memref<128xi32, #tpu.memory_space<vmem>>) semaphore(%arg26 : memref<!tpu.dma_semaphore, #tpu.memory_space<semaphore_mem>>)
    %dma_start3A_235 = arith.constant 0 : i32
    %dma_start3A_236 = arith.constant 0 : i32
    %dma_start3A_237 = tpu.memref_slice %arg4[%dma_start3A_235, %dma_start3A_236] : memref<250000x8xf32, #tpu.memory_space<hbm>> -> memref<250000x8xf32, #tpu.memory_space<hbm>>
    tpu.enqueue_indirect_dma source(%dma_start3A_237 : memref<250000x8xf32, #tpu.memory_space<hbm>>) target(%arg23 : memref<128x8xf32, #tpu.memory_space<vmem>>) offsets(%arg15 : memref<128xi32, #tpu.memory_space<vmem>>) semaphore(%arg26 : memref<!tpu.dma_semaphore, #tpu.memory_space<semaphore_mem>>)
    %dma_wait3A_238 = arith.constant 0 : i32
    %dma_wait3A_239 = arith.constant 0 : i32
    %dma_wait3A_240 = tpu.memref_slice %arg3[%dma_wait3A_238, %dma_wait3A_239] : memref<750000x8xf32, #tpu.memory_space<hbm>> -> memref<750000x8xf32, #tpu.memory_space<hbm>>
    tpu.wait_indirect_dma semaphore(%arg26 : memref<!tpu.dma_semaphore, #tpu.memory_space<semaphore_mem>>) src(%dma_wait3A_240 : memref<750000x8xf32, #tpu.memory_space<hbm>>) dst(%arg16 : memref<128x8xf32, #tpu.memory_space<vmem>>)
    %dma_wait3A_241 = arith.constant 0 : i32
    %dma_wait3A_242 = arith.constant 0 : i32
    %dma_wait3A_243 = tpu.memref_slice %arg3[%dma_wait3A_241, %dma_wait3A_242] : memref<750000x8xf32, #tpu.memory_space<hbm>> -> memref<750000x8xf32, #tpu.memory_space<hbm>>
    tpu.wait_indirect_dma semaphore(%arg26 : memref<!tpu.dma_semaphore, #tpu.memory_space<semaphore_mem>>) src(%dma_wait3A_243 : memref<750000x8xf32, #tpu.memory_space<hbm>>) dst(%arg17 : memref<128x8xf32, #tpu.memory_space<vmem>>)
    %dma_wait3A_244 = arith.constant 0 : i32
    %dma_wait3A_245 = arith.constant 0 : i32
    %dma_wait3A_246 = tpu.memref_slice %arg3[%dma_wait3A_244, %dma_wait3A_245] : memref<750000x8xf32, #tpu.memory_space<hbm>> -> memref<750000x8xf32, #tpu.memory_space<hbm>>
    tpu.wait_indirect_dma semaphore(%arg26 : memref<!tpu.dma_semaphore, #tpu.memory_space<semaphore_mem>>) src(%dma_wait3A_246 : memref<750000x8xf32, #tpu.memory_space<hbm>>) dst(%arg18 : memref<128x8xf32, #tpu.memory_space<vmem>>)
    %dma_wait3A_247 = arith.constant 0 : i32
    %dma_wait3A_248 = arith.constant 0 : i32
    %dma_wait3A_249 = tpu.memref_slice %arg3[%dma_wait3A_247, %dma_wait3A_248] : memref<750000x8xf32, #tpu.memory_space<hbm>> -> memref<750000x8xf32, #tpu.memory_space<hbm>>
    tpu.wait_indirect_dma semaphore(%arg26 : memref<!tpu.dma_semaphore, #tpu.memory_space<semaphore_mem>>) src(%dma_wait3A_249 : memref<750000x8xf32, #tpu.memory_space<hbm>>) dst(%arg19 : memref<128x8xf32, #tpu.memory_space<vmem>>)
    %dma_wait3A_250 = arith.constant 0 : i32
    %dma_wait3A_251 = arith.constant 0 : i32
    %dma_wait3A_252 = tpu.memref_slice %arg3[%dma_wait3A_250, %dma_wait3A_251] : memref<750000x8xf32, #tpu.memory_space<hbm>> -> memref<750000x8xf32, #tpu.memory_space<hbm>>
    tpu.wait_indirect_dma semaphore(%arg26 : memref<!tpu.dma_semaphore, #tpu.memory_space<semaphore_mem>>) src(%dma_wait3A_252 : memref<750000x8xf32, #tpu.memory_space<hbm>>) dst(%arg20 : memref<128x8xf32, #tpu.memory_space<vmem>>)
    %dma_wait3A_253 = arith.constant 0 : i32
    %dma_wait3A_254 = arith.constant 0 : i32
    %dma_wait3A_255 = tpu.memref_slice %arg3[%dma_wait3A_253, %dma_wait3A_254] : memref<750000x8xf32, #tpu.memory_space<hbm>> -> memref<750000x8xf32, #tpu.memory_space<hbm>>
    tpu.wait_indirect_dma semaphore(%arg26 : memref<!tpu.dma_semaphore, #tpu.memory_space<semaphore_mem>>) src(%dma_wait3A_255 : memref<750000x8xf32, #tpu.memory_space<hbm>>) dst(%arg21 : memref<128x8xf32, #tpu.memory_space<vmem>>)
    %dma_wait3A_256 = arith.constant 0 : i32
    %dma_wait3A_257 = arith.constant 0 : i32
    %dma_wait3A_258 = tpu.memref_slice %arg4[%dma_wait3A_256, %dma_wait3A_257] : memref<250000x8xf32, #tpu.memory_space<hbm>> -> memref<250000x8xf32, #tpu.memory_space<hbm>>
    tpu.wait_indirect_dma semaphore(%arg26 : memref<!tpu.dma_semaphore, #tpu.memory_space<semaphore_mem>>) src(%dma_wait3A_258 : memref<250000x8xf32, #tpu.memory_space<hbm>>) dst(%arg22 : memref<128x8xf32, #tpu.memory_space<vmem>>)
    %dma_wait3A_259 = arith.constant 0 : i32
    %dma_wait3A_260 = arith.constant 0 : i32
    %dma_wait3A_261 = tpu.memref_slice %arg4[%dma_wait3A_259, %dma_wait3A_260] : memref<250000x8xf32, #tpu.memory_space<hbm>> -> memref<250000x8xf32, #tpu.memory_space<hbm>>
    tpu.wait_indirect_dma semaphore(%arg26 : memref<!tpu.dma_semaphore, #tpu.memory_space<semaphore_mem>>) src(%dma_wait3A_261 : memref<250000x8xf32, #tpu.memory_space<hbm>>) dst(%arg23 : memref<128x8xf32, #tpu.memory_space<vmem>>)
    %scan3A_262 = arith.constant 0 : i32
    %scan3A_263 = arith.constant 0 : i32
    %scan3A_264 = arith.constant 8 : i32
    %scan3A_265 = arith.addi %scan3A_263, %scan3A_264 : i32
    %scan3A_266 = arith.constant 1 : i32
    scf.for %scan3A_272 = %scan3A_263 to %scan3A_265 step %scan3A_266  : i32 {
      %mul3A_273 = arith.constant 16 : i32
      %mul3A_274 = arith.muli %scan3A_272, %mul3A_273 : i32
      %iota3A = tpu.iota {dimensions = array<i32: 0>} : vector<16xi32>
      %add3A_275 = vector.broadcast %mul3A_274 : i32 to vector<16xi32>
      %add3A_276 = arith.addi %iota3A, %add3A_275 : vector<16xi32>
      %get3A = arith.index_cast %mul3A_274 : i32 to index
      %get3A_277 = tpu.vector_load %arg7[%get3A] {strides = array<i32>} : memref<128xi32, #tpu.memory_space<vmem>>, vector<16xi32>,
      %and3A = arith.constant 7 : i32
      %and3A_278 = vector.broadcast %and3A : i32 to vector<16xi32>
      %and3A_279 = arith.andi %get3A_277, %and3A_278 : vector<16xi32>
      %gather3A = tpu.vector_load_idx %arg16[%add3A_276, %and3A_279] : memref<128x8xf32, #tpu.memory_space<vmem>>[vector<16xi32>, vector<16xi32>], vector<16xf32>,
      %gather3A_280 = tpu.vector_load_idx %arg17[%add3A_276, %and3A_279] : memref<128x8xf32, #tpu.memory_space<vmem>>[vector<16xi32>, vector<16xi32>], vector<16xf32>,
      %gather3A_281 = tpu.vector_load_idx %arg18[%add3A_276, %and3A_279] : memref<128x8xf32, #tpu.memory_space<vmem>>[vector<16xi32>, vector<16xi32>], vector<16xf32>,
      %gather3A_282 = tpu.vector_load_idx %arg19[%add3A_276, %and3A_279] : memref<128x8xf32, #tpu.memory_space<vmem>>[vector<16xi32>, vector<16xi32>], vector<16xf32>,
      %gather3A_283 = tpu.vector_load_idx %arg20[%add3A_276, %and3A_279] : memref<128x8xf32, #tpu.memory_space<vmem>>[vector<16xi32>, vector<16xi32>], vector<16xf32>,
      %gather3A_284 = tpu.vector_load_idx %arg21[%add3A_276, %and3A_279] : memref<128x8xf32, #tpu.memory_space<vmem>>[vector<16xi32>, vector<16xi32>], vector<16xf32>,
      %mul3A_285 = arith.mulf %gather3A, %gather3A : vector<16xf32>
      %mul3A_286 = arith.mulf %gather3A_280, %gather3A_280 : vector<16xf32>
      %add3A_287 = arith.addf %mul3A_285, %mul3A_286 : vector<16xf32>
      %mul3A_288 = arith.mulf %gather3A_281, %gather3A_281 : vector<16xf32>
      %add3A_289 = arith.addf %add3A_287, %mul3A_288 : vector<16xf32>
      %bitcast3A = vector.bitcast %add3A_289 : vector<16xf32> to vector<16xi32>
      %shift_right_logical3A = arith.constant 1 : i32
      %shift_right_logical3A_290 = vector.broadcast %shift_right_logical3A : i32 to vector<16xi32>
      %shift_right_logical3A_291 = arith.shrui %bitcast3A, %shift_right_logical3A_290 : vector<16xi32>
      %sub3A = arith.constant 1597463007 : i32
      %sub3A_292 = vector.broadcast %sub3A : i32 to vector<16xi32>
      %sub3A_293 = arith.subi %sub3A_292, %shift_right_logical3A_291 : vector<16xi32>
      %bitcast3A_294 = vector.bitcast %sub3A_293 : vector<16xi32> to vector<16xf32>
      %mul3A_295 = arith.constant 5.000000e-01 : f32
      %mul3A_296 = vector.broadcast %mul3A_295 : f32 to vector<16xf32>
      %mul3A_297 = arith.mulf %mul3A_296, %add3A_289 : vector<16xf32>
      %mul3A_298 = arith.mulf %mul3A_297, %bitcast3A_294 : vector<16xf32>
      %mul3A_299 = arith.mulf %mul3A_298, %bitcast3A_294 : vector<16xf32>
      %sub3A_300 = arith.constant 1.500000e+00 : f32
      %sub3A_301 = vector.broadcast %sub3A_300 : f32 to vector<16xf32>
      %sub3A_302 = arith.subf %sub3A_301, %mul3A_299 : vector<16xf32>
      %mul3A_303 = arith.mulf %bitcast3A_294, %sub3A_302 : vector<16xf32>
      %mul3A_304 = arith.constant 5.000000e-01 : f32
      %mul3A_305 = vector.broadcast %mul3A_304 : f32 to vector<16xf32>
      %mul3A_306 = arith.mulf %mul3A_305, %add3A_289 : vector<16xf32>
      %mul3A_307 = arith.mulf %mul3A_306, %mul3A_303 : vector<16xf32>
      %mul3A_308 = arith.mulf %mul3A_307, %mul3A_303 : vector<16xf32>
      %sub3A_309 = arith.constant 1.500000e+00 : f32
      %sub3A_310 = vector.broadcast %sub3A_309 : f32 to vector<16xf32>
      %sub3A_311 = arith.subf %sub3A_310, %mul3A_308 : vector<16xf32>
      %mul3A_312 = arith.mulf %mul3A_303, %sub3A_311 : vector<16xf32>
      %mul3A_313 = arith.constant 5.000000e-01 : f32
      %mul3A_314 = vector.broadcast %mul3A_313 : f32 to vector<16xf32>
      %mul3A_315 = arith.mulf %mul3A_314, %add3A_289 : vector<16xf32>
      %mul3A_316 = arith.mulf %mul3A_315, %mul3A_312 : vector<16xf32>
      %mul3A_317 = arith.mulf %mul3A_316, %mul3A_312 : vector<16xf32>
      %sub3A_318 = arith.constant 1.500000e+00 : f32
      %sub3A_319 = vector.broadcast %sub3A_318 : f32 to vector<16xf32>
      %sub3A_320 = arith.subf %sub3A_319, %mul3A_317 : vector<16xf32>
      %mul3A_321 = arith.mulf %mul3A_312, %sub3A_320 : vector<16xf32>
      %mul3A_322 = arith.mulf %gather3A, %mul3A_321 : vector<16xf32>
      %mul3A_323 = arith.mulf %gather3A_280, %mul3A_321 : vector<16xf32>
      %mul3A_324 = arith.mulf %gather3A_281, %mul3A_321 : vector<16xf32>
      %mul3A_325 = arith.mulf %mul3A_322, %gather3A_282 : vector<16xf32>
      %mul3A_326 = arith.mulf %mul3A_323, %gather3A_283 : vector<16xf32>
      %add3A_327 = arith.addf %mul3A_325, %mul3A_326 : vector<16xf32>
      %mul3A_328 = arith.mulf %mul3A_324, %gather3A_284 : vector<16xf32>
      %add3A_329 = arith.addf %add3A_327, %mul3A_328 : vector<16xf32>
      %mul3A_330 = arith.mulf %add3A_329, %mul3A_322 : vector<16xf32>
      %sub3A_331 = arith.subf %gather3A_282, %mul3A_330 : vector<16xf32>
      %mul3A_332 = arith.mulf %add3A_329, %mul3A_323 : vector<16xf32>
      %sub3A_333 = arith.subf %gather3A_283, %mul3A_332 : vector<16xf32>
      %mul3A_334 = arith.mulf %add3A_329, %mul3A_324 : vector<16xf32>
      %sub3A_335 = arith.subf %gather3A_284, %mul3A_334 : vector<16xf32>
      %mul3A_336 = arith.mulf %sub3A_331, %sub3A_331 : vector<16xf32>
      %mul3A_337 = arith.mulf %sub3A_333, %sub3A_333 : vector<16xf32>
      %add3A_338 = arith.addf %mul3A_336, %mul3A_337 : vector<16xf32>
      %mul3A_339 = arith.mulf %sub3A_335, %sub3A_335 : vector<16xf32>
      %add3A_340 = arith.addf %add3A_338, %mul3A_339 : vector<16xf32>
      %bitcast3A_341 = vector.bitcast %add3A_340 : vector<16xf32> to vector<16xi32>
      %shift_right_logical3A_342 = arith.constant 1 : i32
      %shift_right_logical3A_343 = vector.broadcast %shift_right_logical3A_342 : i32 to vector<16xi32>
      %shift_right_logical3A_344 = arith.shrui %bitcast3A_341, %shift_right_logical3A_343 : vector<16xi32>
      %sub3A_345 = arith.constant 1597463007 : i32
      %sub3A_346 = vector.broadcast %sub3A_345 : i32 to vector<16xi32>
      %sub3A_347 = arith.subi %sub3A_346, %shift_right_logical3A_344 : vector<16xi32>
      %bitcast3A_348 = vector.bitcast %sub3A_347 : vector<16xi32> to vector<16xf32>
      %mul3A_349 = arith.constant 5.000000e-01 : f32
      %mul3A_350 = vector.broadcast %mul3A_349 : f32 to vector<16xf32>
      %mul3A_351 = arith.mulf %mul3A_350, %add3A_340 : vector<16xf32>
      %mul3A_352 = arith.mulf %mul3A_351, %bitcast3A_348 : vector<16xf32>
      %mul3A_353 = arith.mulf %mul3A_352, %bitcast3A_348 : vector<16xf32>
      %sub3A_354 = arith.constant 1.500000e+00 : f32
      %sub3A_355 = vector.broadcast %sub3A_354 : f32 to vector<16xf32>
      %sub3A_356 = arith.subf %sub3A_355, %mul3A_353 : vector<16xf32>
      %mul3A_357 = arith.mulf %bitcast3A_348, %sub3A_356 : vector<16xf32>
      %mul3A_358 = arith.constant 5.000000e-01 : f32
      %mul3A_359 = vector.broadcast %mul3A_358 : f32 to vector<16xf32>
      %mul3A_360 = arith.mulf %mul3A_359, %add3A_340 : vector<16xf32>
      %mul3A_361 = arith.mulf %mul3A_360, %mul3A_357 : vector<16xf32>
      %mul3A_362 = arith.mulf %mul3A_361, %mul3A_357 : vector<16xf32>
      %sub3A_363 = arith.constant 1.500000e+00 : f32
      %sub3A_364 = vector.broadcast %sub3A_363 : f32 to vector<16xf32>
      %sub3A_365 = arith.subf %sub3A_364, %mul3A_362 : vector<16xf32>
      %mul3A_366 = arith.mulf %mul3A_357, %sub3A_365 : vector<16xf32>
      %mul3A_367 = arith.constant 5.000000e-01 : f32
      %mul3A_368 = vector.broadcast %mul3A_367 : f32 to vector<16xf32>
      %mul3A_369 = arith.mulf %mul3A_368, %add3A_340 : vector<16xf32>
      %mul3A_370 = arith.mulf %mul3A_369, %mul3A_366 : vector<16xf32>
      %mul3A_371 = arith.mulf %mul3A_370, %mul3A_366 : vector<16xf32>
      %sub3A_372 = arith.constant 1.500000e+00 : f32
      %sub3A_373 = vector.broadcast %sub3A_372 : f32 to vector<16xf32>
      %sub3A_374 = arith.subf %sub3A_373, %mul3A_371 : vector<16xf32>
      %mul3A_375 = arith.mulf %mul3A_366, %sub3A_374 : vector<16xf32>
      %mul3A_376 = arith.mulf %sub3A_331, %mul3A_375 : vector<16xf32>
      %mul3A_377 = arith.mulf %sub3A_333, %mul3A_375 : vector<16xf32>
      %mul3A_378 = arith.mulf %sub3A_335, %mul3A_375 : vector<16xf32>
      %mul3A_379 = arith.mulf %mul3A_323, %mul3A_378 : vector<16xf32>
      %mul3A_380 = arith.mulf %mul3A_324, %mul3A_377 : vector<16xf32>
      %sub3A_381 = arith.subf %mul3A_379, %mul3A_380 : vector<16xf32>
      %mul3A_382 = arith.mulf %mul3A_324, %mul3A_376 : vector<16xf32>
      %mul3A_383 = arith.mulf %mul3A_322, %mul3A_378 : vector<16xf32>
      %sub3A_384 = arith.subf %mul3A_382, %mul3A_383 : vector<16xf32>
      %mul3A_385 = arith.mulf %mul3A_322, %mul3A_377 : vector<16xf32>
      %mul3A_386 = arith.mulf %mul3A_323, %mul3A_376 : vector<16xf32>
      %sub3A_387 = arith.subf %mul3A_385, %mul3A_386 : vector<16xf32>
      %broadcast_in_dim3A = arith.constant 0 : i32
      %broadcast_in_dim3A_388 = vector.broadcast %broadcast_in_dim3A : i32 to vector<16xi32>
      tpu.vector_store_idx %arg24[%add3A_276, %broadcast_in_dim3A_388], %mul3A_322 : memref<128x9xf32, #tpu.memory_space<vmem>>[vector<16xi32>, vector<16xi32>], vector<16xf32>,
      %broadcast_in_dim3A_389 = arith.constant 1 : i32
      %broadcast_in_dim3A_390 = vector.broadcast %broadcast_in_dim3A_389 : i32 to vector<16xi32>
      tpu.vector_store_idx %arg24[%add3A_276, %broadcast_in_dim3A_390], %mul3A_323 : memref<128x9xf32, #tpu.memory_space<vmem>>[vector<16xi32>, vector<16xi32>], vector<16xf32>,
      %broadcast_in_dim3A_391 = arith.constant 2 : i32
      %broadcast_in_dim3A_392 = vector.broadcast %broadcast_in_dim3A_391 : i32 to vector<16xi32>
      tpu.vector_store_idx %arg24[%add3A_276, %broadcast_in_dim3A_392], %mul3A_324 : memref<128x9xf32, #tpu.memory_space<vmem>>[vector<16xi32>, vector<16xi32>], vector<16xf32>,
      %broadcast_in_dim3A_393 = arith.constant 3 : i32
      %broadcast_in_dim3A_394 = vector.broadcast %broadcast_in_dim3A_393 : i32 to vector<16xi32>
      tpu.vector_store_idx %arg24[%add3A_276, %broadcast_in_dim3A_394], %mul3A_376 : memref<128x9xf32, #tpu.memory_space<vmem>>[vector<16xi32>, vector<16xi32>], vector<16xf32>,
      %broadcast_in_dim3A_395 = arith.constant 4 : i32
      %broadcast_in_dim3A_396 = vector.broadcast %broadcast_in_dim3A_395 : i32 to vector<16xi32>
      tpu.vector_store_idx %arg24[%add3A_276, %broadcast_in_dim3A_396], %mul3A_377 : memref<128x9xf32, #tpu.memory_space<vmem>>[vector<16xi32>, vector<16xi32>], vector<16xf32>,
      %broadcast_in_dim3A_397 = arith.constant 5 : i32
      %broadcast_in_dim3A_398 = vector.broadcast %broadcast_in_dim3A_397 : i32 to vector<16xi32>
      tpu.vector_store_idx %arg24[%add3A_276, %broadcast_in_dim3A_398], %mul3A_378 : memref<128x9xf32, #tpu.memory_space<vmem>>[vector<16xi32>, vector<16xi32>], vector<16xf32>,
      %broadcast_in_dim3A_399 = arith.constant 6 : i32
      %broadcast_in_dim3A_400 = vector.broadcast %broadcast_in_dim3A_399 : i32 to vector<16xi32>
      tpu.vector_store_idx %arg24[%add3A_276, %broadcast_in_dim3A_400], %sub3A_381 : memref<128x9xf32, #tpu.memory_space<vmem>>[vector<16xi32>, vector<16xi32>], vector<16xf32>,
      %broadcast_in_dim3A_401 = arith.constant 7 : i32
      %broadcast_in_dim3A_402 = vector.broadcast %broadcast_in_dim3A_401 : i32 to vector<16xi32>
      tpu.vector_store_idx %arg24[%add3A_276, %broadcast_in_dim3A_402], %sub3A_384 : memref<128x9xf32, #tpu.memory_space<vmem>>[vector<16xi32>, vector<16xi32>], vector<16xf32>,
      %broadcast_in_dim3A_403 = arith.constant 8 : i32
      %broadcast_in_dim3A_404 = vector.broadcast %broadcast_in_dim3A_403 : i32 to vector<16xi32>
      tpu.vector_store_idx %arg24[%add3A_276, %broadcast_in_dim3A_404], %sub3A_387 : memref<128x9xf32, #tpu.memory_space<vmem>>[vector<16xi32>, vector<16xi32>], vector<16xf32>,
      %gather3A_405 = tpu.vector_load_idx %arg22[%add3A_276, %and3A_279] : memref<128x8xf32, #tpu.memory_space<vmem>>[vector<16xi32>, vector<16xi32>], vector<16xf32>,
      %broadcast_in_dim3A_406 = arith.constant 0 : i32
      %broadcast_in_dim3A_407 = vector.broadcast %broadcast_in_dim3A_406 : i32 to vector<16xi32>
      tpu.vector_store_idx %arg25[%add3A_276, %broadcast_in_dim3A_407], %gather3A_405 : memref<128x2xf32, #tpu.memory_space<vmem>>[vector<16xi32>, vector<16xi32>], vector<16xf32>,
      %gather3A_408 = tpu.vector_load_idx %arg23[%add3A_276, %and3A_279] : memref<128x8xf32, #tpu.memory_space<vmem>>[vector<16xi32>, vector<16xi32>], vector<16xf32>,
      %broadcast_in_dim3A_409 = arith.constant 1 : i32
      %broadcast_in_dim3A_410 = vector.broadcast %broadcast_in_dim3A_409 : i32 to vector<16xi32>
      tpu.vector_store_idx %arg25[%add3A_276, %broadcast_in_dim3A_410], %gather3A_408 : memref<128x2xf32, #tpu.memory_space<vmem>>[vector<16xi32>, vector<16xi32>], vector<16xf32>,
    }
    %scan3A_267 = arith.constant 8 : i32
    %add3A_268 = arith.constant 384 : i32
    %add3A_269 = arith.addi %mul3A_2, %add3A_268 : i32
    "tpu.region"() ({
      %run_scoped3A = tpu.sem_alloc : memref<!tpu.dma_semaphore, #tpu.memory_space<semaphore_mem>>
      %dma_start3A_272 = arith.constant 0 : i32
      %dma_start3A_273 = tpu.memref_slice %arg5[%add3A_269, %dma_start3A_272] : memref<16384x9xf32, #tpu.memory_space<hbm>> -> memref<128x9xf32, #tpu.memory_space<hbm>>
      %dma_start3A_274 = arith.constant 0 : i32
      %dma_start3A_275 = tpu.memref_slice %arg5[%add3A_269, %dma_start3A_274] : memref<16384x9xf32, #tpu.memory_space<hbm>> -> memref<128x9xf32, #tpu.memory_space<hbm>>
      tpu.enqueue_dma source(%arg24 : memref<128x9xf32, #tpu.memory_space<vmem>>) target(%dma_start3A_275 : memref<128x9xf32, #tpu.memory_space<hbm>>) target_semaphore(%run_scoped3A : memref<!tpu.dma_semaphore, #tpu.memory_space<semaphore_mem>>)
      %dma_wait3A_276 = arith.constant 0 : i32
      %dma_wait3A_277 = tpu.memref_slice %arg5[%add3A_269, %dma_wait3A_276] : memref<16384x9xf32, #tpu.memory_space<hbm>> -> memref<128x9xf32, #tpu.memory_space<hbm>>
      %dma_wait3A_278 = arith.constant 0 : i32
      %dma_wait3A_279 = tpu.memref_slice %arg5[%add3A_269, %dma_wait3A_278] : memref<16384x9xf32, #tpu.memory_space<hbm>> -> memref<128x9xf32, #tpu.memory_space<hbm>>
      tpu.wait_dma2 semaphore(%run_scoped3A : memref<!tpu.dma_semaphore, #tpu.memory_space<semaphore_mem>>) src(%arg24 : memref<128x9xf32, #tpu.memory_space<vmem>>) dst(%dma_wait3A_279 : memref<128x9xf32, #tpu.memory_space<hbm>>)
      tpu.yield
    }) : () -> ()
    %add3A_270 = arith.constant 384 : i32
    %add3A_271 = arith.addi %mul3A_2, %add3A_270 : i32
    "tpu.region"() ({
      %run_scoped3A = tpu.sem_alloc : memref<!tpu.dma_semaphore, #tpu.memory_space<semaphore_mem>>
      %dma_start3A_272 = arith.constant 0 : i32
      %dma_start3A_273 = tpu.memref_slice %arg6[%add3A_271, %dma_start3A_272] : memref<16384x2xf32, #tpu.memory_space<hbm>> -> memref<128x2xf32, #tpu.memory_space<hbm>>
      %dma_start3A_274 = arith.constant 0 : i32
      %dma_start3A_275 = tpu.memref_slice %arg6[%add3A_271, %dma_start3A_274] : memref<16384x2xf32, #tpu.memory_space<hbm>> -> memref<128x2xf32, #tpu.memory_space<hbm>>
      tpu.enqueue_dma source(%arg25 : memref<128x2xf32, #tpu.memory_space<vmem>>) target(%dma_start3A_275 : memref<128x2xf32, #tpu.memory_space<hbm>>) target_semaphore(%run_scoped3A : memref<!tpu.dma_semaphore, #tpu.memory_space<semaphore_mem>>)
      %dma_wait3A_276 = arith.constant 0 : i32
      %dma_wait3A_277 = tpu.memref_slice %arg6[%add3A_271, %dma_wait3A_276] : memref<16384x2xf32, #tpu.memory_space<hbm>> -> memref<128x2xf32, #tpu.memory_space<hbm>>
      %dma_wait3A_278 = arith.constant 0 : i32
      %dma_wait3A_279 = tpu.memref_slice %arg6[%add3A_271, %dma_wait3A_278] : memref<16384x2xf32, #tpu.memory_space<hbm>> -> memref<128x2xf32, #tpu.memory_space<hbm>>
      tpu.wait_dma2 semaphore(%run_scoped3A : memref<!tpu.dma_semaphore, #tpu.memory_space<semaphore_mem>>) src(%arg25 : memref<128x2xf32, #tpu.memory_space<vmem>>) dst(%dma_wait3A_279 : memref<128x2xf32, #tpu.memory_space<hbm>>)
      tpu.yield
    }) : () -> ()
    return
  }
}

</mosaic_0001>

<sc_bundles>
// kernel: _pose_lookup.3.cloned.1.call-start
scs
__scs_entry_jumppad:
0x0: {  	(pc) =	sbr.rel $0x88, $3  }
0x1: {  	(tag) =	ssettag $0x0;
	lr =	simm.s32 $0x1  }
0x2: {  	[smem:$0x3F9E] =	sst lr;
	_ =	strace $0xD0000000  }
0x3: {  	_ = 	snop  }
0x4: {  	_ = 	snop  }
0x5: {  	_ = 	snop  }
0x6: {  	_ = 	snop  }
0x7: {  	_ = 	snop  }
__scs_overlays_trampoline_lowered:
0x8: {  	[smem:$0x3FAD] =	sst s0  }
0x9: {  	[smem:$0x3FAE] =	sst s1  }
0xa: {  	[smem:$0x3FAF] =	sst s2  }
0xb: {  	[smem:$0x3FB0] =	sst s3  }
0xc: {  	[smem:$0x3FB1] =	sst s4  }
0xd: {  	[smem:$0x3FB2] =	sst s5  }
0xe: {  	[smem:$0x3FB3] =	sst s6  }
0xf: {  	[smem:$0x3FB4] =	sst s7  }
0x10: {  	[smem:$0x3FB5] =	sst s8  }
0x11: {  	[smem:$0x3FB6] =	sst s9;
	s0 =	simm.s32 @!p0 $0x0  }
0x12: {  	s1 =	sld [smem:$0x3F9C];
	s0 =	simm.s32 @p0 $0x1  }
0x13: {  	[smem:$0x3FB7] =	sst s0;
	s0 =	simm.s32 @!p1 $0x0  }
0x14: {  	s2 =	sld [smem:$0x3F9B];
	s0 =	simm.s32 @p1 $0x1  }
0x15: {  	[smem:$0x3FB8] =	sst s0;
	s0 =	simm.s32 @!p2 $0x0  }
0x16: {  	s3 =	sld [smem:$0x3FDB];
	s0 =	simm.s32 @p2 $0x1  }
0x17: {  	s4 =	simm.s32 $0x1BF5;
	[smem:$0x3FBA] =	sst s0  }
0x18: {  	s0 =	sld [smem:$0x3F9D];
	_ =	swait.ge [sflag:s4], $0x0  }
0x19: {  	s7 =	sld [smem:$0x3F9E]  }
0x1a: {  	s8 =	sadd.s32 $0xFFFFE003, lr  }
0x1b: {  	s9 =	sadd.s32 $0xFFFFFEF7, lr;
	s5 =	simm.s32 $0xFFFFFFFF;
	p2 =	slt.u32 s8, $0xFFFFF086  }
0x1c: {  	p1 =	slt.u32 s9, $0xF7A;
	s5 =	simm.s32 @!p2 $0x0  }
0x1d: {  	s5 =	simm.s32 @p1 $0x1;
	p0 =	seq.s32 s7, s2  }
0x1e: {  	s7 =	smul.u32 @!p0 $0xF7A, s2;
	p2 =	seq.s32 @!p0 s5, $0x0  }
0x1f: {  	s9 =	smul.u32 $0xF7A, s1;
	s8 =	simm.s32 @!p0 $0x1BF5;
	p2 =	por !p2, p0  }
0x20: {  	[sflag:s8] =	ssyncset.s32 @!p0 $0xFFFFF086;
	s6 =	sadd.s32 @!p0 s3, s7;
	s7 =	simm.s32 @!p0 $0x108  }
0x21: {  	s3 =	sadd.s32 s3, s9;
	s6 =	sadd.s32 @!p0 $0x88, s6;
	s7 =	simm.s32 @p2 $0x1082  }
0x22: {  	[simem:s7], [sflag:s8] =	dma.local @!p0 [hbm:s6], $0xF7A  }
0x23: {  	s9 =	sor.u32 $0xD0000000, s2;
	s6 =	simm.s32 $0x108;
	_ =	swait.ge @!p0 [sflag:s8], $0x0  }
0x24: {  	s3 =	sadd.s32 $0x88, s3;
	s6 =	simm.s32 @!p1 $0x1082;
	[sflag:s4] =	ssyncset.s32 $0xFFFFF086  }
0x25: {  	[simem:s6], [sflag:s4] =	dma.local [hbm:s3], $0xF7A  }
0x26: {  	[smem:$0x3F9E] =	sst s1;
	(tag) =	ssettag s2;
	_ =	strace s9  }
0x27: {  	s1 =	sld [smem:$0x3FAE]  }
0x28: {  	s2 =	sld [smem:$0x3FAF]  }
0x29: {  	s4 =	sld [smem:$0x3FB1]  }
0x2a: {  	p0 =	seq.s32 s5, $0x0;
	s5 =	sld [smem:$0x3FB2]  }
0x2b: {  	s6 =	sld [smem:$0x3FB3]  }
0x2c: {  	s7 =	sld [smem:$0x3FB4]  }
0x2d: {  	s3 =	simm.s32 $0x108;
	s8 =	sld [smem:$0x3FB5]  }
0x2e: {  	s3 =	simm.s32 @!p0 $0x1082;
	s9 =	sld [smem:$0x3FB6]  }
0x2f: {  	lr =	sadd.s32 s0, s3;
	s0 =	sld [smem:$0x3FAD]  }
0x30: {  	s3 =	sld [smem:$0x3FB0]  }
0x31: {  	[smem:$0x3FB9] =	sst s10  }
0x32: {  	s10 =	sld [smem:$0x3FB7];
	_ =	sdelay $0x3  }
0x33: {  	p0 =	seq.s32 s10, $0x1;
	s10 =	sld [smem:$0x3FB9];
	_ =	sdelay $0x3  }
0x34: {  	[smem:$0x3FB9] =	sst s10  }
0x35: {  	s10 =	sld [smem:$0x3FB8];
	_ =	sdelay $0x3  }
0x36: {  	p1 =	seq.s32 s10, $0x1;
	s10 =	sld [smem:$0x3FB9];
	_ =	sdelay $0x3  }
0x37: {  	[smem:$0x3FB9] =	sst s10  }
0x38: {  	s10 =	sld [smem:$0x3FBA]  }
0x39: {  	_ = 	snop;
	(pc) =	sbr.ind lr, $3  }
0x3a: {  	_ = 	snop  }
0x3b: {  	_ = 	snop  }
0x3c: {  	p2 =	seq.s32 s10, $0x1;
	s10 =	sld [smem:$0x3FB9]  }
0x3d: {  	_ =	shalt  }
0x3e: {  	_ =	shalt  }
0x3f: {  	_ =	shalt  }
0x40: {  	_ =	shalt  }
0x41: {  	_ =	shalt  }
0x42: {  	_ =	shalt  }
0x43: {  	_ =	shalt  }
0x44: {  	_ =	shalt  }
0x45: {  	_ =	shalt  }
0x46: {  	_ =	shalt  }
0x47: {  	_ =	shalt  }
0x48: {  	_ =	shalt  }
0x49: {  	_ =	shalt  }
0x4a: {  	_ =	shalt  }
0x4b: {  	_ =	shalt  }
0x4c: {  	_ =	shalt  }
0x4d: {  	_ =	shalt  }
0x4e: {  	_ =	shalt  }
0x4f: {  	_ =	shalt  }
0x50: {  	_ =	shalt  }
0x51: {  	_ =	shalt  }
0x52: {  	_ =	shalt  }
0x53: {  	_ =	shalt  }
0x54: {  	_ =	shalt  }
0x55: {  	_ =	shalt  }
0x56: {  	_ =	shalt  }
0x57: {  	_ =	shalt  }
0x58: {  	_ =	shalt  }
0x59: {  	_ =	shalt  }
0x5a: {  	_ =	shalt  }
0x5b: {  	_ =	shalt  }
0x5c: {  	_ =	shalt  }
0x5d: {  	_ =	shalt  }
0x5e: {  	_ =	shalt  }
0x5f: {  	_ =	shalt  }
0x60: {  	_ =	shalt  }
0x61: {  	_ =	shalt  }
0x62: {  	_ =	shalt  }
0x63: {  	_ =	shalt  }
0x64: {  	_ =	shalt  }
0x65: {  	_ =	shalt  }
0x66: {  	_ =	shalt  }
0x67: {  	_ =	shalt  }
0x68: {  	_ =	shalt  }
0x69: {  	_ =	shalt  }
0x6a: {  	_ =	shalt  }
0x6b: {  	_ =	shalt  }
0x6c: {  	_ =	shalt  }
0x6d: {  	_ =	shalt  }
0x6e: {  	_ =	shalt  }
0x6f: {  	_ =	shalt  }
0x70: {  	_ =	shalt  }
0x71: {  	_ =	shalt  }
0x72: {  	_ =	shalt  }
0x73: {  	_ =	shalt  }
0x74: {  	_ =	shalt  }
0x75: {  	_ =	shalt  }
0x76: {  	_ =	shalt  }
0x77: {  	_ =	shalt  }
0x78: {  	_ =	shalt  }
0x79: {  	_ =	shalt  }
0x7a: {  	_ =	shalt  }
0x7b: {  	_ =	shalt  }
0x7c: {  	_ =	shalt  }
0x7d: {  	_ =	shalt  }
0x7e: {  	_ =	shalt  }
0x7f: {  	_ =	shalt  }
0x80: {  	_ =	shalt  }
0x81: {  	_ =	shalt  }
0x82: {  	_ =	shalt  }
0x83: {  	_ =	shalt  }
0x84: {  	_ =	shalt  }
0x85: {  	_ =	shalt  }
0x86: {  	_ =	shalt  }
0x87: {  	_ =	shalt  }
.Lfunc_end0:
.L_simem_size_0:
called_computation_lowered:
.L_overlay_start_0:
0x88: {  	s2 =	sld [smem:$0x3FD9]  }
0x89: {  	s3 =	sld [smem:$0x3FFE];
	_ =	sdelay $0x1  }
0x8a: {  	s1 =	srdreg.scid  }
0x8b: {  	s0 =	sand.u32 $0x1, s1  }
0x8c: {  	s14 =	sshll.u32 s0, $0xA;
	s2 =	sadd.s32 s3, s2  }
0x8d: {  	s2 =	sadd.s32 s2, s14  }
0x8e: {  	[smem:$0x3FC5] =	sst s2  }
0x8f: {  	_ = 	snop  }
0x90: {  	s2 =	sld [smem:$0x3FD0];
	_ =	sdelay $0x2  }
0x91: {  	s4 =	simm.s32 $0xA;
	s5 =	simm.s32 $0x10;
	s15 =	sld [smem:$0x3FC9]  }
0x92: {  	[smem:s5], [sflag:s4] =	dma.local [hbm:s2], $0x1  }
0x93: {  	_ =	swait.eq [sflag:s4], $0x1  }
0x94: {  	[sflag:s4] =	ssyncset.done $0x0  }
0x95: {  	[sflag:s4] =	ssyncadd.s32 $0xFFFFFFFF  }
0x96: {  	s16 =	sld [smem:$0x10];
	(tm) =	ssettm $0x1  }
0x97: {  	s17 =	sld [smem:$0x3FFB];
	_ =	sdelay $0x3  }
0x98: {  	_ =	strace s17  }
0x99: {  	s4 =	sld [smem:$0x3FFC];
	_ =	sdelay $0x3  }
0x9a: {  	_ =	strace s4  }
0x9b: {  	s4 =	sld [smem:$0x3FFD];
	_ =	sdelay $0x3  }
0x9c: {  	_ =	strace s4  }
0x9d: {  	_ =	strace $0x8FFFFFFF  }
0x9e: {  	s18 =	sld [smem:$0x3FDB];
	_ =	sdelay $0x1  }
0x9f: {  	s19 =	simm.s32 $_scs_section_size  }
0xa0: {  	s6 =	simm.s32 $_size__tile_overlayer_lowered;
	s7 =	simm.s32 $_tile_overlayer_lowered  }
0xa1: {  	s22 =	simm.s32 $0x1BFF;
	s21 =	sshll.u32 s7, $0x1;
	s4 =	sadd.s32 s19, s18  }
0xa2: {  	s8 =	simm.s32 $0x0;
	s20 =	sshll.u32 s6, $0x1;
	s6 =	sadd.s32 s21, s4  }
0xa3: {  	[timem:s8], [sflag:s22] =	dma.local [hbm:s6], s20  }
0xa4: {  	_ =	swait.ge [sflag:s22], s20  }
0xa5: {  	s5 =	ssub.s32 $0x0, s20;
	[sflag:s22] =	ssyncset.done $0x0  }
0xa6: {  	[sflag:s22] =	ssyncadd.s32 s5;
	_ =	sdelay $0x1  }
0xa7: {  	s23 =	simm.s32 $0x1B8B  }
0xa8: {  	_ =	swait.ge [sflag:s23], $0x1  }
0xa9: {  	[sflag:s23] =	ssyncset.done $0x0  }
0xaa: {  	s25 =	simm.s32 $0x1B8E;
	s24 =	sld [smem:$0x3FFE];
	[sflag:s23] =	ssyncadd.s32 $0xFFFFFFFF  }
0xab: {  	s26 =	simm.s32 $execute0_lowered;
	[smem:$0x3FD2] =	sst s25  }
0xac: {  	s6 =	sshll.u32 s26, $0x1;
	_ =	strace $0x80000046;
	[dreg:$0x1] =	wrdreg $0xFFFFFFFF  }
0xad: {  	s28 =	simm.s32 $_size_execute0_lowered;
	s4 =	sadd.s32 s4, s6;
	[dreg:$0x0] =	wrdreg $0x0  }
0xae: {  	s6 =	sshll.u32 s28, $0x1;
	[dreg:$0x2] =	wrdreg s4  }
0xaf: {  	[dreg:$0x3] =	wrdreg s6  }
0xb0: {  	[dreg:$0x4] =	wrdreg $0xC0  }
0xb1: {  	_ =	task [dreg:s8], $0x5FFFF  }
0xb2: {  	[dreg:$0x1] =	wrdreg $0xFFFFFFFF  }
0xb3: {  	[dreg:$0x0] =	wrdreg $0x60  }
0xb4: {  	[dreg:$0x2] =	wrdreg s15  }
0xb5: {  	[dreg:$0x3] =	wrdreg s24  }
0xb6: {  	[dreg:$0x4] =	wrdreg s16  }
0xb7: {  	[dreg:$0x5] =	wrdreg $0x9  }
0xb8: {  	_ =	task.clear_ibuf [dreg:s8], $0x6FFFF;
	_ =	strace $0x90000046  }
0xb9: {  	s29 =	simm.s32 $0x9;
	_ =	strace $0x80000048  }
0xba: {  	_ =	swait.ge [sflag:s29], $0x1  }
0xbb: {  	[sflag:s29] =	ssyncadd.s32 $0xFFFFFFFF  }
0xbc: {  	_ =	strace $0x90000048  }
0xbd: {  	_ =	sfence  }
0xbe: {  	s30 =	sld [smem:$0x0];
	_ =	sdelay $0x2  }
0xbf: {  	s31 =	sshll.u32 s1, $0xD;
	s1 =	sshrl.u32 s1, $0x2  }
0xc0: {  	s3 =	sand.u32 $0x4000, s31;
	s1 =	sadd.s32 s1, s30  }
0xc1: {  	s0 =	sor.u32 s3, s0;
	s1 =	sshll.u32 s1, $0x11  }
0xc2: {  	s0 =	sor.u32 s1, s0  }
0xc3: {  	s0 =	sadd.s32 $0x8F2B, s0  }
0xc4: {  	[sflag:s0] =	ssyncadd.remote.s32 $0x1  }
0xc5: {  	_ =	sfence.sel $0xFFFF  }
0xc6: {  	[dreg:$0x0] =	wrdreg $0xFFFFFFFF;
	(pc) =	sbr.abs _section_cstart, $3  }
0xc7: {  	[dreg:$0x1] =	wrdreg $0xFFFFFFFF  }
0xc8: {  	_ =	task.clear_ibuf [dreg:s8], $0x2FFFF;
	_ =	strace $0x9FFFFFFF  }
0xc9: {  	(tm) =	ssettm $0x7FFFFFFF  }
tec
execute0_lowered:
.L_overlay_start_1:
0x0: {  	(tag) =	ssettag $0x1  }
0x1: {  	s0 =	rddreg [dreg:$0x0]  }
0x2: {  	s1 =	rddreg [dreg:$0x1]  }
0x3: {  	s6 =	rddreg [dreg:$0x2]  }
0x4: {  	s2 =	simm.s32 $0x0;
	s3 =	srdreg.scid;
	s4 =	stileid.u32  }
0x5: {  	s28 =	simm.s32 $0x280;
	s29 =	simm.s32 $0x1480;
	s30 =	simm.s32 $0x300  }
0x6: {  	s31 =	simm.s32 $0x1880;
	s11 =	simm.s32 $0x0;
	[smem:$0x7FF] =	sst s2  }
0x7: {  	s5 =	sand.u32 $0x1, s3;
	s3 =	sadd.s32 $0x800, s1;
	s8 =	sshll.u32 s4, $0x1  }
0x8: {  	s4 =	sadd.s32 $0xB7A00, s1;
	s1 =	sadd.s32 $0xF4C00, s1;
	s7 =	ssub.s32 $0x2, s5  }
0x9: {  	_ =	strace $0x80000047;
	s8 =	sor.u32 s5, s8;
	s9 =	sshrl.u32 s7, $0x1  }
0xa: {  	s5 =	sshll.u32 s8, $0x6;
	s15 =	sshll.u32 s8, $0x9;
	s16 =	sshll.u32 s8, $0xA  }
0xb: {  	s7 =	ssub.s32 s7, s9;
	s5 =	sadd.s32 s0, s5;
	s0 =	sadd.s32 s6, s16  }
0xc: {  	s17 =	sadd.s32 s1, s15;
	s18 =	sor.u32 $0x80, s15;
	s10 =	sor.u32 $0x100, s15  }
0xd: {  	s23 =	sor.u32 $0x180, s15;
	s9 =	simm.s32 $0x2480;
	[dreg:$0x4] =	wrdreg s0  }
0xe: {  	[dreg:$0x5] =	wrdreg s17;
	s19 =	sadd.s32 $0x10, s5;
	s20 =	sshll.u32 s18, $0x1  }
0xf: {  	s0 =	sadd.s32 s1, s18;
	s21 =	sshll.u32 s10, $0x1;
	s22 =	sadd.s32 $0x20, s5  }
0x10: {  	s24 =	sadd.s32 s1, s10;
	s25 =	sadd.s32 $0x30, s5;
	s26 =	sshll.u32 s23, $0x1  }
0x11: {  	s16 =	sadd.s32 s1, s23;
	s17 =	smax.u32 s7, $0x1;
	[dreg:$0x6] =	wrdreg s19  }
0x12: {  	s18 =	simm.s32 $0x2;
	s23 =	simm.s32 $0x180;
	[dreg:$0x8] =	wrdreg s0  }
0x13: {  	s1 =	simm.s32 $0x1C80;
	s7 =	simm.s32 $0x2080;
	[dreg:$0x9] =	wrdreg s22  }
0x14: {  	s10 =	simm.s32 $0x2C80;
	s8 =	sadd.s32 s6, s20;
	[dreg:$0xb] =	wrdreg s24  }
0x15: {  	s0 =	sadd.s32 s6, s21;
	[dreg:$0xc] =	wrdreg s25;
	s15 =	sadd.s32 s6, s26  }
0x16: {  	s19 =	simm.s32 $0x80;
	s20 =	simm.s32 $0x480;
	s21 =	simm.s32 $0x100  }
0x17: {  	s22 =	simm.s32 $0x880;
	s24 =	simm.s32 $0xC80;
	s25 =	simm.s32 $0x200  }
0x18: {  	s26 =	simm.s32 $0x1080;
	s6 =	simm.s32 $0x400;
	[dreg:$0x7] =	wrdreg s8  }
0x19: {  	v0 =	vlaneseq.u32;
	[dreg:$0xa] =	wrdreg s0;
	s0 =	simm.s32 $0x380;
	s8 =	simm.s32 $0x1  }
.LBB2_1:
0x1a: {  	[tilespmem:s2], [sflag:$0x2] =	stream.linear.gather [hbm4b:s5+s2], $0x80, $0x38;
	[tilespmem:$0x3080] =	vst v63  }
0x1b: {  	_ =	swait.ge [sflag:s18], $0x80  }
0x1c: {  	[sflag:s18] =	ssyncset.done $0x0  }
0x1d: {  	[sflag:s18] =	ssyncadd.s32 $0xFFFFFF80  }
0x1e: {  	v1 =	vld [tilespmem:$0x0];
	_ =	sdelay $0x4  }
0x1f: {  	v1 =	vshrl.u32 v1, $0x3  }
0x20: {  	[tilespmem:$0x80] =	vst v1  }
0x21: {  	v2 =	vadd.s32 $0x1E848, v1;
	[tilespmem:$0x380] =	vst v1  }
0x22: {  	v4 =	vld [tilespmem:$0x10];
	v3 =	vadd.s32 $0x3D090, v1;
	[tilespmem:$0x100] =	vst v2  }
0x23: {  	[tilespmem:$0x180] =	vst v3  }
0x24: {  	v3 =	vadd.s32 $0x5B8D8, v1;
	[tilespmem:$0x400] =	vst v2  }
0x25: {  	[tilespmem:$0x200] =	vst v3;
	v3 =	vadd.s32 $0x7A120, v1  }
0x26: {  	[tilespmem:$0x280] =	vst v3;
	v3 =	vadd.s32 $0x98968, v1  }
0x27: {  	v1 =	vshrl.u32 v4, $0x3;
	[tilespmem:$0x300] =	vst v3  }
0x28: {  	[tilespmem:$0x90] =	vst v1  }
0x29: {  	v2 =	vadd.s32 $0x1E848, v1;
	[tilespmem:$0x390] =	vst v1  }
0x2a: {  	v40 =	vld [tilespmem:$0x20];
	v3 =	vadd.s32 $0x3D090, v1;
	[tilespmem:$0x110] =	vst v2  }
0x2b: {  	[tilespmem:$0x190] =	vst v3  }
0x2c: {  	v3 =	vadd.s32 $0x5B8D8, v1;
	[tilespmem:$0x410] =	vst v2  }
0x2d: {  	[tilespmem:$0x210] =	vst v3;
	v3 =	vadd.s32 $0x7A120, v1  }
0x2e: {  	[tilespmem:$0x290] =	vst v3;
	v3 =	vadd.s32 $0x98968, v1  }
0x2f: {  	v1 =	vshrl.u32 v40, $0x3;
	[tilespmem:$0x310] =	vst v3  }
0x30: {  	[tilespmem:$0xA0] =	vst v1  }
0x31: {  	v2 =	vadd.s32 $0x1E848, v1;
	[tilespmem:$0x3A0] =	vst v1  }
0x32: {  	v41 =	vld [tilespmem:$0x30];
	v3 =	vadd.s32 $0x3D090, v1;
	[tilespmem:$0x120] =	vst v2  }
0x33: {  	[tilespmem:$0x1A0] =	vst v3  }
0x34: {  	v3 =	vadd.s32 $0x5B8D8, v1;
	[tilespmem:$0x420] =	vst v2  }
0x35: {  	[tilespmem:$0x220] =	vst v3;
	v3 =	vadd.s32 $0x7A120, v1  }
0x36: {  	[tilespmem:$0x2A0] =	vst v3;
	v3 =	vadd.s32 $0x98968, v1  }
0x37: {  	v1 =	vshrl.u32 v41, $0x3;
	[tilespmem:$0x320] =	vst v3  }
0x38: {  	[tilespmem:$0xB0] =	vst v1  }
0x39: {  	v2 =	vadd.s32 $0x1E848, v1;
	[tilespmem:$0x3B0] =	vst v1  }
0x3a: {  	v42 =	vld [tilespmem:$0x40];
	v3 =	vadd.s32 $0x3D090, v1;
	[tilespmem:$0x130] =	vst v2  }
0x3b: {  	[tilespmem:$0x1B0] =	vst v3  }
0x3c: {  	v3 =	vadd.s32 $0x5B8D8, v1;
	[tilespmem:$0x430] =	vst v2  }
0x3d: {  	[tilespmem:$0x230] =	vst v3;
	v3 =	vadd.s32 $0x7A120, v1  }
0x3e: {  	[tilespmem:$0x2B0] =	vst v3;
	v3 =	vadd.s32 $0x98968, v1  }
0x3f: {  	v1 =	vshrl.u32 v42, $0x3;
	[tilespmem:$0x330] =	vst v3  }
0x40: {  	[tilespmem:$0xC0] =	vst v1  }
0x41: {  	v2 =	vadd.s32 $0x1E848, v1;
	[tilespmem:$0x3C0] =	vst v1  }
0x42: {  	v43 =	vld [tilespmem:$0x50];
	v3 =	vadd.s32 $0x3D090, v1;
	[tilespmem:$0x140] =	vst v2  }
0x43: {  	[tilespmem:$0x1C0] =	vst v3  }
0x44: {  	v3 =	vadd.s32 $0x5B8D8, v1;
	[tilespmem:$0x440] =	vst v2  }
0x45: {  	[tilespmem:$0x240] =	vst v3;
	v3 =	vadd.s32 $0x7A120, v1  }
0x46: {  	[tilespmem:$0x2C0] =	vst v3;
	v3 =	vadd.s32 $0x98968, v1  }
0x47: {  	v1 =	vshrl.u32 v43, $0x3;
	[tilespmem:$0x340] =	vst v3  }
0x48: {  	[tilespmem:$0xD0] =	vst v1  }
0x49: {  	v2 =	vadd.s32 $0x1E848, v1;
	[tilespmem:$0x3D0] =	vst v1  }
0x4a: {  	v44 =	vld [tilespmem:$0x60];
	v3 =	vadd.s32 $0x3D090, v1;
	[tilespmem:$0x150] =	vst v2  }
0x4b: {  	[tilespmem:$0x1D0] =	vst v3  }
0x4c: {  	v3 =	vadd.s32 $0x5B8D8, v1;
	[tilespmem:$0x450] =	vst v2  }
0x4d: {  	[tilespmem:$0x250] =	vst v3;
	v3 =	vadd.s32 $0x7A120, v1  }
0x4e: {  	[tilespmem:$0x2D0] =	vst v3;
	v3 =	vadd.s32 $0x98968, v1  }
0x4f: {  	v1 =	vshrl.u32 v44, $0x3;
	[tilespmem:$0x350] =	vst v3  }
0x50: {  	[tilespmem:$0xE0] =	vst v1  }
0x51: {  	v2 =	vadd.s32 $0x1E848, v1;
	[tilespmem:$0x3E0] =	vst v1  }
0x52: {  	v45 =	vld [tilespmem:$0x70];
	v3 =	vadd.s32 $0x3D090, v1;
	[tilespmem:$0x160] =	vst v2  }
0x53: {  	[tilespmem:$0x1E0] =	vst v3  }
0x54: {  	v3 =	vadd.s32 $0x5B8D8, v1;
	[tilespmem:$0x460] =	vst v2  }
0x55: {  	[tilespmem:$0x260] =	vst v3;
	v3 =	vadd.s32 $0x7A120, v1  }
0x56: {  	[tilespmem:$0x2E0] =	vst v3;
	v3 =	vadd.s32 $0x98968, v1  }
0x57: {  	v1 =	vshrl.u32 v45, $0x3;
	[tilespmem:$0x360] =	vst v3  }
0x58: {  	[tilespmem:$0xF0] =	vst v1  }
0x59: {  	v2 =	vadd.s32 $0x1E848, v1;
	[tilespmem:$0x3F0] =	vst v1  }
0x5a: {  	v3 =	vadd.s32 $0x3D090, v1;
	[tilespmem:$0x170] =	vst v2  }
0x5b: {  	[tilespmem:$0x1F0] =	vst v3  }
0x5c: {  	v3 =	vadd.s32 $0x5B8D8, v1;
	[tilespmem:$0x470] =	vst v2  }
0x5d: {  	[tilespmem:$0x270] =	vst v3;
	v3 =	vadd.s32 $0x7A120, v1  }
0x5e: {  	[tilespmem:$0x2F0] =	vst v3;
	v3 =	vadd.s32 $0x98968, v1  }
0x5f: {  	[tilespmem:$0x370] =	vst v3  }
0x60: {  	[tilespmem:s20], [sflag:$0x1] =	stream.indirect.gather [hbm4b:s3+s19], $0x8, s19, s19, $0xb8;
	[tilespmem:$0x3080] =	vst v63  }
0x61: {  	_ = 	snop  }
0x62: {  	[tilespmem:s22], [sflag:$0x1] =	stream.indirect.gather [hbm4b:s3+s19], $0x8, s21, s19, $0xb8;
	[tilespmem:$0x3080] =	vst v63  }
0x63: {  	_ = 	snop  }
0x64: {  	[tilespmem:s24], [sflag:$0x1] =	stream.indirect.gather [hbm4b:s3+s19], $0x8, s23, s19, $0xb8;
	[tilespmem:$0x3080] =	vst v63  }
0x65: {  	_ = 	snop  }
0x66: {  	[tilespmem:s26], [sflag:$0x1] =	stream.indirect.gather [hbm4b:s3+s19], $0x8, s25, s19, $0xb8;
	[tilespmem:$0x3080] =	vst v63  }
0x67: {  	_ = 	snop  }
0x68: {  	[tilespmem:s29], [sflag:$0x1] =	stream.indirect.gather [hbm4b:s3+s19], $0x8, s28, s19, $0xb8;
	[tilespmem:$0x3080] =	vst v63  }
0x69: {  	_ = 	snop  }
0x6a: {  	[tilespmem:s31], [sflag:$0x1] =	stream.indirect.gather [hbm4b:s3+s19], $0x8, s30, s19, $0xb8;
	[tilespmem:$0x3080] =	vst v63  }
0x6b: {  	_ = 	snop  }
0x6c: {  	[tilespmem:s1], [sflag:$0x1] =	stream.indirect.gather [hbm4b:s4+s19], $0x8, s0, s19, $0xb8;
	[tilespmem:$0x3080] =	vst v63  }
0x6d: {  	_ = 	snop  }
0x6e: {  	[tilespmem:s7], [sflag:$0x1] =	stream.indirect.gather [hbm4b:s4+s19], $0x8, s6, s19, $0xb8;
	[tilespmem:$0x3080] =	vst v63  }
0x6f: {  	_ =	swait.ge [sflag:s8], $0x400  }
0x70: {  	[sflag:s8] =	ssyncset.done $0x0  }
0x71: {  	[sflag:s8] =	ssyncadd.s32 $0xFFFFFC00  }
0x72: {  	_ =	swait.ge [sflag:s8], $0x400  }
0x73: {  	[sflag:s8] =	ssyncset.done $0x0  }
0x74: {  	[sflag:s8] =	ssyncadd.s32 $0xFFFFFC00  }
0x75: {  	_ =	swait.ge [sflag:s8], $0x400  }
0x76: {  	[sflag:s8] =	ssyncset.done $0x0  }
0x77: {  	[sflag:s8] =	ssyncadd.s32 $0xFFFFFC00  }
0x78: {  	_ =	swait.ge [sflag:s8], $0x400  }
0x79: {  	[sflag:s8] =	ssyncset.done $0x0  }
0x7a: {  	[sflag:s8] =	ssyncadd.s32 $0xFFFFFC00  }
0x7b: {  	_ =	swait.ge [sflag:s8], $0x400  }
0x7c: {  	[sflag:s8] =	ssyncset.done $0x0  }
0x7d: {  	[sflag:s8] =	ssyncadd.s32 $0xFFFFFC00  }
0x7e: {  	_ =	swait.ge [sflag:s8], $0x400  }
0x7f: {  	[sflag:s8] =	ssyncset.done $0x0  }
0x80: {  	[sflag:s8] =	ssyncadd.s32 $0xFFFFFC00  }
0x81: {  	_ =	swait.ge [sflag:s8], $0x400  }
0x82: {  	[sflag:s8] =	ssyncset.done $0x0  }
0x83: {  	[sflag:s8] =	ssyncadd.s32 $0xFFFFFC00  }
0x84: {  	_ =	swait.ge [sflag:s8], $0x400  }
0x85: {  	[sflag:s8] =	ssyncset.done $0x0  }
0x86: {  	[sflag:s8] =	ssyncadd.s32 $0xFFFFFC00  }
0x87: {  	v1 =	vld [tilespmem:s2+$0x0];
	_ =	sdelay $0x3  }
0x88: {  	v2 =	vor.u32 s2, v0  }
0x89: {  	v3 =	vshll.u32 v2, $0x3;
	v1 =	vand.u32 $0x7, v1  }
0x8a: {  	v1 =	vor.u32 v3, v1;
	_ =	sdelay $0x4  }
0x8b: {  	v46 =	vld.idx.msk [tilespmem:v1+s20+$0x0], $0xffff  }
0x8c: {  	v5 =	vld.idx.msk [tilespmem:v1+s22+$0x0], $0xffff;
	_ =	sdelay $0x1  }
0x8d: {  	v6 =	vld.idx.msk [tilespmem:v1+s24+$0x0], $0xffff;
	_ =	sdelay $0x2  }
0x8e: {  	v7 =	vmul.f32 v46, v46;
	v8 =	vmul.f32 v5, v5;
	_ =	sdelay $0x1  }
0x8f: {  	v9 =	vmul.f32 v6, v6;
	v7 =	vadd.f32 v8, v7;
	_ =	sdelay $0x1  }
0x90: {  	v7 =	vadd.f32 v9, v7;
	_ =	sdelay $0x1  }
0x91: {  	v47 =	vshrl.u32 v7, $0x1;
	v7 =	vmul.f32 $5.000000000e-01, v7  }
0x92: {  	v8 =	vsub.s32 $0x5F3759DF, v47  }
0x93: {  	v48 =	vmul.f32 v8, v7;
	_ =	sdelay $0x1  }
0x94: {  	v9 =	vmul.f32 v8, v48;
	_ =	sdelay $0x1  }
0x95: {  	v9 =	vsub.f32 $1.500000000e+00, v9;
	_ =	sdelay $0x1  }
0x96: {  	v8 =	vmul.f32 v8, v9;
	_ =	sdelay $0x1  }
0x97: {  	v9 =	vmul.f32 v8, v7;
	_ =	sdelay $0x1  }
0x98: {  	v9 =	vmul.f32 v9, v8;
	_ =	sdelay $0x1  }
0x99: {  	v9 =	vsub.f32 $1.500000000e+00, v9;
	_ =	sdelay $0x1  }
0x9a: {  	v8 =	vmul.f32 v9, v8;
	_ =	sdelay $0x1  }
0x9b: {  	v7 =	vmul.f32 v8, v7;
	_ =	sdelay $0x1  }
0x9c: {  	v7 =	vmul.f32 v7, v8;
	_ =	sdelay $0x1  }
0x9d: {  	v49 =	vld.idx.msk [tilespmem:v1+s29+$0x0], $0xffff;
	v7 =	vsub.f32 $1.500000000e+00, v7  }
0x9e: {  	v10 =	vld.idx.msk [tilespmem:v1+s26+$0x0], $0xffff  }
0x9f: {  	v7 =	vmul.f32 v7, v8  }
0xa0: {  	v50 =	vld.idx.msk [tilespmem:v1+s31+$0x0], $0xffff  }
0xa1: {  	v4 =	vmul.f32 v7, v46;
	v5 =	vmul.f32 v7, v5  }
0xa2: {  	v6 =	vmul.f32 v7, v6  }
0xa3: {  	v51 =	vmul.f32 v4, v10;
	v11 =	vmul.f32 v5, v49;
	_ =	sdelay $0x1  }
0xa4: {  	v12 =	vmul.f32 v6, v50;
	v7 =	vadd.f32 v11, v51;
	_ =	sdelay $0x1  }
0xa5: {  	v7 =	vadd.f32 v7, v12;
	_ =	sdelay $0x1  }
0xa6: {  	v52 =	vmul.f32 v7, v4;
	v12 =	vmul.f32 v7, v5;
	_ =	sdelay $0x1  }
0xa7: {  	v7 =	vmul.f32 v7, v6;
	v10 =	vsub.f32 v10, v52;
	v9 =	vsub.f32 v49, v12;
	_ =	sdelay $0x1  }
0xa8: {  	v7 =	vsub.f32 v50, v7;
	v53 =	vmul.f32 v10, v10;
	v54 =	vmul.f32 v9, v9;
	_ =	sdelay $0x1  }
0xa9: {  	v55 =	vmul.f32 v7, v7;
	v8 =	vadd.f32 v54, v53;
	_ =	sdelay $0x1  }
0xaa: {  	v8 =	vadd.f32 v8, v55;
	_ =	sdelay $0x1  }
0xab: {  	v56 =	vshrl.u32 v8, $0x1;
	v8 =	vmul.f32 $5.000000000e-01, v8  }
0xac: {  	v11 =	vsub.s32 $0x5F3759DF, v56  }
0xad: {  	v57 =	vmul.f32 v11, v8;
	_ =	sdelay $0x1  }
0xae: {  	v12 =	vmul.f32 v11, v57;
	_ =	sdelay $0x1  }
0xaf: {  	v12 =	vsub.f32 $1.500000000e+00, v12;
	_ =	sdelay $0x1  }
0xb0: {  	v11 =	vmul.f32 v11, v12;
	_ =	sdelay $0x1  }
0xb1: {  	v12 =	vmul.f32 v11, v8;
	_ =	sdelay $0x1  }
0xb2: {  	v12 =	vmul.f32 v12, v11;
	_ =	sdelay $0x1  }
0xb3: {  	v12 =	vsub.f32 $1.500000000e+00, v12;
	_ =	sdelay $0x1  }
0xb4: {  	v11 =	vmul.f32 v12, v11;
	_ =	sdelay $0x1  }
0xb5: {  	v8 =	vmul.f32 v11, v8;
	_ =	sdelay $0x1  }
0xb6: {  	v8 =	vmul.f32 v8, v11;
	_ =	sdelay $0x1  }
0xb7: {  	v2 =	vshll.u32 v2, $0x4;
	v8 =	vsub.f32 $1.500000000e+00, v8  }
0xb8: {  	v58 =	vor.u32 $0x1, v2  }
0xb9: {  	v13 =	vor.u32 $0x2, v2;
	v8 =	vmul.f32 v8, v11  }
0xba: {  	v59 =	vor.u32 $0x3, v2  }
0xbb: {  	v14 =	vor.u32 $0x4, v2;
	v9 =	vmul.f32 v8, v9  }
0xbc: {  	v15 =	vor.u32 $0x5, v2;
	[tilespmem:v2+s9+$0x0] =	vst.idx.msk $0xffff, v4;
	v10 =	vmul.f32 v8, v10;
	v7 =	vmul.f32 v8, v7  }
0xbd: {  	v61 =	vor.u32 $0x6, v2;
	[tilespmem:v58+s9+$0x0] =	vst.idx.msk $0xffff, v5;
	v60 =	vmul.f32 v9, v6  }
0xbe: {  	v16 =	vor.u32 $0x7, v2;
	[tilespmem:v13+s9+$0x0] =	vst.idx.msk $0xffff, v6;
	v62 =	vmul.f32 v10, v5;
	v5 =	vmul.f32 v7, v5  }
0xbf: {  	v2 =	vor.u32 $0x8, v2;
	[tilespmem:v59+s9+$0x0] =	vst.idx.msk $0xffff, v10;
	v6 =	vmul.f32 v10, v6;
	v63 =	vmul.f32 v7, v4  }
0xc0: {  	v4 =	vmul.f32 v9, v4;
	[tilespmem:v14+s9+$0x0] =	vst.idx.msk $0xffff, v9;
	v5 =	vsub.f32 v5, v60  }
0xc1: {  	[tilespmem:v15+s9+$0x0] =	vst.idx.msk $0xffff, v7;
	v6 =	vsub.f32 v6, v63  }
0xc2: {  	v4 =	vsub.f32 v4, v62;
	[tilespmem:v61+s9+$0x0] =	vst.idx.msk $0xffff, v5  }
0xc3: {  	[tilespmem:v16+s9+$0x0] =	vst.idx.msk $0xffff, v6  }
0xc4: {  	[tilespmem:v2+s9+$0x0] =	vst.idx.msk $0xffff, v4  }
0xc5: {  	v2 =	vld.idx.msk [tilespmem:v1+s1+$0x0], $0xffff;
	_ =	sdelay $0x4  }
0xc6: {  	[tilespmem:v3+s10+$0x0] =	vst.idx.msk $0xffff, v2  }
0xc7: {  	s12 =	simm.s32 $0x10;
	s13 =	simm.s32 $0x0;
	v2 =	vld.idx.msk [tilespmem:v1+s7+$0x0], $0xffff;
	v1 =	vor.u32 $0x1, v3  }
.LBB2_2:
0xc8: {  	_ = 	snop  }
0xc9: {  	p0 =	sne.s32 s12, $0x70  }
0xca: {  	s13 =	sadd.s32 $0x10, s13;
	s14 =	smov.u32 s12;
	s12 =	sadd.s32 $0x10, s12  }
0xcb: {  	_ = 	snop  }
0xcc: {  	[tilespmem:v1+s10+$0x0] =	vst.idx.msk $0xffff, v2  }
0xcd: {  	v1 =	vld [tilespmem:s13+$0x0];
	_ =	sdelay $0x3  }
0xce: {  	v3 =	vor.u32 s14, v0  }
0xcf: {  	v2 =	vand.u32 $0x7, v1;
	v1 =	vshll.u32 v3, $0x3  }
0xd0: {  	v2 =	vor.u32 v1, v2;
	_ =	sdelay $0x4  }
0xd1: {  	v4 =	vld.idx.msk [tilespmem:v2+s20+$0x0], $0xffff  }
0xd2: {  	v5 =	vld.idx.msk [tilespmem:v2+s22+$0x0], $0xffff  }
0xd3: {  	v6 =	vld.idx.msk [tilespmem:v2+s24+$0x0], $0xffff;
	_ =	sdelay $0x3  }
0xd4: {  	v7 =	vmul.f32 v4, v4  }
0xd5: {  	v8 =	vmul.f32 v5, v5  }
0xd6: {  	v9 =	vmul.f32 v6, v6  }
0xd7: {  	v7 =	vadd.f32 v8, v7;
	_ =	sdelay $0x1  }
0xd8: {  	v7 =	vadd.f32 v9, v7;
	_ =	sdelay $0x1  }
0xd9: {  	v8 =	vshrl.u32 v7, $0x1;
	v7 =	vmul.f32 $5.000000000e-01, v7  }
0xda: {  	v8 =	vsub.s32 $0x5F3759DF, v8  }
0xdb: {  	v9 =	vmul.f32 v8, v7;
	_ =	sdelay $0x1  }
0xdc: {  	v9 =	vmul.f32 v8, v9;
	_ =	sdelay $0x1  }
0xdd: {  	v9 =	vsub.f32 $1.500000000e+00, v9;
	_ =	sdelay $0x1  }
0xde: {  	v8 =	vmul.f32 v8, v9;
	_ =	sdelay $0x1  }
0xdf: {  	v9 =	vmul.f32 v8, v7;
	_ =	sdelay $0x1  }
0xe0: {  	v9 =	vmul.f32 v9, v8;
	_ =	sdelay $0x1  }
0xe1: {  	v9 =	vsub.f32 $1.500000000e+00, v9;
	_ =	sdelay $0x1  }
0xe2: {  	v8 =	vmul.f32 v9, v8;
	_ =	sdelay $0x1  }
0xe3: {  	v7 =	vmul.f32 v8, v7;
	_ =	sdelay $0x1  }
0xe4: {  	v7 =	vmul.f32 v7, v8  }
0xe5: {  	v9 =	vld.idx.msk [tilespmem:v2+s29+$0x0], $0xffff  }
0xe6: {  	v7 =	vsub.f32 $1.500000000e+00, v7;
	v10 =	vld.idx.msk [tilespmem:v2+s26+$0x0], $0xffff  }
0xe7: {  	v11 =	vld.idx.msk [tilespmem:v2+s31+$0x0], $0xffff  }
0xe8: {  	v7 =	vmul.f32 v7, v8;
	_ =	sdelay $0x1  }
0xe9: {  	v4 =	vmul.f32 v7, v4;
	v5 =	vmul.f32 v7, v5  }
0xea: {  	v6 =	vmul.f32 v7, v6  }
0xeb: {  	v7 =	vmul.f32 v4, v10;
	v8 =	vmul.f32 v5, v9  }
0xec: {  	v12 =	vmul.f32 v6, v11  }
0xed: {  	v7 =	vadd.f32 v8, v7;
	_ =	sdelay $0x1  }
0xee: {  	v7 =	vadd.f32 v7, v12;
	_ =	sdelay $0x1  }
0xef: {  	v8 =	vmul.f32 v7, v4;
	v12 =	vmul.f32 v7, v5  }
0xf0: {  	v7 =	vmul.f32 v7, v6  }
0xf1: {  	v8 =	vsub.f32 v10, v8;
	v9 =	vsub.f32 v9, v12  }
0xf2: {  	v7 =	vsub.f32 v11, v7  }
0xf3: {  	v10 =	vmul.f32 v8, v8;
	v11 =	vmul.f32 v9, v9  }
0xf4: {  	v12 =	vmul.f32 v7, v7  }
0xf5: {  	v10 =	vadd.f32 v11, v10;
	_ =	sdelay $0x1  }
0xf6: {  	v10 =	vadd.f32 v10, v12;
	_ =	sdelay $0x1  }
0xf7: {  	v11 =	vshrl.u32 v10, $0x1;
	v10 =	vmul.f32 $5.000000000e-01, v10  }
0xf8: {  	v11 =	vsub.s32 $0x5F3759DF, v11  }
0xf9: {  	v12 =	vmul.f32 v11, v10;
	_ =	sdelay $0x1  }
0xfa: {  	v12 =	vmul.f32 v11, v12;
	_ =	sdelay $0x1  }
0xfb: {  	v12 =	vsub.f32 $1.500000000e+00, v12;
	_ =	sdelay $0x1  }
0xfc: {  	v11 =	vmul.f32 v11, v12;
	_ =	sdelay $0x1  }
0xfd: {  	v12 =	vmul.f32 v11, v10;
	_ =	sdelay $0x1  }
0xfe: {  	v12 =	vmul.f32 v12, v11;
	_ =	sdelay $0x1  }
0xff: {  	v12 =	vsub.f32 $1.500000000e+00, v12;
	_ =	sdelay $0x1  }
0x100: {  	v11 =	vmul.f32 v12, v11;
	_ =	sdelay $0x1  }
0x101: {  	v10 =	vmul.f32 v11, v10;
	_ =	sdelay $0x1  }
0x102: {  	v3 =	vshll.u32 v3, $0x4;
	v10 =	vmul.f32 v10, v11  }
0x103: {  	v12 =	vor.u32 $0x1, v3  }
0x104: {  	v13 =	vor.u32 $0x2, v3;
	v10 =	vsub.f32 $1.500000000e+00, v10  }
0x105: {  	v14 =	vor.u32 $0x3, v3  }
0x106: {  	v10 =	vmul.f32 v10, v11;
	v11 =	vor.u32 $0x4, v3  }
0x107: {  	v15 =	vor.u32 $0x5, v3;
	[tilespmem:v3+s9+$0x0] =	vst.idx.msk $0xffff, v4  }
0x108: {  	v8 =	vmul.f32 v10, v8;
	v9 =	vmul.f32 v10, v9;
	[tilespmem:v12+s9+$0x0] =	vst.idx.msk $0xffff, v5  }
0x109: {  	v7 =	vmul.f32 v10, v7;
	[tilespmem:v13+s9+$0x0] =	vst.idx.msk $0xffff, v6  }
0x10a: {  	v10 =	vmul.f32 v9, v6;
	v12 =	vmul.f32 v8, v5;
	v13 =	vor.u32 $0x6, v3;
	[tilespmem:v14+s9+$0x0] =	vst.idx.msk $0xffff, v8  }
0x10b: {  	v5 =	vmul.f32 v7, v5;
	v14 =	vmul.f32 v7, v4;
	[tilespmem:v11+s9+$0x0] =	vst.idx.msk $0xffff, v9;
	v11 =	vor.u32 $0x7, v3  }
0x10c: {  	v6 =	vmul.f32 v8, v6;
	v4 =	vmul.f32 v9, v4;
	v3 =	vor.u32 $0x8, v3;
	[tilespmem:v15+s9+$0x0] =	vst.idx.msk $0xffff, v7  }
0x10d: {  	v5 =	vsub.f32 v5, v10  }
0x10e: {  	v6 =	vsub.f32 v6, v14;
	v4 =	vsub.f32 v4, v12  }
0x10f: {  	[tilespmem:v13+s9+$0x0] =	vst.idx.msk $0xffff, v5  }
0x110: {  	[tilespmem:v11+s9+$0x0] =	vst.idx.msk $0xffff, v6  }
0x111: {  	[tilespmem:v3+s9+$0x0] =	vst.idx.msk $0xffff, v4  }
0x112: {  	v3 =	vld.idx.msk [tilespmem:v2+s1+$0x0], $0xffff;
	_ =	sdelay $0x3  }
.Ltmp0:
0x113: {  	(pc) =	sbr.rel @p0 .LBB2_2-.Ltmp0, $4  }
0x114: {  	_ = 	snop  }
0x115: {  	[tilespmem:v1+s10+$0x0] =	vst.idx.msk $0xffff, v3  }
0x116: {  	v2 =	vld.idx.msk [tilespmem:v2+s7+$0x0], $0xffff  }
0x117: {  	v1 =	vor.u32 $0x1, v1  }
0x118: {  	_ =	sdelay $0x3  }
0x119: {  	s12 =	simm.s32 $0x0;
	s13 =	rddreg [dreg:$0x4];
	[tilespmem:v1+s10+$0x0] =	vst.idx.msk $0xffff, v2  }
0x11a: {  	[hbm4b:s13+s12] =	stream.linear.scatter [tilespmem:s9], [sflag:$0x2], $0x800, $0x38;
	[tilespmem:$0x3080] =	vst v63  }
0x11b: {  	_ =	swait.ge [sflag:s18], $0x800  }
0x11c: {  	[sflag:s18] =	ssyncset.done $0x0  }
0x11d: {  	s14 =	rddreg [dreg:$0x5];
	[sflag:s18] =	ssyncadd.s32 $0xFFFFF800  }
0x11e: {  	[hbm4b:s14+s12] =	stream.linear.scatter [tilespmem:s10], [sflag:$0x2], $0x400, $0x38;
	[tilespmem:$0x3080] =	vst v63  }
0x11f: {  	_ =	swait.ge [sflag:s18], $0x400  }
0x120: {  	[sflag:s18] =	ssyncset.done $0x0  }
0x121: {  	s14 =	rddreg [dreg:$0x6];
	[sflag:s18] =	ssyncadd.s32 $0xFFFFFC00  }
0x122: {  	[tilespmem:s12], [sflag:$0x2] =	stream.linear.gather [hbm4b:s14+s12], $0x80, $0x38;
	[tilespmem:$0x3080] =	vst v63  }
0x123: {  	_ =	swait.ge [sflag:s18], $0x80  }
0x124: {  	[sflag:s18] =	ssyncset.done $0x0  }
0x125: {  	[sflag:s18] =	ssyncadd.s32 $0xFFFFFF80  }
0x126: {  	v1 =	vld [tilespmem:$0x0];
	_ =	sdelay $0x4  }
0x127: {  	v1 =	vshrl.u32 v1, $0x3  }
0x128: {  	[tilespmem:$0x80] =	vst v1  }
0x129: {  	v2 =	vadd.s32 $0x1E848, v1;
	[tilespmem:$0x380] =	vst v1  }
0x12a: {  	v4 =	vld [tilespmem:$0x10];
	v3 =	vadd.s32 $0x3D090, v1;
	[tilespmem:$0x100] =	vst v2  }
0x12b: {  	[tilespmem:$0x180] =	vst v3  }
0x12c: {  	v3 =	vadd.s32 $0x5B8D8, v1;
	[tilespmem:$0x400] =	vst v2  }
0x12d: {  	[tilespmem:$0x200] =	vst v3;
	v3 =	vadd.s32 $0x7A120, v1  }
0x12e: {  	[tilespmem:$0x280] =	vst v3;
	v3 =	vadd.s32 $0x98968, v1  }
0x12f: {  	v1 =	vshrl.u32 v4, $0x3;
	[tilespmem:$0x300] =	vst v3  }
0x130: {  	[tilespmem:$0x90] =	vst v1  }
0x131: {  	v2 =	vadd.s32 $0x1E848, v1;
	[tilespmem:$0x390] =	vst v1  }
0x132: {  	v40 =	vld [tilespmem:$0x20];
	v3 =	vadd.s32 $0x3D090, v1;
	[tilespmem:$0x110] =	vst v2  }
0x133: {  	[tilespmem:$0x190] =	vst v3  }
0x134: {  	v3 =	vadd.s32 $0x5B8D8, v1;
	[tilespmem:$0x410] =	vst v2  }
0x135: {  	[tilespmem:$0x210] =	vst v3;
	v3 =	vadd.s32 $0x7A120, v1  }
0x136: {  	[tilespmem:$0x290] =	vst v3;
	v3 =	vadd.s32 $0x98968, v1  }
0x137: {  	v1 =	vshrl.u32 v40, $0x3;
	[tilespmem:$0x310] =	vst v3  }
0x138: {  	[tilespmem:$0xA0] =	vst v1  }
0x139: {  	v2 =	vadd.s32 $0x1E848, v1;
	[tilespmem:$0x3A0] =	vst v1  }
0x13a: {  	v41 =	vld [tilespmem:$0x30];
	v3 =	vadd.s32 $0x3D090, v1;
	[tilespmem:$0x120] =	vst v2  }
0x13b: {  	[tilespmem:$0x1A0] =	vst v3  }
0x13c: {  	v3 =	vadd.s32 $0x5B8D8, v1;
	[tilespmem:$0x420] =	vst v2  }
0x13d: {  	[tilespmem:$0x220] =	vst v3;
	v3 =	vadd.s32 $0x7A120, v1  }
0x13e: {  	[tilespmem:$0x2A0] =	vst v3;
	v3 =	vadd.s32 $0x98968, v1  }
0x13f: {  	v1 =	vshrl.u32 v41, $0x3;
	[tilespmem:$0x320] =	vst v3  }
0x140: {  	[tilespmem:$0xB0] =	vst v1  }
0x141: {  	v2 =	vadd.s32 $0x1E848, v1;
	[tilespmem:$0x3B0] =	vst v1  }
0x142: {  	v42 =	vld [tilespmem:$0x40];
	v3 =	vadd.s32 $0x3D090, v1;
	[tilespmem:$0x130] =	vst v2  }
0x143: {  	[tilespmem:$0x1B0] =	vst v3  }
0x144: {  	v3 =	vadd.s32 $0x5B8D8, v1;
	[tilespmem:$0x430] =	vst v2  }
0x145: {  	[tilespmem:$0x230] =	vst v3;
	v3 =	vadd.s32 $0x7A120, v1  }
0x146: {  	[tilespmem:$0x2B0] =	vst v3;
	v3 =	vadd.s32 $0x98968, v1  }
0x147: {  	v1 =	vshrl.u32 v42, $0x3;
	[tilespmem:$0x330] =	vst v3  }
0x148: {  	[tilespmem:$0xC0] =	vst v1  }
0x149: {  	v2 =	vadd.s32 $0x1E848, v1;
	[tilespmem:$0x3C0] =	vst v1  }
0x14a: {  	v43 =	vld [tilespmem:$0x50];
	v3 =	vadd.s32 $0x3D090, v1;
	[tilespmem:$0x140] =	vst v2  }
0x14b: {  	[tilespmem:$0x1C0] =	vst v3  }
0x14c: {  	v3 =	vadd.s32 $0x5B8D8, v1;
	[tilespmem:$0x440] =	vst v2  }
0x14d: {  	[tilespmem:$0x240] =	vst v3;
	v3 =	vadd.s32 $0x7A120, v1  }
0x14e: {  	[tilespmem:$0x2C0] =	vst v3;
	v3 =	vadd.s32 $0x98968, v1  }
0x14f: {  	v1 =	vshrl.u32 v43, $0x3;
	[tilespmem:$0x340] =	vst v3  }
0x150: {  	[tilespmem:$0xD0] =	vst v1  }
0x151: {  	v2 =	vadd.s32 $0x1E848, v1;
	[tilespmem:$0x3D0] =	vst v1  }
0x152: {  	v44 =	vld [tilespmem:$0x60];
	v3 =	vadd.s32 $0x3D090, v1;
	[tilespmem:$0x150] =	vst v2  }
0x153: {  	[tilespmem:$0x1D0] =	vst v3  }
0x154: {  	v3 =	vadd.s32 $0x5B8D8, v1;
	[tilespmem:$0x450] =	vst v2  }
0x155: {  	[tilespmem:$0x250] =	vst v3;
	v3 =	vadd.s32 $0x7A120, v1  }
0x156: {  	[tilespmem:$0x2D0] =	vst v3;
	v3 =	vadd.s32 $0x98968, v1  }
0x157: {  	v1 =	vshrl.u32 v44, $0x3;
	[tilespmem:$0x350] =	vst v3  }
0x158: {  	[tilespmem:$0xE0] =	vst v1  }
0x159: {  	v2 =	vadd.s32 $0x1E848, v1;
	[tilespmem:$0x3E0] =	vst v1  }
0x15a: {  	v45 =	vld [tilespmem:$0x70];
	v3 =	vadd.s32 $0x3D090, v1;
	[tilespmem:$0x160] =	vst v2  }
0x15b: {  	[tilespmem:$0x1E0] =	vst v3  }
0x15c: {  	v3 =	vadd.s32 $0x5B8D8, v1;
	[tilespmem:$0x460] =	vst v2  }
0x15d: {  	[tilespmem:$0x260] =	vst v3;
	v3 =	vadd.s32 $0x7A120, v1  }
0x15e: {  	[tilespmem:$0x2E0] =	vst v3;
	v3 =	vadd.s32 $0x98968, v1  }
0x15f: {  	v1 =	vshrl.u32 v45, $0x3;
	[tilespmem:$0x360] =	vst v3  }
0x160: {  	[tilespmem:$0xF0] =	vst v1  }
0x161: {  	v2 =	vadd.s32 $0x1E848, v1;
	[tilespmem:$0x3F0] =	vst v1  }
0x162: {  	v3 =	vadd.s32 $0x3D090, v1;
	[tilespmem:$0x170] =	vst v2  }
0x163: {  	[tilespmem:$0x1F0] =	vst v3  }
0x164: {  	v3 =	vadd.s32 $0x5B8D8, v1;
	[tilespmem:$0x470] =	vst v2  }
0x165: {  	[tilespmem:$0x270] =	vst v3;
	v3 =	vadd.s32 $0x7A120, v1  }
0x166: {  	[tilespmem:$0x2F0] =	vst v3;
	v3 =	vadd.s32 $0x98968, v1  }
0x167: {  	[tilespmem:$0x370] =	vst v3  }
0x168: {  	[tilespmem:s20], [sflag:$0x1] =	stream.indirect.gather [hbm4b:s3+s19], $0x8, s19, s19, $0xb8;
	[tilespmem:$0x3080] =	vst v63  }
0x169: {  	_ = 	snop  }
0x16a: {  	[tilespmem:s22], [sflag:$0x1] =	stream.indirect.gather [hbm4b:s3+s19], $0x8, s21, s19, $0xb8;
	[tilespmem:$0x3080] =	vst v63  }
0x16b: {  	_ = 	snop  }
0x16c: {  	[tilespmem:s24], [sflag:$0x1] =	stream.indirect.gather [hbm4b:s3+s19], $0x8, s23, s19, $0xb8;
	[tilespmem:$0x3080] =	vst v63  }
0x16d: {  	_ = 	snop  }
0x16e: {  	[tilespmem:s26], [sflag:$0x1] =	stream.indirect.gather [hbm4b:s3+s19], $0x8, s25, s19, $0xb8;
	[tilespmem:$0x3080] =	vst v63  }
0x16f: {  	_ = 	snop  }
0x170: {  	[tilespmem:s29], [sflag:$0x1] =	stream.indirect.gather [hbm4b:s3+s19], $0x8, s28, s19, $0xb8;
	[tilespmem:$0x3080] =	vst v63  }
0x171: {  	_ = 	snop  }
0x172: {  	[tilespmem:s31], [sflag:$0x1] =	stream.indirect.gather [hbm4b:s3+s19], $0x8, s30, s19, $0xb8;
	[tilespmem:$0x3080] =	vst v63  }
0x173: {  	_ = 	snop  }
0x174: {  	[tilespmem:s1], [sflag:$0x1] =	stream.indirect.gather [hbm4b:s4+s19], $0x8, s0, s19, $0xb8;
	[tilespmem:$0x3080] =	vst v63  }
0x175: {  	_ = 	snop  }
0x176: {  	[tilespmem:s7], [sflag:$0x1] =	stream.indirect.gather [hbm4b:s4+s19], $0x8, s6, s19, $0xb8;
	[tilespmem:$0x3080] =	vst v63  }
0x177: {  	_ =	swait.ge [sflag:s8], $0x400  }
0x178: {  	[sflag:s8] =	ssyncset.done $0x0  }
0x179: {  	[sflag:s8] =	ssyncadd.s32 $0xFFFFFC00  }
0x17a: {  	_ =	swait.ge [sflag:s8], $0x400  }
0x17b: {  	[sflag:s8] =	ssyncset.done $0x0  }
0x17c: {  	[sflag:s8] =	ssyncadd.s32 $0xFFFFFC00  }
0x17d: {  	_ =	swait.ge [sflag:s8], $0x400  }
0x17e: {  	[sflag:s8] =	ssyncset.done $0x0  }
0x17f: {  	[sflag:s8] =	ssyncadd.s32 $0xFFFFFC00  }
0x180: {  	_ =	swait.ge [sflag:s8], $0x400  }
0x181: {  	[sflag:s8] =	ssyncset.done $0x0  }
0x182: {  	[sflag:s8] =	ssyncadd.s32 $0xFFFFFC00  }
0x183: {  	_ =	swait.ge [sflag:s8], $0x400  }
0x184: {  	[sflag:s8] =	ssyncset.done $0x0  }
0x185: {  	[sflag:s8] =	ssyncadd.s32 $0xFFFFFC00  }
0x186: {  	_ =	swait.ge [sflag:s8], $0x400  }
0x187: {  	[sflag:s8] =	ssyncset.done $0x0  }
0x188: {  	[sflag:s8] =	ssyncadd.s32 $0xFFFFFC00  }
0x189: {  	_ =	swait.ge [sflag:s8], $0x400  }
0x18a: {  	[sflag:s8] =	ssyncset.done $0x0  }
0x18b: {  	[sflag:s8] =	ssyncadd.s32 $0xFFFFFC00  }
0x18c: {  	_ =	swait.ge [sflag:s8], $0x400  }
0x18d: {  	[sflag:s8] =	ssyncset.done $0x0  }
0x18e: {  	[sflag:s8] =	ssyncadd.s32 $0xFFFFFC00  }
0x18f: {  	v1 =	vld [tilespmem:s12+$0x0];
	_ =	sdelay $0x3  }
0x190: {  	v2 =	vor.u32 s12, v0  }
0x191: {  	v3 =	vshll.u32 v2, $0x3;
	v1 =	vand.u32 $0x7, v1  }
0x192: {  	v1 =	vor.u32 v3, v1;
	_ =	sdelay $0x4  }
0x193: {  	v46 =	vld.idx.msk [tilespmem:v1+s20+$0x0], $0xffff  }
0x194: {  	v5 =	vld.idx.msk [tilespmem:v1+s22+$0x0], $0xffff;
	_ =	sdelay $0x1  }
0x195: {  	v6 =	vld.idx.msk [tilespmem:v1+s24+$0x0], $0xffff;
	_ =	sdelay $0x2  }
0x196: {  	v7 =	vmul.f32 v46, v46;
	v8 =	vmul.f32 v5, v5;
	_ =	sdelay $0x1  }
0x197: {  	v9 =	vmul.f32 v6, v6;
	v7 =	vadd.f32 v8, v7;
	_ =	sdelay $0x1  }
0x198: {  	v7 =	vadd.f32 v9, v7;
	_ =	sdelay $0x1  }
0x199: {  	v47 =	vshrl.u32 v7, $0x1;
	v7 =	vmul.f32 $5.000000000e-01, v7  }
0x19a: {  	v8 =	vsub.s32 $0x5F3759DF, v47  }
0x19b: {  	v48 =	vmul.f32 v8, v7;
	_ =	sdelay $0x1  }
0x19c: {  	v9 =	vmul.f32 v8, v48;
	_ =	sdelay $0x1  }
0x19d: {  	v9 =	vsub.f32 $1.500000000e+00, v9;
	_ =	sdelay $0x1  }
0x19e: {  	v8 =	vmul.f32 v8, v9;
	_ =	sdelay $0x1  }
0x19f: {  	v9 =	vmul.f32 v8, v7;
	_ =	sdelay $0x1  }
0x1a0: {  	v9 =	vmul.f32 v9, v8;
	_ =	sdelay $0x1  }
0x1a1: {  	v9 =	vsub.f32 $1.500000000e+00, v9;
	_ =	sdelay $0x1  }
0x1a2: {  	v8 =	vmul.f32 v9, v8;
	_ =	sdelay $0x1  }
0x1a3: {  	v7 =	vmul.f32 v8, v7;
	_ =	sdelay $0x1  }
0x1a4: {  	v7 =	vmul.f32 v7, v8;
	_ =	sdelay $0x1  }
0x1a5: {  	v49 =	vld.idx.msk [tilespmem:v1+s29+$0x0], $0xffff;
	v7 =	vsub.f32 $1.500000000e+00, v7  }
0x1a6: {  	v10 =	vld.idx.msk [tilespmem:v1+s26+$0x0], $0xffff  }
0x1a7: {  	v7 =	vmul.f32 v7, v8  }
0x1a8: {  	v50 =	vld.idx.msk [tilespmem:v1+s31+$0x0], $0xffff  }
0x1a9: {  	v4 =	vmul.f32 v7, v46;
	v5 =	vmul.f32 v7, v5  }
0x1aa: {  	v6 =	vmul.f32 v7, v6  }
0x1ab: {  	v51 =	vmul.f32 v4, v10;
	v11 =	vmul.f32 v5, v49;
	_ =	sdelay $0x1  }
0x1ac: {  	v12 =	vmul.f32 v6, v50;
	v7 =	vadd.f32 v11, v51;
	_ =	sdelay $0x1  }
0x1ad: {  	v7 =	vadd.f32 v7, v12;
	_ =	sdelay $0x1  }
0x1ae: {  	v52 =	vmul.f32 v7, v4;
	v12 =	vmul.f32 v7, v5;
	_ =	sdelay $0x1  }
0x1af: {  	v7 =	vmul.f32 v7, v6;
	v10 =	vsub.f32 v10, v52;
	v9 =	vsub.f32 v49, v12;
	_ =	sdelay $0x1  }
0x1b0: {  	v7 =	vsub.f32 v50, v7;
	v53 =	vmul.f32 v10, v10;
	v54 =	vmul.f32 v9, v9;
	_ =	sdelay $0x1  }
0x1b1: {  	v55 =	vmul.f32 v7, v7;
	v8 =	vadd.f32 v54, v53;
	_ =	sdelay $0x1  }
0x1b2: {  	v8 =	vadd.f32 v8, v55;
	_ =	sdelay $0x1  }
0x1b3: {  	v56 =	vshrl.u32 v8, $0x1;
	v8 =	vmul.f32 $5.000000000e-01, v8  }
0x1b4: {  	v11 =	vsub.s32 $0x5F3759DF, v56  }
0x1b5: {  	v57 =	vmul.f32 v11, v8;
	_ =	sdelay $0x1  }
0x1b6: {  	v12 =	vmul.f32 v11, v57;
	_ =	sdelay $0x1  }
0x1b7: {  	v12 =	vsub.f32 $1.500000000e+00, v12;
	_ =	sdelay $0x1  }
0x1b8: {  	v11 =	vmul.f32 v11, v12;
	_ =	sdelay $0x1  }
0x1b9: {  	v12 =	vmul.f32 v11, v8;
	_ =	sdelay $0x1  }
0x1ba: {  	v12 =	vmul.f32 v12, v11;
	_ =	sdelay $0x1  }
0x1bb: {  	v12 =	vsub.f32 $1.500000000e+00, v12;
	_ =	sdelay $0x1  }
0x1bc: {  	v11 =	vmul.f32 v12, v11;
	_ =	sdelay $0x1  }
0x1bd: {  	v8 =	vmul.f32 v11, v8;
	_ =	sdelay $0x1  }
0x1be: {  	v8 =	vmul.f32 v8, v11;
	_ =	sdelay $0x1  }
0x1bf: {  	v2 =	vshll.u32 v2, $0x4;
	v8 =	vsub.f32 $1.500000000e+00, v8  }
0x1c0: {  	v58 =	vor.u32 $0x1, v2  }
0x1c1: {  	v13 =	vor.u32 $0x2, v2;
	v8 =	vmul.f32 v8, v11  }
0x1c2: {  	v59 =	vor.u32 $0x3, v2  }
0x1c3: {  	v14 =	vor.u32 $0x4, v2;
	v9 =	vmul.f32 v8, v9  }
0x1c4: {  	v15 =	vor.u32 $0x5, v2;
	[tilespmem:v2+s9+$0x0] =	vst.idx.msk $0xffff, v4;
	v10 =	vmul.f32 v8, v10;
	v7 =	vmul.f32 v8, v7  }
0x1c5: {  	v61 =	vor.u32 $0x6, v2;
	[tilespmem:v58+s9+$0x0] =	vst.idx.msk $0xffff, v5;
	v60 =	vmul.f32 v9, v6  }
0x1c6: {  	v16 =	vor.u32 $0x7, v2;
	[tilespmem:v13+s9+$0x0] =	vst.idx.msk $0xffff, v6;
	v62 =	vmul.f32 v10, v5;
	v5 =	vmul.f32 v7, v5  }
0x1c7: {  	v2 =	vor.u32 $0x8, v2;
	[tilespmem:v59+s9+$0x0] =	vst.idx.msk $0xffff, v10;
	v6 =	vmul.f32 v10, v6;
	v63 =	vmul.f32 v7, v4  }
0x1c8: {  	v4 =	vmul.f32 v9, v4;
	[tilespmem:v14+s9+$0x0] =	vst.idx.msk $0xffff, v9;
	v5 =	vsub.f32 v5, v60  }
0x1c9: {  	[tilespmem:v15+s9+$0x0] =	vst.idx.msk $0xffff, v7;
	v6 =	vsub.f32 v6, v63  }
0x1ca: {  	v4 =	vsub.f32 v4, v62;
	[tilespmem:v61+s9+$0x0] =	vst.idx.msk $0xffff, v5  }
0x1cb: {  	[tilespmem:v16+s9+$0x0] =	vst.idx.msk $0xffff, v6  }
0x1cc: {  	[tilespmem:v2+s9+$0x0] =	vst.idx.msk $0xffff, v4  }
0x1cd: {  	v2 =	vld.idx.msk [tilespmem:v1+s1+$0x0], $0xffff;
	_ =	sdelay $0x4  }
0x1ce: {  	[tilespmem:v3+s10+$0x0] =	vst.idx.msk $0xffff, v2  }
0x1cf: {  	s13 =	simm.s32 $0x10;
	v2 =	vld.idx.msk [tilespmem:v1+s7+$0x0], $0xffff;
	v1 =	vor.u32 $0x1, v3  }
.LBB2_4:
0x1d0: {  	_ = 	snop  }
0x1d1: {  	p0 =	sne.s32 s13, $0x70  }
0x1d2: {  	s12 =	sadd.s32 $0x10, s12;
	s14 =	smov.u32 s13;
	s13 =	sadd.s32 $0x10, s13  }
0x1d3: {  	_ = 	snop  }
0x1d4: {  	[tilespmem:v1+s10+$0x0] =	vst.idx.msk $0xffff, v2  }
0x1d5: {  	v1 =	vld [tilespmem:s12+$0x0];
	_ =	sdelay $0x3  }
0x1d6: {  	v3 =	vor.u32 s14, v0  }
0x1d7: {  	v2 =	vand.u32 $0x7, v1;
	v1 =	vshll.u32 v3, $0x3  }
0x1d8: {  	v2 =	vor.u32 v1, v2;
	_ =	sdelay $0x4  }
0x1d9: {  	v4 =	vld.idx.msk [tilespmem:v2+s20+$0x0], $0xffff  }
0x1da: {  	v5 =	vld.idx.msk [tilespmem:v2+s22+$0x0], $0xffff  }
0x1db: {  	v6 =	vld.idx.msk [tilespmem:v2+s24+$0x0], $0xffff;
	_ =	sdelay $0x3  }
0x1dc: {  	v7 =	vmul.f32 v4, v4  }
0x1dd: {  	v8 =	vmul.f32 v5, v5  }
0x1de: {  	v9 =	vmul.f32 v6, v6  }
0x1df: {  	v7 =	vadd.f32 v8, v7;
	_ =	sdelay $0x1  }
0x1e0: {  	v7 =	vadd.f32 v9, v7;
	_ =	sdelay $0x1  }
0x1e1: {  	v8 =	vshrl.u32 v7, $0x1;
	v7 =	vmul.f32 $5.000000000e-01, v7  }
0x1e2: {  	v8 =	vsub.s32 $0x5F3759DF, v8  }
0x1e3: {  	v9 =	vmul.f32 v8, v7;
	_ =	sdelay $0x1  }
0x1e4: {  	v9 =	vmul.f32 v8, v9;
	_ =	sdelay $0x1  }
0x1e5: {  	v9 =	vsub.f32 $1.500000000e+00, v9;
	_ =	sdelay $0x1  }
0x1e6: {  	v8 =	vmul.f32 v8, v9;
	_ =	sdelay $0x1  }
0x1e7: {  	v9 =	vmul.f32 v8, v7;
	_ =	sdelay $0x1  }
0x1e8: {  	v9 =	vmul.f32 v9, v8;
	_ =	sdelay $0x1  }
0x1e9: {  	v9 =	vsub.f32 $1.500000000e+00, v9;
	_ =	sdelay $0x1  }
0x1ea: {  	v8 =	vmul.f32 v9, v8;
	_ =	sdelay $0x1  }
0x1eb: {  	v7 =	vmul.f32 v8, v7;
	_ =	sdelay $0x1  }
0x1ec: {  	v7 =	vmul.f32 v7, v8  }
0x1ed: {  	v9 =	vld.idx.msk [tilespmem:v2+s29+$0x0], $0xffff  }
0x1ee: {  	v7 =	vsub.f32 $1.500000000e+00, v7;
	v10 =	vld.idx.msk [tilespmem:v2+s26+$0x0], $0xffff  }
0x1ef: {  	v11 =	vld.idx.msk [tilespmem:v2+s31+$0x0], $0xffff  }
0x1f0: {  	v7 =	vmul.f32 v7, v8;
	_ =	sdelay $0x1  }
0x1f1: {  	v4 =	vmul.f32 v7, v4;
	v5 =	vmul.f32 v7, v5  }
0x1f2: {  	v6 =	vmul.f32 v7, v6  }
0x1f3: {  	v7 =	vmul.f32 v4, v10;
	v8 =	vmul.f32 v5, v9  }
0x1f4: {  	v12 =	vmul.f32 v6, v11  }
0x1f5: {  	v7 =	vadd.f32 v8, v7;
	_ =	sdelay $0x1  }
0x1f6: {  	v7 =	vadd.f32 v7, v12;
	_ =	sdelay $0x1  }
0x1f7: {  	v8 =	vmul.f32 v7, v4;
	v12 =	vmul.f32 v7, v5  }
0x1f8: {  	v7 =	vmul.f32 v7, v6  }
0x1f9: {  	v8 =	vsub.f32 v10, v8;
	v9 =	vsub.f32 v9, v12  }
0x1fa: {  	v7 =	vsub.f32 v11, v7  }
0x1fb: {  	v10 =	vmul.f32 v8, v8;
	v11 =	vmul.f32 v9, v9  }
0x1fc: {  	v12 =	vmul.f32 v7, v7  }
0x1fd: {  	v10 =	vadd.f32 v11, v10;
	_ =	sdelay $0x1  }
0x1fe: {  	v10 =	vadd.f32 v10, v12;
	_ =	sdelay $0x1  }
0x1ff: {  	v11 =	vshrl.u32 v10, $0x1;
	v10 =	vmul.f32 $5.000000000e-01, v10  }
0x200: {  	v11 =	vsub.s32 $0x5F3759DF, v11  }
0x201: {  	v12 =	vmul.f32 v11, v10;
	_ =	sdelay $0x1  }
0x202: {  	v12 =	vmul.f32 v11, v12;
	_ =	sdelay $0x1  }
0x203: {  	v12 =	vsub.f32 $1.500000000e+00, v12;
	_ =	sdelay $0x1  }
0x204: {  	v11 =	vmul.f32 v11, v12;
	_ =	sdelay $0x1  }
0x205: {  	v12 =	vmul.f32 v11, v10;
	_ =	sdelay $0x1  }
0x206: {  	v12 =	vmul.f32 v12, v11;
	_ =	sdelay $0x1  }
0x207: {  	v12 =	vsub.f32 $1.500000000e+00, v12;
	_ =	sdelay $0x1  }
0x208: {  	v11 =	vmul.f32 v12, v11;
	_ =	sdelay $0x1  }
0x209: {  	v10 =	vmul.f32 v11, v10;
	_ =	sdelay $0x1  }
0x20a: {  	v3 =	vshll.u32 v3, $0x4;
	v10 =	vmul.f32 v10, v11  }
0x20b: {  	v12 =	vor.u32 $0x1, v3  }
0x20c: {  	v13 =	vor.u32 $0x2, v3;
	v10 =	vsub.f32 $1.500000000e+00, v10  }
0x20d: {  	v14 =	vor.u32 $0x3, v3  }
0x20e: {  	v10 =	vmul.f32 v10, v11;
	v11 =	vor.u32 $0x4, v3  }
0x20f: {  	v15 =	vor.u32 $0x5, v3;
	[tilespmem:v3+s9+$0x0] =	vst.idx.msk $0xffff, v4  }
0x210: {  	v8 =	vmul.f32 v10, v8;
	v9 =	vmul.f32 v10, v9;
	[tilespmem:v12+s9+$0x0] =	vst.idx.msk $0xffff, v5  }
0x211: {  	v7 =	vmul.f32 v10, v7;
	[tilespmem:v13+s9+$0x0] =	vst.idx.msk $0xffff, v6  }
0x212: {  	v10 =	vmul.f32 v9, v6;
	v12 =	vmul.f32 v8, v5;
	v13 =	vor.u32 $0x6, v3;
	[tilespmem:v14+s9+$0x0] =	vst.idx.msk $0xffff, v8  }
0x213: {  	v5 =	vmul.f32 v7, v5;
	v14 =	vmul.f32 v7, v4;
	[tilespmem:v11+s9+$0x0] =	vst.idx.msk $0xffff, v9;
	v11 =	vor.u32 $0x7, v3  }
0x214: {  	v6 =	vmul.f32 v8, v6;
	v4 =	vmul.f32 v9, v4;
	v3 =	vor.u32 $0x8, v3;
	[tilespmem:v15+s9+$0x0] =	vst.idx.msk $0xffff, v7  }
0x215: {  	v5 =	vsub.f32 v5, v10  }
0x216: {  	v6 =	vsub.f32 v6, v14;
	v4 =	vsub.f32 v4, v12  }
0x217: {  	[tilespmem:v13+s9+$0x0] =	vst.idx.msk $0xffff, v5  }
0x218: {  	[tilespmem:v11+s9+$0x0] =	vst.idx.msk $0xffff, v6  }
0x219: {  	[tilespmem:v3+s9+$0x0] =	vst.idx.msk $0xffff, v4  }
0x21a: {  	v3 =	vld.idx.msk [tilespmem:v2+s1+$0x0], $0xffff;
	_ =	sdelay $0x3  }
.Ltmp1:
0x21b: {  	(pc) =	sbr.rel @p0 .LBB2_4-.Ltmp1, $4  }
0x21c: {  	_ = 	snop  }
0x21d: {  	[tilespmem:v1+s10+$0x0] =	vst.idx.msk $0xffff, v3  }
0x21e: {  	v2 =	vld.idx.msk [tilespmem:v2+s7+$0x0], $0xffff  }
0x21f: {  	v1 =	vor.u32 $0x1, v1  }
0x220: {  	_ =	sdelay $0x3  }
0x221: {  	s12 =	simm.s32 $0x0;
	s13 =	rddreg [dreg:$0x7];
	[tilespmem:v1+s10+$0x0] =	vst.idx.msk $0xffff, v2  }
0x222: {  	[hbm4b:s13+s12] =	stream.linear.scatter [tilespmem:s9], [sflag:$0x2], $0x800, $0x38;
	[tilespmem:$0x3080] =	vst v63  }
0x223: {  	_ =	swait.ge [sflag:s18], $0x800  }
0x224: {  	[sflag:s18] =	ssyncset.done $0x0  }
0x225: {  	s14 =	rddreg [dreg:$0x8];
	[sflag:s18] =	ssyncadd.s32 $0xFFFFF800  }
0x226: {  	[hbm4b:s14+s12] =	stream.linear.scatter [tilespmem:s10], [sflag:$0x2], $0x400, $0x38;
	[tilespmem:$0x3080] =	vst v63  }
0x227: {  	_ =	swait.ge [sflag:s18], $0x400  }
0x228: {  	[sflag:s18] =	ssyncset.done $0x0  }
0x229: {  	s14 =	rddreg [dreg:$0x9];
	[sflag:s18] =	ssyncadd.s32 $0xFFFFFC00  }
0x22a: {  	[tilespmem:s12], [sflag:$0x2] =	stream.linear.gather [hbm4b:s14+s12], $0x80, $0x38;
	[tilespmem:$0x3080] =	vst v63  }
0x22b: {  	_ =	swait.ge [sflag:s18], $0x80  }
0x22c: {  	[sflag:s18] =	ssyncset.done $0x0  }
0x22d: {  	[sflag:s18] =	ssyncadd.s32 $0xFFFFFF80  }
0x22e: {  	v1 =	vld [tilespmem:$0x0];
	_ =	sdelay $0x4  }
0x22f: {  	v1 =	vshrl.u32 v1, $0x3  }
0x230: {  	[tilespmem:$0x80] =	vst v1  }
0x231: {  	v2 =	vadd.s32 $0x1E848, v1;
	[tilespmem:$0x380] =	vst v1  }
0x232: {  	v4 =	vld [tilespmem:$0x10];
	v3 =	vadd.s32 $0x3D090, v1;
	[tilespmem:$0x100] =	vst v2  }
0x233: {  	[tilespmem:$0x180] =	vst v3  }
0x234: {  	v3 =	vadd.s32 $0x5B8D8, v1;
	[tilespmem:$0x400] =	vst v2  }
0x235: {  	[tilespmem:$0x200] =	vst v3;
	v3 =	vadd.s32 $0x7A120, v1  }
0x236: {  	[tilespmem:$0x280] =	vst v3;
	v3 =	vadd.s32 $0x98968, v1  }
0x237: {  	v1 =	vshrl.u32 v4, $0x3;
	[tilespmem:$0x300] =	vst v3  }
0x238: {  	[tilespmem:$0x90] =	vst v1  }
0x239: {  	v2 =	vadd.s32 $0x1E848, v1;
	[tilespmem:$0x390] =	vst v1  }
0x23a: {  	v40 =	vld [tilespmem:$0x20];
	v3 =	vadd.s32 $0x3D090, v1;
	[tilespmem:$0x110] =	vst v2  }
0x23b: {  	[tilespmem:$0x190] =	vst v3  }
0x23c: {  	v3 =	vadd.s32 $0x5B8D8, v1;
	[tilespmem:$0x410] =	vst v2  }
0x23d: {  	[tilespmem:$0x210] =	vst v3;
	v3 =	vadd.s32 $0x7A120, v1  }
0x23e: {  	[tilespmem:$0x290] =	vst v3;
	v3 =	vadd.s32 $0x98968, v1  }
0x23f: {  	v1 =	vshrl.u32 v40, $0x3;
	[tilespmem:$0x310] =	vst v3  }
0x240: {  	[tilespmem:$0xA0] =	vst v1  }
0x241: {  	v2 =	vadd.s32 $0x1E848, v1;
	[tilespmem:$0x3A0] =	vst v1  }
0x242: {  	v41 =	vld [tilespmem:$0x30];
	v3 =	vadd.s32 $0x3D090, v1;
	[tilespmem:$0x120] =	vst v2  }
0x243: {  	[tilespmem:$0x1A0] =	vst v3  }
0x244: {  	v3 =	vadd.s32 $0x5B8D8, v1;
	[tilespmem:$0x420] =	vst v2  }
0x245: {  	[tilespmem:$0x220] =	vst v3;
	v3 =	vadd.s32 $0x7A120, v1  }
0x246: {  	[tilespmem:$0x2A0] =	vst v3;
	v3 =	vadd.s32 $0x98968, v1  }
0x247: {  	v1 =	vshrl.u32 v41, $0x3;
	[tilespmem:$0x320] =	vst v3  }
0x248: {  	[tilespmem:$0xB0] =	vst v1  }
0x249: {  	v2 =	vadd.s32 $0x1E848, v1;
	[tilespmem:$0x3B0] =	vst v1  }
0x24a: {  	v42 =	vld [tilespmem:$0x40];
	v3 =	vadd.s32 $0x3D090, v1;
	[tilespmem:$0x130] =	vst v2  }
0x24b: {  	[tilespmem:$0x1B0] =	vst v3  }
0x24c: {  	v3 =	vadd.s32 $0x5B8D8, v1;
	[tilespmem:$0x430] =	vst v2  }
0x24d: {  	[tilespmem:$0x230] =	vst v3;
	v3 =	vadd.s32 $0x7A120, v1  }
0x24e: {  	[tilespmem:$0x2B0] =	vst v3;
	v3 =	vadd.s32 $0x98968, v1  }
0x24f: {  	v1 =	vshrl.u32 v42, $0x3;
	[tilespmem:$0x330] =	vst v3  }
0x250: {  	[tilespmem:$0xC0] =	vst v1  }
0x251: {  	v2 =	vadd.s32 $0x1E848, v1;
	[tilespmem:$0x3C0] =	vst v1  }
0x252: {  	v43 =	vld [tilespmem:$0x50];
	v3 =	vadd.s32 $0x3D090, v1;
	[tilespmem:$0x140] =	vst v2  }
0x253: {  	[tilespmem:$0x1C0] =	vst v3  }
0x254: {  	v3 =	vadd.s32 $0x5B8D8, v1;
	[tilespmem:$0x440] =	vst v2  }
0x255: {  	[tilespmem:$0x240] =	vst v3;
	v3 =	vadd.s32 $0x7A120, v1  }
0x256: {  	[tilespmem:$0x2C0] =	vst v3;
	v3 =	vadd.s32 $0x98968, v1  }
0x257: {  	v1 =	vshrl.u32 v43, $0x3;
	[tilespmem:$0x340] =	vst v3  }
0x258: {  	[tilespmem:$0xD0] =	vst v1  }
0x259: {  	v2 =	vadd.s32 $0x1E848, v1;
	[tilespmem:$0x3D0] =	vst v1  }
0x25a: {  	v44 =	vld [tilespmem:$0x60];
	v3 =	vadd.s32 $0x3D090, v1;
	[tilespmem:$0x150] =	vst v2  }
0x25b: {  	[tilespmem:$0x1D0] =	vst v3  }
0x25c: {  	v3 =	vadd.s32 $0x5B8D8, v1;
	[tilespmem:$0x450] =	vst v2  }
0x25d: {  	[tilespmem:$0x250] =	vst v3;
	v3 =	vadd.s32 $0x7A120, v1  }
0x25e: {  	[tilespmem:$0x2D0] =	vst v3;
	v3 =	vadd.s32 $0x98968, v1  }
0x25f: {  	v1 =	vshrl.u32 v44, $0x3;
	[tilespmem:$0x350] =	vst v3  }
0x260: {  	[tilespmem:$0xE0] =	vst v1  }
0x261: {  	v2 =	vadd.s32 $0x1E848, v1;
	[tilespmem:$0x3E0] =	vst v1  }
0x262: {  	v45 =	vld [tilespmem:$0x70];
	v3 =	vadd.s32 $0x3D090, v1;
	[tilespmem:$0x160] =	vst v2  }
0x263: {  	[tilespmem:$0x1E0] =	vst v3  }
0x264: {  	v3 =	vadd.s32 $0x5B8D8, v1;
	[tilespmem:$0x460] =	vst v2  }
0x265: {  	[tilespmem:$0x260] =	vst v3;
	v3 =	vadd.s32 $0x7A120, v1  }
0x266: {  	[tilespmem:$0x2E0] =	vst v3;
	v3 =	vadd.s32 $0x98968, v1  }
0x267: {  	v1 =	vshrl.u32 v45, $0x3;
	[tilespmem:$0x360] =	vst v3  }
0x268: {  	[tilespmem:$0xF0] =	vst v1  }
0x269: {  	v2 =	vadd.s32 $0x1E848, v1;
	[tilespmem:$0x3F0] =	vst v1  }
0x26a: {  	v3 =	vadd.s32 $0x3D090, v1;
	[tilespmem:$0x170] =	vst v2  }
0x26b: {  	[tilespmem:$0x1F0] =	vst v3  }
0x26c: {  	v3 =	vadd.s32 $0x5B8D8, v1;
	[tilespmem:$0x470] =	vst v2  }
0x26d: {  	[tilespmem:$0x270] =	vst v3;
	v3 =	vadd.s32 $0x7A120, v1  }
0x26e: {  	[tilespmem:$0x2F0] =	vst v3;
	v3 =	vadd.s32 $0x98968, v1  }
0x26f: {  	[tilespmem:$0x370] =	vst v3  }
0x270: {  	[tilespmem:s20], [sflag:$0x1] =	stream.indirect.gather [hbm4b:s3+s19], $0x8, s19, s19, $0xb8;
	[tilespmem:$0x3080] =	vst v63  }
0x271: {  	_ = 	snop  }
0x272: {  	[tilespmem:s22], [sflag:$0x1] =	stream.indirect.gather [hbm4b:s3+s19], $0x8, s21, s19, $0xb8;
	[tilespmem:$0x3080] =	vst v63  }
0x273: {  	_ = 	snop  }
0x274: {  	[tilespmem:s24], [sflag:$0x1] =	stream.indirect.gather [hbm4b:s3+s19], $0x8, s23, s19, $0xb8;
	[tilespmem:$0x3080] =	vst v63  }
0x275: {  	_ = 	snop  }
0x276: {  	[tilespmem:s26], [sflag:$0x1] =	stream.indirect.gather [hbm4b:s3+s19], $0x8, s25, s19, $0xb8;
	[tilespmem:$0x3080] =	vst v63  }
0x277: {  	_ = 	snop  }
0x278: {  	[tilespmem:s29], [sflag:$0x1] =	stream.indirect.gather [hbm4b:s3+s19], $0x8, s28, s19, $0xb8;
	[tilespmem:$0x3080] =	vst v63  }
0x279: {  	_ = 	snop  }
0x27a: {  	[tilespmem:s31], [sflag:$0x1] =	stream.indirect.gather [hbm4b:s3+s19], $0x8, s30, s19, $0xb8;
	[tilespmem:$0x3080] =	vst v63  }
0x27b: {  	_ = 	snop  }
0x27c: {  	[tilespmem:s1], [sflag:$0x1] =	stream.indirect.gather [hbm4b:s4+s19], $0x8, s0, s19, $0xb8;
	[tilespmem:$0x3080] =	vst v63  }
0x27d: {  	_ = 	snop  }
0x27e: {  	[tilespmem:s7], [sflag:$0x1] =	stream.indirect.gather [hbm4b:s4+s19], $0x8, s6, s19, $0xb8;
	[tilespmem:$0x3080] =	vst v63  }
0x27f: {  	_ =	swait.ge [sflag:s8], $0x400  }
0x280: {  	[sflag:s8] =	ssyncset.done $0x0  }
0x281: {  	[sflag:s8] =	ssyncadd.s32 $0xFFFFFC00  }
0x282: {  	_ =	swait.ge [sflag:s8], $0x400  }
0x283: {  	[sflag:s8] =	ssyncset.done $0x0  }
0x284: {  	[sflag:s8] =	ssyncadd.s32 $0xFFFFFC00  }
0x285: {  	_ =	swait.ge [sflag:s8], $0x400  }
0x286: {  	[sflag:s8] =	ssyncset.done $0x0  }
0x287: {  	[sflag:s8] =	ssyncadd.s32 $0xFFFFFC00  }
0x288: {  	_ =	swait.ge [sflag:s8], $0x400  }
0x289: {  	[sflag:s8] =	ssyncset.done $0x0  }
0x28a: {  	[sflag:s8] =	ssyncadd.s32 $0xFFFFFC00  }
0x28b: {  	_ =	swait.ge [sflag:s8], $0x400  }
0x28c: {  	[sflag:s8] =	ssyncset.done $0x0  }
0x28d: {  	[sflag:s8] =	ssyncadd.s32 $0xFFFFFC00  }
0x28e: {  	_ =	swait.ge [sflag:s8], $0x400  }
0x28f: {  	[sflag:s8] =	ssyncset.done $0x0  }
0x290: {  	[sflag:s8] =	ssyncadd.s32 $0xFFFFFC00  }
0x291: {  	_ =	swait.ge [sflag:s8], $0x400  }
0x292: {  	[sflag:s8] =	ssyncset.done $0x0  }
0x293: {  	[sflag:s8] =	ssyncadd.s32 $0xFFFFFC00  }
0x294: {  	_ =	swait.ge [sflag:s8], $0x400  }
0x295: {  	[sflag:s8] =	ssyncset.done $0x0  }
0x296: {  	[sflag:s8] =	ssyncadd.s32 $0xFFFFFC00  }
0x297: {  	v1 =	vld [tilespmem:s12+$0x0];
	_ =	sdelay $0x3  }
0x298: {  	v2 =	vor.u32 s12, v0  }
0x299: {  	v3 =	vshll.u32 v2, $0x3;
	v1 =	vand.u32 $0x7, v1  }
0x29a: {  	v1 =	vor.u32 v3, v1;
	_ =	sdelay $0x4  }
0x29b: {  	v46 =	vld.idx.msk [tilespmem:v1+s20+$0x0], $0xffff  }
0x29c: {  	v5 =	vld.idx.msk [tilespmem:v1+s22+$0x0], $0xffff;
	_ =	sdelay $0x1  }
0x29d: {  	v6 =	vld.idx.msk [tilespmem:v1+s24+$0x0], $0xffff;
	_ =	sdelay $0x2  }
0x29e: {  	v7 =	vmul.f32 v46, v46;
	v8 =	vmul.f32 v5, v5;
	_ =	sdelay $0x1  }
0x29f: {  	v9 =	vmul.f32 v6, v6;
	v7 =	vadd.f32 v8, v7;
	_ =	sdelay $0x1  }
0x2a0: {  	v7 =	vadd.f32 v9, v7;
	_ =	sdelay $0x1  }
0x2a1: {  	v47 =	vshrl.u32 v7, $0x1;
	v7 =	vmul.f32 $5.000000000e-01, v7  }
0x2a2: {  	v8 =	vsub.s32 $0x5F3759DF, v47  }
0x2a3: {  	v48 =	vmul.f32 v8, v7;
	_ =	sdelay $0x1  }
0x2a4: {  	v9 =	vmul.f32 v8, v48;
	_ =	sdelay $0x1  }
0x2a5: {  	v9 =	vsub.f32 $1.500000000e+00, v9;
	_ =	sdelay $0x1  }
0x2a6: {  	v8 =	vmul.f32 v8, v9;
	_ =	sdelay $0x1  }
0x2a7: {  	v9 =	vmul.f32 v8, v7;
	_ =	sdelay $0x1  }
0x2a8: {  	v9 =	vmul.f32 v9, v8;
	_ =	sdelay $0x1  }
0x2a9: {  	v9 =	vsub.f32 $1.500000000e+00, v9;
	_ =	sdelay $0x1  }
0x2aa: {  	v8 =	vmul.f32 v9, v8;
	_ =	sdelay $0x1  }
0x2ab: {  	v7 =	vmul.f32 v8, v7;
	_ =	sdelay $0x1  }
0x2ac: {  	v7 =	vmul.f32 v7, v8;
	_ =	sdelay $0x1  }
0x2ad: {  	v49 =	vld.idx.msk [tilespmem:v1+s29+$0x0], $0xffff;
	v7 =	vsub.f32 $1.500000000e+00, v7  }
0x2ae: {  	v10 =	vld.idx.msk [tilespmem:v1+s26+$0x0], $0xffff  }
0x2af: {  	v7 =	vmul.f32 v7, v8  }
0x2b0: {  	v50 =	vld.idx.msk [tilespmem:v1+s31+$0x0], $0xffff  }
0x2b1: {  	v4 =	vmul.f32 v7, v46;
	v5 =	vmul.f32 v7, v5  }
0x2b2: {  	v6 =	vmul.f32 v7, v6  }
0x2b3: {  	v51 =	vmul.f32 v4, v10;
	v11 =	vmul.f32 v5, v49;
	_ =	sdelay $0x1  }
0x2b4: {  	v12 =	vmul.f32 v6, v50;
	v7 =	vadd.f32 v11, v51;
	_ =	sdelay $0x1  }
0x2b5: {  	v7 =	vadd.f32 v7, v12;
	_ =	sdelay $0x1  }
0x2b6: {  	v52 =	vmul.f32 v7, v4;
	v12 =	vmul.f32 v7, v5;
	_ =	sdelay $0x1  }
0x2b7: {  	v7 =	vmul.f32 v7, v6;
	v10 =	vsub.f32 v10, v52;
	v9 =	vsub.f32 v49, v12;
	_ =	sdelay $0x1  }
0x2b8: {  	v7 =	vsub.f32 v50, v7;
	v53 =	vmul.f32 v10, v10;
	v54 =	vmul.f32 v9, v9;
	_ =	sdelay $0x1  }
0x2b9: {  	v55 =	vmul.f32 v7, v7;
	v8 =	vadd.f32 v54, v53;
	_ =	sdelay $0x1  }
0x2ba: {  	v8 =	vadd.f32 v8, v55;
	_ =	sdelay $0x1  }
0x2bb: {  	v56 =	vshrl.u32 v8, $0x1;
	v8 =	vmul.f32 $5.000000000e-01, v8  }
0x2bc: {  	v11 =	vsub.s32 $0x5F3759DF, v56  }
0x2bd: {  	v57 =	vmul.f32 v11, v8;
	_ =	sdelay $0x1  }
0x2be: {  	v12 =	vmul.f32 v11, v57;
	_ =	sdelay $0x1  }
0x2bf: {  	v12 =	vsub.f32 $1.500000000e+00, v12;
	_ =	sdelay $0x1  }
0x2c0: {  	v11 =	vmul.f32 v11, v12;
	_ =	sdelay $0x1  }
0x2c1: {  	v12 =	vmul.f32 v11, v8;
	_ =	sdelay $0x1  }
0x2c2: {  	v12 =	vmul.f32 v12, v11;
	_ =	sdelay $0x1  }
0x2c3: {  	v12 =	vsub.f32 $1.500000000e+00, v12;
	_ =	sdelay $0x1  }
0x2c4: {  	v11 =	vmul.f32 v12, v11;
	_ =	sdelay $0x1  }
0x2c5: {  	v8 =	vmul.f32 v11, v8;
	_ =	sdelay $0x1  }
0x2c6: {  	v8 =	vmul.f32 v8, v11;
	_ =	sdelay $0x1  }
0x2c7: {  	v2 =	vshll.u32 v2, $0x4;
	v8 =	vsub.f32 $1.500000000e+00, v8  }
0x2c8: {  	v58 =	vor.u32 $0x1, v2  }
0x2c9: {  	v13 =	vor.u32 $0x2, v2;
	v8 =	vmul.f32 v8, v11  }
0x2ca: {  	v59 =	vor.u32 $0x3, v2  }
0x2cb: {  	v14 =	vor.u32 $0x4, v2;
	v9 =	vmul.f32 v8, v9  }
0x2cc: {  	v15 =	vor.u32 $0x5, v2;
	[tilespmem:v2+s9+$0x0] =	vst.idx.msk $0xffff, v4;
	v10 =	vmul.f32 v8, v10;
	v7 =	vmul.f32 v8, v7  }
0x2cd: {  	v61 =	vor.u32 $0x6, v2;
	[tilespmem:v58+s9+$0x0] =	vst.idx.msk $0xffff, v5;
	v60 =	vmul.f32 v9, v6  }
0x2ce: {  	v16 =	vor.u32 $0x7, v2;
	[tilespmem:v13+s9+$0x0] =	vst.idx.msk $0xffff, v6;
	v62 =	vmul.f32 v10, v5;
	v5 =	vmul.f32 v7, v5  }
0x2cf: {  	v2 =	vor.u32 $0x8, v2;
	[tilespmem:v59+s9+$0x0] =	vst.idx.msk $0xffff, v10;
	v6 =	vmul.f32 v10, v6;
	v63 =	vmul.f32 v7, v4  }
0x2d0: {  	v4 =	vmul.f32 v9, v4;
	[tilespmem:v14+s9+$0x0] =	vst.idx.msk $0xffff, v9;
	v5 =	vsub.f32 v5, v60  }
0x2d1: {  	[tilespmem:v15+s9+$0x0] =	vst.idx.msk $0xffff, v7;
	v6 =	vsub.f32 v6, v63  }
0x2d2: {  	v4 =	vsub.f32 v4, v62;
	[tilespmem:v61+s9+$0x0] =	vst.idx.msk $0xffff, v5  }
0x2d3: {  	[tilespmem:v16+s9+$0x0] =	vst.idx.msk $0xffff, v6  }
0x2d4: {  	[tilespmem:v2+s9+$0x0] =	vst.idx.msk $0xffff, v4  }
0x2d5: {  	v2 =	vld.idx.msk [tilespmem:v1+s1+$0x0], $0xffff;
	_ =	sdelay $0x4  }
0x2d6: {  	[tilespmem:v3+s10+$0x0] =	vst.idx.msk $0xffff, v2  }
0x2d7: {  	s13 =	simm.s32 $0x10;
	v2 =	vld.idx.msk [tilespmem:v1+s7+$0x0], $0xffff;
	v1 =	vor.u32 $0x1, v3  }
.LBB2_6:
0x2d8: {  	_ = 	snop  }
0x2d9: {  	p0 =	sne.s32 s13, $0x70  }
0x2da: {  	s12 =	sadd.s32 $0x10, s12;
	s14 =	smov.u32 s13;
	s13 =	sadd.s32 $0x10, s13  }
0x2db: {  	_ = 	snop  }
0x2dc: {  	[tilespmem:v1+s10+$0x0] =	vst.idx.msk $0xffff, v2  }
0x2dd: {  	v1 =	vld [tilespmem:s12+$0x0];
	_ =	sdelay $0x3  }
0x2de: {  	v3 =	vor.u32 s14, v0  }
0x2df: {  	v2 =	vand.u32 $0x7, v1;
	v1 =	vshll.u32 v3, $0x3  }
0x2e0: {  	v2 =	vor.u32 v1, v2;
	_ =	sdelay $0x4  }
0x2e1: {  	v4 =	vld.idx.msk [tilespmem:v2+s20+$0x0], $0xffff  }
0x2e2: {  	v5 =	vld.idx.msk [tilespmem:v2+s22+$0x0], $0xffff  }
0x2e3: {  	v6 =	vld.idx.msk [tilespmem:v2+s24+$0x0], $0xffff;
	_ =	sdelay $0x3  }
0x2e4: {  	v7 =	vmul.f32 v4, v4  }
0x2e5: {  	v8 =	vmul.f32 v5, v5  }
0x2e6: {  	v9 =	vmul.f32 v6, v6  }
0x2e7: {  	v7 =	vadd.f32 v8, v7;
	_ =	sdelay $0x1  }
0x2e8: {  	v7 =	vadd.f32 v9, v7;
	_ =	sdelay $0x1  }
0x2e9: {  	v8 =	vshrl.u32 v7, $0x1;
	v7 =	vmul.f32 $5.000000000e-01, v7  }
0x2ea: {  	v8 =	vsub.s32 $0x5F3759DF, v8  }
0x2eb: {  	v9 =	vmul.f32 v8, v7;
	_ =	sdelay $0x1  }
0x2ec: {  	v9 =	vmul.f32 v8, v9;
	_ =	sdelay $0x1  }
0x2ed: {  	v9 =	vsub.f32 $1.500000000e+00, v9;
	_ =	sdelay $0x1  }
0x2ee: {  	v8 =	vmul.f32 v8, v9;
	_ =	sdelay $0x1  }
0x2ef: {  	v9 =	vmul.f32 v8, v7;
	_ =	sdelay $0x1  }
0x2f0: {  	v9 =	vmul.f32 v9, v8;
	_ =	sdelay $0x1  }
0x2f1: {  	v9 =	vsub.f32 $1.500000000e+00, v9;
	_ =	sdelay $0x1  }
0x2f2: {  	v8 =	vmul.f32 v9, v8;
	_ =	sdelay $0x1  }
0x2f3: {  	v7 =	vmul.f32 v8, v7;
	_ =	sdelay $0x1  }
0x2f4: {  	v7 =	vmul.f32 v7, v8  }
0x2f5: {  	v9 =	vld.idx.msk [tilespmem:v2+s29+$0x0], $0xffff  }
0x2f6: {  	v7 =	vsub.f32 $1.500000000e+00, v7;
	v10 =	vld.idx.msk [tilespmem:v2+s26+$0x0], $0xffff  }
0x2f7: {  	v11 =	vld.idx.msk [tilespmem:v2+s31+$0x0], $0xffff  }
0x2f8: {  	v7 =	vmul.f32 v7, v8;
	_ =	sdelay $0x1  }
0x2f9: {  	v4 =	vmul.f32 v7, v4;
	v5 =	vmul.f32 v7, v5  }
0x2fa: {  	v6 =	vmul.f32 v7, v6  }
0x2fb: {  	v7 =	vmul.f32 v4, v10;
	v8 =	vmul.f32 v5, v9  }
0x2fc: {  	v12 =	vmul.f32 v6, v11  }
0x2fd: {  	v7 =	vadd.f32 v8, v7;
	_ =	sdelay $0x1  }
0x2fe: {  	v7 =	vadd.f32 v7, v12;
	_ =	sdelay $0x1  }
0x2ff: {  	v8 =	vmul.f32 v7, v4;
	v12 =	vmul.f32 v7, v5  }
0x300: {  	v7 =	vmul.f32 v7, v6  }
0x301: {  	v8 =	vsub.f32 v10, v8;
	v9 =	vsub.f32 v9, v12  }
0x302: {  	v7 =	vsub.f32 v11, v7  }
0x303: {  	v10 =	vmul.f32 v8, v8;
	v11 =	vmul.f32 v9, v9  }
0x304: {  	v12 =	vmul.f32 v7, v7  }
0x305: {  	v10 =	vadd.f32 v11, v10;
	_ =	sdelay $0x1  }
0x306: {  	v10 =	vadd.f32 v10, v12;
	_ =	sdelay $0x1  }
0x307: {  	v11 =	vshrl.u32 v10, $0x1;
	v10 =	vmul.f32 $5.000000000e-01, v10  }
0x308: {  	v11 =	vsub.s32 $0x5F3759DF, v11  }
0x309: {  	v12 =	vmul.f32 v11, v10;
	_ =	sdelay $0x1  }
0x30a: {  	v12 =	vmul.f32 v11, v12;
	_ =	sdelay $0x1  }
0x30b: {  	v12 =	vsub.f32 $1.500000000e+00, v12;
	_ =	sdelay $0x1  }
0x30c: {  	v11 =	vmul.f32 v11, v12;
	_ =	sdelay $0x1  }
0x30d: {  	v12 =	vmul.f32 v11, v10;
	_ =	sdelay $0x1  }
0x30e: {  	v12 =	vmul.f32 v12, v11;
	_ =	sdelay $0x1  }
0x30f: {  	v12 =	vsub.f32 $1.500000000e+00, v12;
	_ =	sdelay $0x1  }
0x310: {  	v11 =	vmul.f32 v12, v11;
	_ =	sdelay $0x1  }
0x311: {  	v10 =	vmul.f32 v11, v10;
	_ =	sdelay $0x1  }
0x312: {  	v3 =	vshll.u32 v3, $0x4;
	v10 =	vmul.f32 v10, v11  }
0x313: {  	v12 =	vor.u32 $0x1, v3  }
0x314: {  	v13 =	vor.u32 $0x2, v3;
	v10 =	vsub.f32 $1.500000000e+00, v10  }
0x315: {  	v14 =	vor.u32 $0x3, v3  }
0x316: {  	v10 =	vmul.f32 v10, v11;
	v11 =	vor.u32 $0x4, v3  }
0x317: {  	v15 =	vor.u32 $0x5, v3;
	[tilespmem:v3+s9+$0x0] =	vst.idx.msk $0xffff, v4  }
0x318: {  	v8 =	vmul.f32 v10, v8;
	v9 =	vmul.f32 v10, v9;
	[tilespmem:v12+s9+$0x0] =	vst.idx.msk $0xffff, v5  }
0x319: {  	v7 =	vmul.f32 v10, v7;
	[tilespmem:v13+s9+$0x0] =	vst.idx.msk $0xffff, v6  }
0x31a: {  	v10 =	vmul.f32 v9, v6;
	v12 =	vmul.f32 v8, v5;
	v13 =	vor.u32 $0x6, v3;
	[tilespmem:v14+s9+$0x0] =	vst.idx.msk $0xffff, v8  }
0x31b: {  	v5 =	vmul.f32 v7, v5;
	v14 =	vmul.f32 v7, v4;
	[tilespmem:v11+s9+$0x0] =	vst.idx.msk $0xffff, v9;
	v11 =	vor.u32 $0x7, v3  }
0x31c: {  	v6 =	vmul.f32 v8, v6;
	v4 =	vmul.f32 v9, v4;
	v3 =	vor.u32 $0x8, v3;
	[tilespmem:v15+s9+$0x0] =	vst.idx.msk $0xffff, v7  }
0x31d: {  	v5 =	vsub.f32 v5, v10  }
0x31e: {  	v6 =	vsub.f32 v6, v14;
	v4 =	vsub.f32 v4, v12  }
0x31f: {  	[tilespmem:v13+s9+$0x0] =	vst.idx.msk $0xffff, v5  }
0x320: {  	[tilespmem:v11+s9+$0x0] =	vst.idx.msk $0xffff, v6  }
0x321: {  	[tilespmem:v3+s9+$0x0] =	vst.idx.msk $0xffff, v4  }
0x322: {  	v3 =	vld.idx.msk [tilespmem:v2+s1+$0x0], $0xffff;
	_ =	sdelay $0x3  }
.Ltmp2:
0x323: {  	(pc) =	sbr.rel @p0 .LBB2_6-.Ltmp2, $4  }
0x324: {  	_ = 	snop  }
0x325: {  	[tilespmem:v1+s10+$0x0] =	vst.idx.msk $0xffff, v3  }
0x326: {  	v2 =	vld.idx.msk [tilespmem:v2+s7+$0x0], $0xffff  }
0x327: {  	v1 =	vor.u32 $0x1, v1  }
0x328: {  	_ =	sdelay $0x3  }
0x329: {  	s12 =	simm.s32 $0x0;
	s13 =	rddreg [dreg:$0xa];
	[tilespmem:v1+s10+$0x0] =	vst.idx.msk $0xffff, v2  }
0x32a: {  	[hbm4b:s13+s12] =	stream.linear.scatter [tilespmem:s9], [sflag:$0x2], $0x800, $0x38;
	[tilespmem:$0x3080] =	vst v63  }
0x32b: {  	_ =	swait.ge [sflag:s18], $0x800  }
0x32c: {  	[sflag:s18] =	ssyncset.done $0x0  }
0x32d: {  	s14 =	rddreg [dreg:$0xb];
	[sflag:s18] =	ssyncadd.s32 $0xFFFFF800  }
0x32e: {  	[hbm4b:s14+s12] =	stream.linear.scatter [tilespmem:s10], [sflag:$0x2], $0x400, $0x38;
	[tilespmem:$0x3080] =	vst v63  }
0x32f: {  	_ =	swait.ge [sflag:s18], $0x400  }
0x330: {  	[sflag:s18] =	ssyncset.done $0x0  }
0x331: {  	s14 =	rddreg [dreg:$0xc];
	[sflag:s18] =	ssyncadd.s32 $0xFFFFFC00  }
0x332: {  	[tilespmem:s12], [sflag:$0x2] =	stream.linear.gather [hbm4b:s14+s12], $0x80, $0x38;
	[tilespmem:$0x3080] =	vst v63  }
0x333: {  	_ =	swait.ge [sflag:s18], $0x80  }
0x334: {  	[sflag:s18] =	ssyncset.done $0x0  }
0x335: {  	[sflag:s18] =	ssyncadd.s32 $0xFFFFFF80  }
0x336: {  	v1 =	vld [tilespmem:$0x0];
	_ =	sdelay $0x4  }
0x337: {  	v1 =	vshrl.u32 v1, $0x3  }
0x338: {  	[tilespmem:$0x80] =	vst v1  }
0x339: {  	v2 =	vadd.s32 $0x1E848, v1;
	[tilespmem:$0x380] =	vst v1  }
0x33a: {  	v4 =	vld [tilespmem:$0x10];
	v3 =	vadd.s32 $0x3D090, v1;
	[tilespmem:$0x100] =	vst v2  }
0x33b: {  	[tilespmem:$0x180] =	vst v3  }
0x33c: {  	v3 =	vadd.s32 $0x5B8D8, v1;
	[tilespmem:$0x400] =	vst v2  }
0x33d: {  	[tilespmem:$0x200] =	vst v3;
	v3 =	vadd.s32 $0x7A120, v1  }
0x33e: {  	[tilespmem:$0x280] =	vst v3;
	v3 =	vadd.s32 $0x98968, v1  }
0x33f: {  	v1 =	vshrl.u32 v4, $0x3;
	[tilespmem:$0x300] =	vst v3  }
0x340: {  	[tilespmem:$0x90] =	vst v1  }
0x341: {  	v2 =	vadd.s32 $0x1E848, v1;
	[tilespmem:$0x390] =	vst v1  }
0x342: {  	v40 =	vld [tilespmem:$0x20];
	v3 =	vadd.s32 $0x3D090, v1;
	[tilespmem:$0x110] =	vst v2  }
0x343: {  	[tilespmem:$0x190] =	vst v3  }
0x344: {  	v3 =	vadd.s32 $0x5B8D8, v1;
	[tilespmem:$0x410] =	vst v2  }
0x345: {  	[tilespmem:$0x210] =	vst v3;
	v3 =	vadd.s32 $0x7A120, v1  }
0x346: {  	[tilespmem:$0x290] =	vst v3;
	v3 =	vadd.s32 $0x98968, v1  }
0x347: {  	v1 =	vshrl.u32 v40, $0x3;
	[tilespmem:$0x310] =	vst v3  }
0x348: {  	[tilespmem:$0xA0] =	vst v1  }
0x349: {  	v2 =	vadd.s32 $0x1E848, v1;
	[tilespmem:$0x3A0] =	vst v1  }
0x34a: {  	v41 =	vld [tilespmem:$0x30];
	v3 =	vadd.s32 $0x3D090, v1;
	[tilespmem:$0x120] =	vst v2  }
0x34b: {  	[tilespmem:$0x1A0] =	vst v3  }
0x34c: {  	v3 =	vadd.s32 $0x5B8D8, v1;
	[tilespmem:$0x420] =	vst v2  }
0x34d: {  	[tilespmem:$0x220] =	vst v3;
	v3 =	vadd.s32 $0x7A120, v1  }
0x34e: {  	[tilespmem:$0x2A0] =	vst v3;
	v3 =	vadd.s32 $0x98968, v1  }
0x34f: {  	v1 =	vshrl.u32 v41, $0x3;
	[tilespmem:$0x320] =	vst v3  }
0x350: {  	[tilespmem:$0xB0] =	vst v1  }
0x351: {  	v2 =	vadd.s32 $0x1E848, v1;
	[tilespmem:$0x3B0] =	vst v1  }
0x352: {  	v42 =	vld [tilespmem:$0x40];
	v3 =	vadd.s32 $0x3D090, v1;
	[tilespmem:$0x130] =	vst v2  }
0x353: {  	[tilespmem:$0x1B0] =	vst v3  }
0x354: {  	v3 =	vadd.s32 $0x5B8D8, v1;
	[tilespmem:$0x430] =	vst v2  }
0x355: {  	[tilespmem:$0x230] =	vst v3;
	v3 =	vadd.s32 $0x7A120, v1  }
0x356: {  	[tilespmem:$0x2B0] =	vst v3;
	v3 =	vadd.s32 $0x98968, v1  }
0x357: {  	v1 =	vshrl.u32 v42, $0x3;
	[tilespmem:$0x330] =	vst v3  }
0x358: {  	[tilespmem:$0xC0] =	vst v1  }
0x359: {  	v2 =	vadd.s32 $0x1E848, v1;
	[tilespmem:$0x3C0] =	vst v1  }
0x35a: {  	v43 =	vld [tilespmem:$0x50];
	v3 =	vadd.s32 $0x3D090, v1;
	[tilespmem:$0x140] =	vst v2  }
0x35b: {  	[tilespmem:$0x1C0] =	vst v3  }
0x35c: {  	v3 =	vadd.s32 $0x5B8D8, v1;
	[tilespmem:$0x440] =	vst v2  }
0x35d: {  	[tilespmem:$0x240] =	vst v3;
	v3 =	vadd.s32 $0x7A120, v1  }
0x35e: {  	[tilespmem:$0x2C0] =	vst v3;
	v3 =	vadd.s32 $0x98968, v1  }
0x35f: {  	v1 =	vshrl.u32 v43, $0x3;
	[tilespmem:$0x340] =	vst v3  }
0x360: {  	[tilespmem:$0xD0] =	vst v1  }
0x361: {  	v2 =	vadd.s32 $0x1E848, v1;
	[tilespmem:$0x3D0] =	vst v1  }
0x362: {  	v44 =	vld [tilespmem:$0x60];
	v3 =	vadd.s32 $0x3D090, v1;
	[tilespmem:$0x150] =	vst v2  }
0x363: {  	[tilespmem:$0x1D0] =	vst v3  }
0x364: {  	v3 =	vadd.s32 $0x5B8D8, v1;
	[tilespmem:$0x450] =	vst v2  }
0x365: {  	[tilespmem:$0x250] =	vst v3;
	v3 =	vadd.s32 $0x7A120, v1  }
0x366: {  	[tilespmem:$0x2D0] =	vst v3;
	v3 =	vadd.s32 $0x98968, v1  }
0x367: {  	v1 =	vshrl.u32 v44, $0x3;
	[tilespmem:$0x350] =	vst v3  }
0x368: {  	[tilespmem:$0xE0] =	vst v1  }
0x369: {  	v2 =	vadd.s32 $0x1E848, v1;
	[tilespmem:$0x3E0] =	vst v1  }
0x36a: {  	v45 =	vld [tilespmem:$0x70];
	v3 =	vadd.s32 $0x3D090, v1;
	[tilespmem:$0x160] =	vst v2  }
0x36b: {  	[tilespmem:$0x1E0] =	vst v3  }
0x36c: {  	v3 =	vadd.s32 $0x5B8D8, v1;
	[tilespmem:$0x460] =	vst v2  }
0x36d: {  	[tilespmem:$0x260] =	vst v3;
	v3 =	vadd.s32 $0x7A120, v1  }
0x36e: {  	[tilespmem:$0x2E0] =	vst v3;
	v3 =	vadd.s32 $0x98968, v1  }
0x36f: {  	v1 =	vshrl.u32 v45, $0x3;
	[tilespmem:$0x360] =	vst v3  }
0x370: {  	[tilespmem:$0xF0] =	vst v1  }
0x371: {  	v2 =	vadd.s32 $0x1E848, v1;
	[tilespmem:$0x3F0] =	vst v1  }
0x372: {  	v3 =	vadd.s32 $0x3D090, v1;
	[tilespmem:$0x170] =	vst v2  }
0x373: {  	[tilespmem:$0x1F0] =	vst v3  }
0x374: {  	v3 =	vadd.s32 $0x5B8D8, v1;
	[tilespmem:$0x470] =	vst v2  }
0x375: {  	[tilespmem:$0x270] =	vst v3;
	v3 =	vadd.s32 $0x7A120, v1  }
0x376: {  	[tilespmem:$0x2F0] =	vst v3;
	v3 =	vadd.s32 $0x98968, v1  }
0x377: {  	[tilespmem:$0x370] =	vst v3  }
0x378: {  	[tilespmem:s20], [sflag:$0x1] =	stream.indirect.gather [hbm4b:s3+s19], $0x8, s19, s19, $0xb8;
	[tilespmem:$0x3080] =	vst v63  }
0x379: {  	_ = 	snop  }
0x37a: {  	[tilespmem:s22], [sflag:$0x1] =	stream.indirect.gather [hbm4b:s3+s19], $0x8, s21, s19, $0xb8;
	[tilespmem:$0x3080] =	vst v63  }
0x37b: {  	_ = 	snop  }
0x37c: {  	[tilespmem:s24], [sflag:$0x1] =	stream.indirect.gather [hbm4b:s3+s19], $0x8, s23, s19, $0xb8;
	[tilespmem:$0x3080] =	vst v63  }
0x37d: {  	_ = 	snop  }
0x37e: {  	[tilespmem:s26], [sflag:$0x1] =	stream.indirect.gather [hbm4b:s3+s19], $0x8, s25, s19, $0xb8;
	[tilespmem:$0x3080] =	vst v63  }
0x37f: {  	_ = 	snop  }
0x380: {  	[tilespmem:s29], [sflag:$0x1] =	stream.indirect.gather [hbm4b:s3+s19], $0x8, s28, s19, $0xb8;
	[tilespmem:$0x3080] =	vst v63  }
0x381: {  	_ = 	snop  }
0x382: {  	[tilespmem:s31], [sflag:$0x1] =	stream.indirect.gather [hbm4b:s3+s19], $0x8, s30, s19, $0xb8;
	[tilespmem:$0x3080] =	vst v63  }
0x383: {  	_ = 	snop  }
0x384: {  	[tilespmem:s1], [sflag:$0x1] =	stream.indirect.gather [hbm4b:s4+s19], $0x8, s0, s19, $0xb8;
	[tilespmem:$0x3080] =	vst v63  }
0x385: {  	_ = 	snop  }
0x386: {  	[tilespmem:s7], [sflag:$0x1] =	stream.indirect.gather [hbm4b:s4+s19], $0x8, s6, s19, $0xb8;
	[tilespmem:$0x3080] =	vst v63  }
0x387: {  	_ =	swait.ge [sflag:s8], $0x400  }
0x388: {  	[sflag:s8] =	ssyncset.done $0x0  }
0x389: {  	[sflag:s8] =	ssyncadd.s32 $0xFFFFFC00  }
0x38a: {  	_ =	swait.ge [sflag:s8], $0x400  }
0x38b: {  	[sflag:s8] =	ssyncset.done $0x0  }
0x38c: {  	[sflag:s8] =	ssyncadd.s32 $0xFFFFFC00  }
0x38d: {  	_ =	swait.ge [sflag:s8], $0x400  }
0x38e: {  	[sflag:s8] =	ssyncset.done $0x0  }
0x38f: {  	[sflag:s8] =	ssyncadd.s32 $0xFFFFFC00  }
0x390: {  	_ =	swait.ge [sflag:s8], $0x400  }
0x391: {  	[sflag:s8] =	ssyncset.done $0x0  }
0x392: {  	[sflag:s8] =	ssyncadd.s32 $0xFFFFFC00  }
0x393: {  	_ =	swait.ge [sflag:s8], $0x400  }
0x394: {  	[sflag:s8] =	ssyncset.done $0x0  }
0x395: {  	[sflag:s8] =	ssyncadd.s32 $0xFFFFFC00  }
0x396: {  	_ =	swait.ge [sflag:s8], $0x400  }
0x397: {  	[sflag:s8] =	ssyncset.done $0x0  }
0x398: {  	[sflag:s8] =	ssyncadd.s32 $0xFFFFFC00  }
0x399: {  	_ =	swait.ge [sflag:s8], $0x400  }
0x39a: {  	[sflag:s8] =	ssyncset.done $0x0  }
0x39b: {  	[sflag:s8] =	ssyncadd.s32 $0xFFFFFC00  }
0x39c: {  	_ =	swait.ge [sflag:s8], $0x400  }
0x39d: {  	[sflag:s8] =	ssyncset.done $0x0  }
0x39e: {  	[sflag:s8] =	ssyncadd.s32 $0xFFFFFC00  }
0x39f: {  	v1 =	vld [tilespmem:s12+$0x0];
	_ =	sdelay $0x3  }
0x3a0: {  	v2 =	vor.u32 s12, v0  }
0x3a1: {  	v3 =	vshll.u32 v2, $0x3;
	v1 =	vand.u32 $0x7, v1  }
0x3a2: {  	v1 =	vor.u32 v3, v1;
	_ =	sdelay $0x4  }
0x3a3: {  	v46 =	vld.idx.msk [tilespmem:v1+s20+$0x0], $0xffff  }
0x3a4: {  	v5 =	vld.idx.msk [tilespmem:v1+s22+$0x0], $0xffff;
	_ =	sdelay $0x1  }
0x3a5: {  	v6 =	vld.idx.msk [tilespmem:v1+s24+$0x0], $0xffff;
	_ =	sdelay $0x2  }
0x3a6: {  	v7 =	vmul.f32 v46, v46;
	v8 =	vmul.f32 v5, v5;
	_ =	sdelay $0x1  }
0x3a7: {  	v9 =	vmul.f32 v6, v6;
	v7 =	vadd.f32 v8, v7;
	_ =	sdelay $0x1  }
0x3a8: {  	v7 =	vadd.f32 v9, v7;
	_ =	sdelay $0x1  }
0x3a9: {  	v47 =	vshrl.u32 v7, $0x1;
	v7 =	vmul.f32 $5.000000000e-01, v7  }
0x3aa: {  	v8 =	vsub.s32 $0x5F3759DF, v47  }
0x3ab: {  	v48 =	vmul.f32 v8, v7;
	_ =	sdelay $0x1  }
0x3ac: {  	v9 =	vmul.f32 v8, v48;
	_ =	sdelay $0x1  }
0x3ad: {  	v9 =	vsub.f32 $1.500000000e+00, v9;
	_ =	sdelay $0x1  }
0x3ae: {  	v8 =	vmul.f32 v8, v9;
	_ =	sdelay $0x1  }
0x3af: {  	v9 =	vmul.f32 v8, v7;
	_ =	sdelay $0x1  }
0x3b0: {  	v9 =	vmul.f32 v9, v8;
	_ =	sdelay $0x1  }
0x3b1: {  	v9 =	vsub.f32 $1.500000000e+00, v9;
	_ =	sdelay $0x1  }
0x3b2: {  	v8 =	vmul.f32 v9, v8;
	_ =	sdelay $0x1  }
0x3b3: {  	v7 =	vmul.f32 v8, v7;
	_ =	sdelay $0x1  }
0x3b4: {  	v7 =	vmul.f32 v7, v8;
	_ =	sdelay $0x1  }
0x3b5: {  	v49 =	vld.idx.msk [tilespmem:v1+s29+$0x0], $0xffff;
	v7 =	vsub.f32 $1.500000000e+00, v7  }
0x3b6: {  	v10 =	vld.idx.msk [tilespmem:v1+s26+$0x0], $0xffff  }
0x3b7: {  	v7 =	vmul.f32 v7, v8  }
0x3b8: {  	v50 =	vld.idx.msk [tilespmem:v1+s31+$0x0], $0xffff  }
0x3b9: {  	v4 =	vmul.f32 v7, v46;
	v5 =	vmul.f32 v7, v5  }
0x3ba: {  	v6 =	vmul.f32 v7, v6  }
0x3bb: {  	v51 =	vmul.f32 v4, v10;
	v11 =	vmul.f32 v5, v49;
	_ =	sdelay $0x1  }
0x3bc: {  	v12 =	vmul.f32 v6, v50;
	v7 =	vadd.f32 v11, v51;
	_ =	sdelay $0x1  }
0x3bd: {  	v7 =	vadd.f32 v7, v12;
	_ =	sdelay $0x1  }
0x3be: {  	v52 =	vmul.f32 v7, v4;
	v12 =	vmul.f32 v7, v5;
	_ =	sdelay $0x1  }
0x3bf: {  	v7 =	vmul.f32 v7, v6;
	v10 =	vsub.f32 v10, v52;
	v9 =	vsub.f32 v49, v12;
	_ =	sdelay $0x1  }
0x3c0: {  	v7 =	vsub.f32 v50, v7;
	v53 =	vmul.f32 v10, v10;
	v54 =	vmul.f32 v9, v9;
	_ =	sdelay $0x1  }
0x3c1: {  	v55 =	vmul.f32 v7, v7;
	v8 =	vadd.f32 v54, v53;
	_ =	sdelay $0x1  }
0x3c2: {  	v8 =	vadd.f32 v8, v55;
	_ =	sdelay $0x1  }
0x3c3: {  	v56 =	vshrl.u32 v8, $0x1;
	v8 =	vmul.f32 $5.000000000e-01, v8  }
0x3c4: {  	v11 =	vsub.s32 $0x5F3759DF, v56  }
0x3c5: {  	v57 =	vmul.f32 v11, v8;
	_ =	sdelay $0x1  }
0x3c6: {  	v12 =	vmul.f32 v11, v57;
	_ =	sdelay $0x1  }
0x3c7: {  	v12 =	vsub.f32 $1.500000000e+00, v12;
	_ =	sdelay $0x1  }
0x3c8: {  	v11 =	vmul.f32 v11, v12;
	_ =	sdelay $0x1  }
0x3c9: {  	v12 =	vmul.f32 v11, v8;
	_ =	sdelay $0x1  }
0x3ca: {  	v12 =	vmul.f32 v12, v11;
	_ =	sdelay $0x1  }
0x3cb: {  	v12 =	vsub.f32 $1.500000000e+00, v12;
	_ =	sdelay $0x1  }
0x3cc: {  	v11 =	vmul.f32 v12, v11;
	_ =	sdelay $0x1  }
0x3cd: {  	v8 =	vmul.f32 v11, v8;
	_ =	sdelay $0x1  }
0x3ce: {  	v8 =	vmul.f32 v8, v11;
	_ =	sdelay $0x1  }
0x3cf: {  	v2 =	vshll.u32 v2, $0x4;
	v8 =	vsub.f32 $1.500000000e+00, v8  }
0x3d0: {  	v58 =	vor.u32 $0x1, v2  }
0x3d1: {  	v13 =	vor.u32 $0x2, v2;
	v8 =	vmul.f32 v8, v11  }
0x3d2: {  	v59 =	vor.u32 $0x3, v2  }
0x3d3: {  	v14 =	vor.u32 $0x4, v2;
	v9 =	vmul.f32 v8, v9  }
0x3d4: {  	v15 =	vor.u32 $0x5, v2;
	[tilespmem:v2+s9+$0x0] =	vst.idx.msk $0xffff, v4;
	v10 =	vmul.f32 v8, v10;
	v7 =	vmul.f32 v8, v7  }
0x3d5: {  	v61 =	vor.u32 $0x6, v2;
	[tilespmem:v58+s9+$0x0] =	vst.idx.msk $0xffff, v5;
	v60 =	vmul.f32 v9, v6  }
0x3d6: {  	v16 =	vor.u32 $0x7, v2;
	[tilespmem:v13+s9+$0x0] =	vst.idx.msk $0xffff, v6;
	v62 =	vmul.f32 v10, v5;
	v5 =	vmul.f32 v7, v5  }
0x3d7: {  	v2 =	vor.u32 $0x8, v2;
	[tilespmem:v59+s9+$0x0] =	vst.idx.msk $0xffff, v10;
	v6 =	vmul.f32 v10, v6;
	v63 =	vmul.f32 v7, v4  }
0x3d8: {  	v4 =	vmul.f32 v9, v4;
	[tilespmem:v14+s9+$0x0] =	vst.idx.msk $0xffff, v9;
	v5 =	vsub.f32 v5, v60  }
0x3d9: {  	[tilespmem:v15+s9+$0x0] =	vst.idx.msk $0xffff, v7;
	v6 =	vsub.f32 v6, v63  }
0x3da: {  	v4 =	vsub.f32 v4, v62;
	[tilespmem:v61+s9+$0x0] =	vst.idx.msk $0xffff, v5  }
0x3db: {  	[tilespmem:v16+s9+$0x0] =	vst.idx.msk $0xffff, v6  }
0x3dc: {  	[tilespmem:v2+s9+$0x0] =	vst.idx.msk $0xffff, v4  }
0x3dd: {  	v2 =	vld.idx.msk [tilespmem:v1+s1+$0x0], $0xffff;
	_ =	sdelay $0x4  }
0x3de: {  	[tilespmem:v3+s10+$0x0] =	vst.idx.msk $0xffff, v2  }
0x3df: {  	s13 =	simm.s32 $0x10;
	v2 =	vld.idx.msk [tilespmem:v1+s7+$0x0], $0xffff;
	v1 =	vor.u32 $0x1, v3  }
.LBB2_8:
0x3e0: {  	_ = 	snop  }
0x3e1: {  	p0 =	sne.s32 s13, $0x70  }
0x3e2: {  	s12 =	sadd.s32 $0x10, s12;
	s14 =	smov.u32 s13;
	s13 =	sadd.s32 $0x10, s13  }
0x3e3: {  	_ = 	snop  }
0x3e4: {  	[tilespmem:v1+s10+$0x0] =	vst.idx.msk $0xffff, v2  }
0x3e5: {  	v1 =	vld [tilespmem:s12+$0x0];
	_ =	sdelay $0x3  }
0x3e6: {  	v3 =	vor.u32 s14, v0  }
0x3e7: {  	v2 =	vand.u32 $0x7, v1;
	v1 =	vshll.u32 v3, $0x3  }
0x3e8: {  	v2 =	vor.u32 v1, v2;
	_ =	sdelay $0x4  }
0x3e9: {  	v4 =	vld.idx.msk [tilespmem:v2+s20+$0x0], $0xffff  }
0x3ea: {  	v5 =	vld.idx.msk [tilespmem:v2+s22+$0x0], $0xffff  }
0x3eb: {  	v6 =	vld.idx.msk [tilespmem:v2+s24+$0x0], $0xffff;
	_ =	sdelay $0x3  }
0x3ec: {  	v7 =	vmul.f32 v4, v4  }
0x3ed: {  	v8 =	vmul.f32 v5, v5  }
0x3ee: {  	v9 =	vmul.f32 v6, v6  }
0x3ef: {  	v7 =	vadd.f32 v8, v7;
	_ =	sdelay $0x1  }
0x3f0: {  	v7 =	vadd.f32 v9, v7;
	_ =	sdelay $0x1  }
0x3f1: {  	v8 =	vshrl.u32 v7, $0x1;
	v7 =	vmul.f32 $5.000000000e-01, v7  }
0x3f2: {  	v8 =	vsub.s32 $0x5F3759DF, v8  }
0x3f3: {  	v9 =	vmul.f32 v8, v7;
	_ =	sdelay $0x1  }
0x3f4: {  	v9 =	vmul.f32 v8, v9;
	_ =	sdelay $0x1  }
0x3f5: {  	v9 =	vsub.f32 $1.500000000e+00, v9;
	_ =	sdelay $0x1  }
0x3f6: {  	v8 =	vmul.f32 v8, v9;
	_ =	sdelay $0x1  }
0x3f7: {  	v9 =	vmul.f32 v8, v7;
	_ =	sdelay $0x1  }
0x3f8: {  	v9 =	vmul.f32 v9, v8;
	_ =	sdelay $0x1  }
0x3f9: {  	v9 =	vsub.f32 $1.500000000e+00, v9;
	_ =	sdelay $0x1  }
0x3fa: {  	v8 =	vmul.f32 v9, v8;
	_ =	sdelay $0x1  }
0x3fb: {  	v7 =	vmul.f32 v8, v7;
	_ =	sdelay $0x1  }
0x3fc: {  	v7 =	vmul.f32 v7, v8  }
0x3fd: {  	v9 =	vld.idx.msk [tilespmem:v2+s29+$0x0], $0xffff  }
0x3fe: {  	v7 =	vsub.f32 $1.500000000e+00, v7;
	v10 =	vld.idx.msk [tilespmem:v2+s26+$0x0], $0xffff  }
0x3ff: {  	v11 =	vld.idx.msk [tilespmem:v2+s31+$0x0], $0xffff  }
0x400: {  	v7 =	vmul.f32 v7, v8;
	_ =	sdelay $0x1  }
0x401: {  	v4 =	vmul.f32 v7, v4;
	v5 =	vmul.f32 v7, v5  }
0x402: {  	v6 =	vmul.f32 v7, v6  }
0x403: {  	v7 =	vmul.f32 v4, v10;
	v8 =	vmul.f32 v5, v9  }
0x404: {  	v12 =	vmul.f32 v6, v11  }
0x405: {  	v7 =	vadd.f32 v8, v7;
	_ =	sdelay $0x1  }
0x406: {  	v7 =	vadd.f32 v7, v12;
	_ =	sdelay $0x1  }
0x407: {  	v8 =	vmul.f32 v7, v4;
	v12 =	vmul.f32 v7, v5  }
0x408: {  	v7 =	vmul.f32 v7, v6  }
0x409: {  	v8 =	vsub.f32 v10, v8;
	v9 =	vsub.f32 v9, v12  }
0x40a: {  	v7 =	vsub.f32 v11, v7  }
0x40b: {  	v10 =	vmul.f32 v8, v8;
	v11 =	vmul.f32 v9, v9  }
0x40c: {  	v12 =	vmul.f32 v7, v7  }
0x40d: {  	v10 =	vadd.f32 v11, v10;
	_ =	sdelay $0x1  }
0x40e: {  	v10 =	vadd.f32 v10, v12;
	_ =	sdelay $0x1  }
0x40f: {  	v11 =	vshrl.u32 v10, $0x1;
	v10 =	vmul.f32 $5.000000000e-01, v10  }
0x410: {  	v11 =	vsub.s32 $0x5F3759DF, v11  }
0x411: {  	v12 =	vmul.f32 v11, v10;
	_ =	sdelay $0x1  }
0x412: {  	v12 =	vmul.f32 v11, v12;
	_ =	sdelay $0x1  }
0x413: {  	v12 =	vsub.f32 $1.500000000e+00, v12;
	_ =	sdelay $0x1  }
0x414: {  	v11 =	vmul.f32 v11, v12;
	_ =	sdelay $0x1  }
0x415: {  	v12 =	vmul.f32 v11, v10;
	_ =	sdelay $0x1  }
0x416: {  	v12 =	vmul.f32 v12, v11;
	_ =	sdelay $0x1  }
0x417: {  	v12 =	vsub.f32 $1.500000000e+00, v12;
	_ =	sdelay $0x1  }
0x418: {  	v11 =	vmul.f32 v12, v11;
	_ =	sdelay $0x1  }
0x419: {  	v10 =	vmul.f32 v11, v10;
	_ =	sdelay $0x1  }
0x41a: {  	v3 =	vshll.u32 v3, $0x4;
	v10 =	vmul.f32 v10, v11  }
0x41b: {  	v12 =	vor.u32 $0x1, v3  }
0x41c: {  	v13 =	vor.u32 $0x2, v3;
	v10 =	vsub.f32 $1.500000000e+00, v10  }
0x41d: {  	v14 =	vor.u32 $0x3, v3  }
0x41e: {  	v10 =	vmul.f32 v10, v11;
	v11 =	vor.u32 $0x4, v3  }
0x41f: {  	v15 =	vor.u32 $0x5, v3;
	[tilespmem:v3+s9+$0x0] =	vst.idx.msk $0xffff, v4  }
0x420: {  	v8 =	vmul.f32 v10, v8;
	v9 =	vmul.f32 v10, v9;
	[tilespmem:v12+s9+$0x0] =	vst.idx.msk $0xffff, v5  }
0x421: {  	v7 =	vmul.f32 v10, v7;
	[tilespmem:v13+s9+$0x0] =	vst.idx.msk $0xffff, v6  }
0x422: {  	v10 =	vmul.f32 v9, v6;
	v12 =	vmul.f32 v8, v5;
	v13 =	vor.u32 $0x6, v3;
	[tilespmem:v14+s9+$0x0] =	vst.idx.msk $0xffff, v8  }
0x423: {  	v5 =	vmul.f32 v7, v5;
	v14 =	vmul.f32 v7, v4;
	[tilespmem:v11+s9+$0x0] =	vst.idx.msk $0xffff, v9;
	v11 =	vor.u32 $0x7, v3  }
0x424: {  	v6 =	vmul.f32 v8, v6;
	v4 =	vmul.f32 v9, v4;
	v3 =	vor.u32 $0x8, v3;
	[tilespmem:v15+s9+$0x0] =	vst.idx.msk $0xffff, v7  }
0x425: {  	v5 =	vsub.f32 v5, v10  }
0x426: {  	v6 =	vsub.f32 v6, v14;
	v4 =	vsub.f32 v4, v12  }
0x427: {  	[tilespmem:v13+s9+$0x0] =	vst.idx.msk $0xffff, v5  }
0x428: {  	[tilespmem:v11+s9+$0x0] =	vst.idx.msk $0xffff, v6  }
0x429: {  	[tilespmem:v3+s9+$0x0] =	vst.idx.msk $0xffff, v4  }
0x42a: {  	v3 =	vld.idx.msk [tilespmem:v2+s1+$0x0], $0xffff;
	_ =	sdelay $0x3  }
.Ltmp3:
0x42b: {  	(pc) =	sbr.rel @p0 .LBB2_8-.Ltmp3, $4  }
0x42c: {  	_ = 	snop  }
0x42d: {  	[tilespmem:v1+s10+$0x0] =	vst.idx.msk $0xffff, v3  }
0x42e: {  	v2 =	vld.idx.msk [tilespmem:v2+s7+$0x0], $0xffff  }
0x42f: {  	v1 =	vor.u32 $0x1, v1  }
0x430: {  	_ =	sdelay $0x3  }
0x431: {  	[tilespmem:v1+s10+$0x0] =	vst.idx.msk $0xffff, v2  }
0x432: {  	[hbm4b:s15+s2] =	stream.linear.scatter [tilespmem:s9], [sflag:$0x2], $0x800, $0x38;
	[tilespmem:$0x3080] =	vst v63  }
0x433: {  	s11 =	sadd.s32 $0x1, s11;
	_ =	swait.ge [sflag:s18], $0x800  }
0x434: {  	p0 =	sne.s32 s11, s17;
	[sflag:s18] =	ssyncset.done $0x0  }
.Ltmp4:
0x435: {  	[sflag:s18] =	ssyncadd.s32 $0xFFFFF800;
	(pc) =	sbr.rel @p0 .LBB2_1-.Ltmp4, $4  }
0x436: {  	[hbm4b:s16+s2] =	stream.linear.scatter [tilespmem:s10], [sflag:$0x2], $0x400, $0x38;
	[tilespmem:$0x3080] =	vst v63  }
0x437: {  	_ =	swait.ge [sflag:s18], $0x400  }
0x438: {  	[sflag:s18] =	ssyncset.done $0x0  }
0x439: {  	[sflag:s18] =	ssyncadd.s32 $0xFFFFFC00  }
0x43a: {  	_ =	sfence.sel $0x180000  }
0x43b: {  	[bflag:$0x0] =	sbarrier.arrive $0xFFFF  }
0x43c: {  	_ =	strace $0x90000047  }
0x43d: {  	s0 =	stileid.u32;
	[bflag:$0x2] =	sbarrier.arrive $0xFFFF  }
0x43e: {  	p0 =	sne.s32 s0, $0x0;
	s0 =	rddreg [dreg:$0x3]  }
0x43f: {  	s0 =	sadd.s32 @!p0 $0x100000, s0  }
0x440: {  	[sflag:s0] =	ssyncadd.tile.s32 @!p0 $0x1;
	_ =	shalt  }
.Lfunc_end2:
_tile_overlayer_lowered:
.L_overlay_start_2:
0x441: {  	(tag) =	ssettag $0x2  }
0x442: {  	s0 =	rddreg [dreg:$0x0];
	s2 =	stileid.u32  }
0x443: {  	s1 =	rddreg [dreg:$0x1];
	p0 =	sne.s32 s2, $0x0  }
0x444: {  	s3 =	rddreg [dreg:$0x2];
	[bflag:$0x3] =	sbarrier.arrive $0xFFFF;
	s2 =	simm.s32 @!p0 $0x1C02  }
0x445: {  	[timem:s3], [sflag:s2] =	dma.local @!p0 [hbm:s0], s1  }
0x446: {  	s0 =	simm.s32 @!p0 $0x2  }
0x447: {  	_ =	swait.ge @!p0 [sflag:s0], s1  }
0x448: {  	s1 =	ssub.s32 @!p0 $0x0, s1;
	[sflag:s0] =	ssyncset.done @!p0 $0x0  }
0x449: {  	[sflag:s0] =	ssyncadd.s32 @!p0 s1  }
0x44a: {  	[bflag:$0x3] =	sbarrier.arrive $0xFFFF  }
0x44b: {  	_ =	shalt  }

</sc_bundles>
